<compile_context>
chip_gen: v7x
topology: tpu7x:2x2x1
jax: 0.10.2.dev20260603
libtpu: 0.0.44.dev20260713+nightly
codegen_flags: <defaults>
</compile_context>

<pallas_src>
import functools

import jax
import jax.numpy as jnp
from jax import lax
from jax.experimental import pallas as pl
from jax.experimental.pallas import tpu as pltpu
from jax.experimental.pallas import tpu_sc as plsc

NC = 2
NS = 16
NW = NC * NS
CHUNK = 128
NBUF = 8


def _embed_kernel(n_fields, vocab, dim, batch):
    n_rows = n_fields * batch
    chunks_per_field = batch // CHUNK
    per_w = (n_rows // CHUNK) // NW
    n_groups = per_w // NBUF
    mesh = plsc.VectorSubcoreMesh(core_axis_name="c", subcore_axis_name="s")

    @functools.partial(
        pl.kernel,
        mesh=mesh,
        compiler_params=pltpu.CompilerParams(use_tc_tiling_on_sc=False),
        out_type=jax.ShapeDtypeStruct((batch, n_fields * dim), jnp.float32),
        scratch_types=(
            [pltpu.VMEM((NBUF, CHUNK), jnp.int32)]
            + [pltpu.VMEM((CHUNK, dim), jnp.float32) for _ in range(NBUF)]
            + [pltpu.SemaphoreType.DMA for _ in range(3 * NBUF)]
        ),
    )
    def k(tables_hbm, featsT_hbm, out_hbm, idx_v, *bufs_sems):
        rows = bufs_sems[:NBUF]
        gsem = bufs_sems[NBUF:2 * NBUF]
        osem = bufs_sems[2 * NBUF:3 * NBUF]
        isem = bufs_sems[3 * NBUF:]

        wid = lax.axis_index("s") * NC + lax.axis_index("c")
        c0 = wid * per_w

        def stage_idx(k_, b):
            c = c0 + k_
            f = c // chunks_per_field
            b0 = (c % chunks_per_field) * CHUNK
            pltpu.make_async_copy(
                featsT_hbm.at[f, pl.ds(b0, CHUNK)], idx_v.at[b], isem[b],
            ).start()

        def idx_wait(b):
            pltpu.make_async_copy(
                featsT_hbm.at[0, pl.ds(0, CHUNK)], idx_v.at[b], isem[b],
            ).wait()

        def out_slice(k_):
            c = c0 + k_
            f = c // chunks_per_field
            b0 = (c % chunks_per_field) * CHUNK
            return out_hbm.at[pl.ds(b0, CHUNK), pl.ds(f * dim, dim)]

        def gather(k_, b):
            c = c0 + k_
            f = c // chunks_per_field
            pltpu.make_async_copy(
                tables_hbm.at[f].at[idx_v.at[b]], rows[b], gsem[b],
            ).start()

        def drain_and_put(k_, b):
            pltpu.make_async_copy(
                tables_hbm.at[0].at[idx_v.at[b]], rows[b], gsem[b],
            ).wait()
            pltpu.make_async_copy(rows[b], out_slice(k_), osem[b]).start()
            @pl.when(k_ + NBUF < per_w)
            def _():
                stage_idx(k_ + NBUF, b)

        def out_wait(k_, b):
            pltpu.make_async_copy(rows[b], out_slice(k_), osem[b]).wait()

        for b in range(NBUF):
            stage_idx(b, b)

        def group(g, carry):
            for b in range(NBUF):
                k_ = g * NBUF + b

                @pl.when(g > 0)
                def _():
                    out_wait(k_ - NBUF, b)

                idx_wait(b)
                gather(k_, b)
            for b in range(NBUF):
                drain_and_put(g * NBUF + b, b)
            return carry

        lax.fori_loop(0, n_groups, group, 0)
        for b in range(NBUF):
            out_wait((n_groups - 1) * NBUF + b, b)

    return k


def kernel(features, tables):
    b, f = features.shape
    f2, vocab, dim = tables.shape
    assert f == f2
    n_chunks = b * f // CHUNK
    assert b % CHUNK == 0 and n_chunks % (NW * NBUF) == 0

    feats_t = features.astype(jnp.int32).T
    return _embed_kernel(f, vocab, dim, b)(tables, feats_t)

# --- scband reference (transcript-rebuilt; emitter-appended) ---
"""Pipeline reference for scband-feature-embedder-32323923869734 (READ-ONLY COPY).

The authoritative reference and input builder live on the scoring server;
editing this copy changes nothing except your own understanding.
"""

import jax, jax.numpy as jnp
import numpy as np

NUM_FIELDS = 26
VOCAB = 100000
EMBED_DIM = 32
BATCH = 16384

def setup_inputs(seed: int = 0) -> dict:
    key = jax.random.key(seed)
    k1, k2 = jax.random.split(key)
    features = jax.random.randint(k1, (BATCH, NUM_FIELDS), 0, VOCAB, dtype=jnp.int64 if jax.config.jax_enable_x64 else jnp.int32)
    # One embedding table per field; all same (cardinality, dim) so stacked into [F, V, D]
    tables = jax.random.normal(k2, (NUM_FIELDS, VOCAB, EMBED_DIM), dtype=jnp.float32)
    return {"features": features, "tables": tables}

def reference(features, tables):
    # Faithful translation of FeatureEmbedder.forward:
    # chunk features along last dim into NUM_FIELDS slices of width 1,
    # squeeze, embed each with its own table, concat along last dim.
    outs = []
    for i in range(NUM_FIELDS):
        idx = features[:, i]  # chunk + squeeze(-1)
        outs.append(jnp.take(tables[i], idx, axis=0))
    return jnp.concatenate(outs, axis=-1)

if __name__ == "__main__":
    import jax
    _d = setup_inputs()
    print(jax.jit(kernel)(*tuple(_d.values())))

</pallas_src>

<mosaic_0001>
#map = affine_map<(d0, d1) -> (0, 0, 0)>
#map1 = affine_map<(d0, d1) -> (0, 0)>
module attributes {stable_mosaic.version = 14 : i64} {
  func.func @k(%arg0: i32, %arg1: i32, %arg2: memref<26x100000x32xf32, #tpu.memory_space<hbm>>, %arg3: memref<26x16384xi32, #tpu.memory_space<hbm>>, %arg4: memref<16384x832xf32, #tpu.memory_space<hbm>>, %arg5: memref<8x128xi32, #tpu.memory_space<vmem>>, %arg6: memref<128x32xf32, #tpu.memory_space<vmem>>, %arg7: memref<128x32xf32, #tpu.memory_space<vmem>>, %arg8: memref<128x32xf32, #tpu.memory_space<vmem>>, %arg9: memref<128x32xf32, #tpu.memory_space<vmem>>, %arg10: memref<128x32xf32, #tpu.memory_space<vmem>>, %arg11: memref<128x32xf32, #tpu.memory_space<vmem>>, %arg12: memref<128x32xf32, #tpu.memory_space<vmem>>, %arg13: memref<128x32xf32, #tpu.memory_space<vmem>>, %arg14: memref<!tpu.dma_semaphore, #tpu.memory_space<semaphore_mem>>, %arg15: memref<!tpu.dma_semaphore, #tpu.memory_space<semaphore_mem>>, %arg16: memref<!tpu.dma_semaphore, #tpu.memory_space<semaphore_mem>>, %arg17: memref<!tpu.dma_semaphore, #tpu.memory_space<semaphore_mem>>, %arg18: memref<!tpu.dma_semaphore, #tpu.memory_space<semaphore_mem>>, %arg19: memref<!tpu.dma_semaphore, #tpu.memory_space<semaphore_mem>>, %arg20: memref<!tpu.dma_semaphore, #tpu.memory_space<semaphore_mem>>, %arg21: memref<!tpu.dma_semaphore, #tpu.memory_space<semaphore_mem>>, %arg22: memref<!tpu.dma_semaphore, #tpu.memory_space<semaphore_mem>>, %arg23: memref<!tpu.dma_semaphore, #tpu.memory_space<semaphore_mem>>, %arg24: memref<!tpu.dma_semaphore, #tpu.memory_space<semaphore_mem>>, %arg25: memref<!tpu.dma_semaphore, #tpu.memory_space<semaphore_mem>>, %arg26: memref<!tpu.dma_semaphore, #tpu.memory_space<semaphore_mem>>, %arg27: memref<!tpu.dma_semaphore, #tpu.memory_space<semaphore_mem>>, %arg28: memref<!tpu.dma_semaphore, #tpu.memory_space<semaphore_mem>>, %arg29: memref<!tpu.dma_semaphore, #tpu.memory_space<semaphore_mem>>, %arg30: memref<!tpu.dma_semaphore, #tpu.memory_space<semaphore_mem>>, %arg31: memref<!tpu.dma_semaphore, #tpu.memory_space<semaphore_mem>>, %arg32: memref<!tpu.dma_semaphore, #tpu.memory_space<semaphore_mem>>, %arg33: memref<!tpu.dma_semaphore, #tpu.memory_space<semaphore_mem>>, %arg34: memref<!tpu.dma_semaphore, #tpu.memory_space<semaphore_mem>>, %arg35: memref<!tpu.dma_semaphore, #tpu.memory_space<semaphore_mem>>, %arg36: memref<!tpu.dma_semaphore, #tpu.memory_space<semaphore_mem>>, %arg37: memref<!tpu.dma_semaphore, #tpu.memory_space<semaphore_mem>>) attributes {dimension_semantics = [#tpu.dimension_semantics<core_parallel>, #tpu.dimension_semantics<subcore_parallel>], iteration_bounds = array<i64: 2, 16>, scalar_prefetch = 0 : i64, scratch_operands = 33 : i64, tpu.core_type = #tpu.core_type<sc_vector_subcore>, window_params = [{transform_indices = #map}, {transform_indices = #map1}, {transform_indices = #map1}]} {
    %mul3A = arith.constant 2 : i32
    %mul3A_0 = arith.muli %arg1, %mul3A : i32
    %add3A = arith.addi %mul3A_0, %arg0 : i32
    %mul3A_1 = arith.constant 104 : i32
    %mul3A_2 = arith.muli %add3A, %mul3A_1 : i32
    %add3A_3 = arith.constant 0 : i32
    %add3A_4 = arith.addi %mul3A_2, %add3A_3 : i32
    %jit3A = arith.constant 128 : i32
    %div3A = arith.divsi %add3A_4, %jit3A : i32
    %sign3A = arith.constant 0 : i32
    %sign3A_5 = arith.cmpi sgt, %add3A_4, %sign3A : i32
    %sign3A_6 = arith.extui %sign3A_5 : i1 to i32
    %sign3A_7 = arith.constant 0 : i32
    %sign3A_8 = arith.cmpi slt, %add3A_4, %sign3A_7 : i32
    %sign3A_9 = arith.extui %sign3A_8 : i1 to i32
    %sign3A_10 = arith.subi %sign3A_6, %sign3A_9 : i32
    %sign3A_11 = arith.constant 0 : i32
    %sign3A_12 = arith.cmpi sgt, %jit3A, %sign3A_11 : i32
    %sign3A_13 = arith.extui %sign3A_12 : i1 to i32
    %sign3A_14 = arith.constant 0 : i32
    %sign3A_15 = arith.cmpi slt, %jit3A, %sign3A_14 : i32
    %sign3A_16 = arith.extui %sign3A_15 : i1 to i32
    %sign3A_17 = arith.subi %sign3A_13, %sign3A_16 : i32
    %ne3A = arith.cmpi ne, %sign3A_10, %sign3A_17 : i32
    %rem3A = arith.remsi %add3A_4, %jit3A : i32
    %ne3A_18 = arith.constant 0 : i32
    %ne3A_19 = arith.cmpi ne, %rem3A, %ne3A_18 : i32
    %and3A = arith.andi %ne3A, %ne3A_19 : i1
    %sub3A = arith.constant 1 : i32
    %sub3A_20 = arith.subi %div3A, %sub3A : i32
    %select_n3A = arith.select %and3A, %sub3A_20, %div3A : i32
    %jit3A_21 = arith.constant 128 : i32
    %eq3A = arith.constant 0 : i32
    %eq3A_22 = arith.cmpi eq, %jit3A_21, %eq3A : i32
    %jit3A_23 = arith.constant 1 : i32
    %select_n3A_24 = arith.select %eq3A_22, %jit3A_23, %jit3A_21 : i32
    %rem3A_25 = arith.remsi %add3A_4, %select_n3A_24 : i32
    %ne3A_26 = arith.constant 0 : i32
    %ne3A_27 = arith.cmpi ne, %rem3A_25, %ne3A_26 : i32
    %lt3A = arith.constant 0 : i32
    %lt3A_28 = arith.cmpi slt, %rem3A_25, %lt3A : i32
    %lt3A_29 = arith.constant 0 : i32
    %lt3A_30 = arith.cmpi slt, %select_n3A_24, %lt3A_29 : i32
    %ne3A_31 = arith.xori %lt3A_28, %lt3A_30 : i1
    %and3A_32 = arith.andi %ne3A_31, %ne3A_27 : i1
    %add3A_33 = arith.addi %rem3A_25, %select_n3A_24 : i32
    %select_n3A_34 = arith.select %and3A_32, %add3A_33, %rem3A_25 : i32
    %mul3A_35 = arith.constant 128 : i32
    %mul3A_36 = arith.muli %select_n3A_34, %mul3A_35 : i32
    %dma_start3A = arith.constant 0 : i32
    %dma_start3A_37 = arith.constant 0 : i32
    %dma_start3A_38 = tpu.memref_slice %arg5[%dma_start3A, %dma_start3A_37] : memref<8x128xi32, #tpu.memory_space<vmem>> -> memref<1x128xi32, #tpu.memory_space<vmem>>
    %dma_start3A_39 = tpu.memref_squeeze %dma_start3A_38 : memref<1x128xi32, #tpu.memory_space<vmem>> -> memref<128xi32, #tpu.memory_space<vmem>>
    %dma_start3A_40 = tpu.memref_slice %arg3[%select_n3A, %mul3A_36] : memref<26x16384xi32, #tpu.memory_space<hbm>> -> memref<1x128xi32, #tpu.memory_space<hbm>>
    %dma_start3A_41 = tpu.memref_squeeze %dma_start3A_40 : memref<1x128xi32, #tpu.memory_space<hbm>> -> memref<128xi32, #tpu.memory_space<hbm>>
    %dma_start3A_42 = arith.constant 0 : i32
    %dma_start3A_43 = tpu.memref_slice %arg5[%dma_start3A, %dma_start3A_42] : memref<8x128xi32, #tpu.memory_space<vmem>> -> memref<1x128xi32, #tpu.memory_space<vmem>>
    %dma_start3A_44 = tpu.memref_squeeze %dma_start3A_43 : memref<1x128xi32, #tpu.memory_space<vmem>> -> memref<128xi32, #tpu.memory_space<vmem>>
    %dma_start3A_45 = tpu.memref_slice %arg3[%select_n3A, %mul3A_36] : memref<26x16384xi32, #tpu.memory_space<hbm>> -> memref<1x128xi32, #tpu.memory_space<hbm>>
    %dma_start3A_46 = tpu.memref_squeeze %dma_start3A_45 : memref<1x128xi32, #tpu.memory_space<hbm>> -> memref<128xi32, #tpu.memory_space<hbm>>
    tpu.enqueue_dma source(%dma_start3A_46 : memref<128xi32, #tpu.memory_space<hbm>>) target(%dma_start3A_44 : memref<128xi32, #tpu.memory_space<vmem>>) target_semaphore(%arg30 : memref<!tpu.dma_semaphore, #tpu.memory_space<semaphore_mem>>)
    %add3A_47 = arith.constant 1 : i32
    %add3A_48 = arith.addi %mul3A_2, %add3A_47 : i32
    %jit3A_49 = arith.constant 128 : i32
    %div3A_50 = arith.divsi %add3A_48, %jit3A_49 : i32
    %sign3A_51 = arith.constant 0 : i32
    %sign3A_52 = arith.cmpi sgt, %add3A_48, %sign3A_51 : i32
    %sign3A_53 = arith.extui %sign3A_52 : i1 to i32
    %sign3A_54 = arith.constant 0 : i32
    %sign3A_55 = arith.cmpi slt, %add3A_48, %sign3A_54 : i32
    %sign3A_56 = arith.extui %sign3A_55 : i1 to i32
    %sign3A_57 = arith.subi %sign3A_53, %sign3A_56 : i32
    %sign3A_58 = arith.constant 0 : i32
    %sign3A_59 = arith.cmpi sgt, %jit3A_49, %sign3A_58 : i32
    %sign3A_60 = arith.extui %sign3A_59 : i1 to i32
    %sign3A_61 = arith.constant 0 : i32
    %sign3A_62 = arith.cmpi slt, %jit3A_49, %sign3A_61 : i32
    %sign3A_63 = arith.extui %sign3A_62 : i1 to i32
    %sign3A_64 = arith.subi %sign3A_60, %sign3A_63 : i32
    %ne3A_65 = arith.cmpi ne, %sign3A_57, %sign3A_64 : i32
    %rem3A_66 = arith.remsi %add3A_48, %jit3A_49 : i32
    %ne3A_67 = arith.constant 0 : i32
    %ne3A_68 = arith.cmpi ne, %rem3A_66, %ne3A_67 : i32
    %and3A_69 = arith.andi %ne3A_65, %ne3A_68 : i1
    %sub3A_70 = arith.constant 1 : i32
    %sub3A_71 = arith.subi %div3A_50, %sub3A_70 : i32
    %select_n3A_72 = arith.select %and3A_69, %sub3A_71, %div3A_50 : i32
    %jit3A_73 = arith.constant 128 : i32
    %eq3A_74 = arith.constant 0 : i32
    %eq3A_75 = arith.cmpi eq, %jit3A_73, %eq3A_74 : i32
    %jit3A_76 = arith.constant 1 : i32
    %select_n3A_77 = arith.select %eq3A_75, %jit3A_76, %jit3A_73 : i32
    %rem3A_78 = arith.remsi %add3A_48, %select_n3A_77 : i32
    %ne3A_79 = arith.constant 0 : i32
    %ne3A_80 = arith.cmpi ne, %rem3A_78, %ne3A_79 : i32
    %lt3A_81 = arith.constant 0 : i32
    %lt3A_82 = arith.cmpi slt, %rem3A_78, %lt3A_81 : i32
    %lt3A_83 = arith.constant 0 : i32
    %lt3A_84 = arith.cmpi slt, %select_n3A_77, %lt3A_83 : i32
    %ne3A_85 = arith.xori %lt3A_82, %lt3A_84 : i1
    %and3A_86 = arith.andi %ne3A_85, %ne3A_80 : i1
    %add3A_87 = arith.addi %rem3A_78, %select_n3A_77 : i32
    %select_n3A_88 = arith.select %and3A_86, %add3A_87, %rem3A_78 : i32
    %mul3A_89 = arith.constant 128 : i32
    %mul3A_90 = arith.muli %select_n3A_88, %mul3A_89 : i32
    %dma_start3A_91 = arith.constant 1 : i32
    %dma_start3A_92 = arith.constant 0 : i32
    %dma_start3A_93 = tpu.memref_slice %arg5[%dma_start3A_91, %dma_start3A_92] : memref<8x128xi32, #tpu.memory_space<vmem>> -> memref<1x128xi32, #tpu.memory_space<vmem>>
    %dma_start3A_94 = tpu.memref_squeeze %dma_start3A_93 : memref<1x128xi32, #tpu.memory_space<vmem>> -> memref<128xi32, #tpu.memory_space<vmem>>
    %dma_start3A_95 = tpu.memref_slice %arg3[%select_n3A_72, %mul3A_90] : memref<26x16384xi32, #tpu.memory_space<hbm>> -> memref<1x128xi32, #tpu.memory_space<hbm>>
    %dma_start3A_96 = tpu.memref_squeeze %dma_start3A_95 : memref<1x128xi32, #tpu.memory_space<hbm>> -> memref<128xi32, #tpu.memory_space<hbm>>
    %dma_start3A_97 = arith.constant 0 : i32
    %dma_start3A_98 = tpu.memref_slice %arg5[%dma_start3A_91, %dma_start3A_97] : memref<8x128xi32, #tpu.memory_space<vmem>> -> memref<1x128xi32, #tpu.memory_space<vmem>>
    %dma_start3A_99 = tpu.memref_squeeze %dma_start3A_98 : memref<1x128xi32, #tpu.memory_space<vmem>> -> memref<128xi32, #tpu.memory_space<vmem>>
    %dma_start3A_100 = tpu.memref_slice %arg3[%select_n3A_72, %mul3A_90] : memref<26x16384xi32, #tpu.memory_space<hbm>> -> memref<1x128xi32, #tpu.memory_space<hbm>>
    %dma_start3A_101 = tpu.memref_squeeze %dma_start3A_100 : memref<1x128xi32, #tpu.memory_space<hbm>> -> memref<128xi32, #tpu.memory_space<hbm>>
    tpu.enqueue_dma source(%dma_start3A_101 : memref<128xi32, #tpu.memory_space<hbm>>) target(%dma_start3A_99 : memref<128xi32, #tpu.memory_space<vmem>>) target_semaphore(%arg31 : memref<!tpu.dma_semaphore, #tpu.memory_space<semaphore_mem>>)
    %add3A_102 = arith.constant 2 : i32
    %add3A_103 = arith.addi %mul3A_2, %add3A_102 : i32
    %jit3A_104 = arith.constant 128 : i32
    %div3A_105 = arith.divsi %add3A_103, %jit3A_104 : i32
    %sign3A_106 = arith.constant 0 : i32
    %sign3A_107 = arith.cmpi sgt, %add3A_103, %sign3A_106 : i32
    %sign3A_108 = arith.extui %sign3A_107 : i1 to i32
    %sign3A_109 = arith.constant 0 : i32
    %sign3A_110 = arith.cmpi slt, %add3A_103, %sign3A_109 : i32
    %sign3A_111 = arith.extui %sign3A_110 : i1 to i32
    %sign3A_112 = arith.subi %sign3A_108, %sign3A_111 : i32
    %sign3A_113 = arith.constant 0 : i32
    %sign3A_114 = arith.cmpi sgt, %jit3A_104, %sign3A_113 : i32
    %sign3A_115 = arith.extui %sign3A_114 : i1 to i32
    %sign3A_116 = arith.constant 0 : i32
    %sign3A_117 = arith.cmpi slt, %jit3A_104, %sign3A_116 : i32
    %sign3A_118 = arith.extui %sign3A_117 : i1 to i32
    %sign3A_119 = arith.subi %sign3A_115, %sign3A_118 : i32
    %ne3A_120 = arith.cmpi ne, %sign3A_112, %sign3A_119 : i32
    %rem3A_121 = arith.remsi %add3A_103, %jit3A_104 : i32
    %ne3A_122 = arith.constant 0 : i32
    %ne3A_123 = arith.cmpi ne, %rem3A_121, %ne3A_122 : i32
    %and3A_124 = arith.andi %ne3A_120, %ne3A_123 : i1
    %sub3A_125 = arith.constant 1 : i32
    %sub3A_126 = arith.subi %div3A_105, %sub3A_125 : i32
    %select_n3A_127 = arith.select %and3A_124, %sub3A_126, %div3A_105 : i32
    %jit3A_128 = arith.constant 128 : i32
    %eq3A_129 = arith.constant 0 : i32
    %eq3A_130 = arith.cmpi eq, %jit3A_128, %eq3A_129 : i32
    %jit3A_131 = arith.constant 1 : i32
    %select_n3A_132 = arith.select %eq3A_130, %jit3A_131, %jit3A_128 : i32
    %rem3A_133 = arith.remsi %add3A_103, %select_n3A_132 : i32
    %ne3A_134 = arith.constant 0 : i32
    %ne3A_135 = arith.cmpi ne, %rem3A_133, %ne3A_134 : i32
    %lt3A_136 = arith.constant 0 : i32
    %lt3A_137 = arith.cmpi slt, %rem3A_133, %lt3A_136 : i32
    %lt3A_138 = arith.constant 0 : i32
    %lt3A_139 = arith.cmpi slt, %select_n3A_132, %lt3A_138 : i32
    %ne3A_140 = arith.xori %lt3A_137, %lt3A_139 : i1
    %and3A_141 = arith.andi %ne3A_140, %ne3A_135 : i1
    %add3A_142 = arith.addi %rem3A_133, %select_n3A_132 : i32
    %select_n3A_143 = arith.select %and3A_141, %add3A_142, %rem3A_133 : i32
    %mul3A_144 = arith.constant 128 : i32
    %mul3A_145 = arith.muli %select_n3A_143, %mul3A_144 : i32
    %dma_start3A_146 = arith.constant 2 : i32
    %dma_start3A_147 = arith.constant 0 : i32
    %dma_start3A_148 = tpu.memref_slice %arg5[%dma_start3A_146, %dma_start3A_147] : memref<8x128xi32, #tpu.memory_space<vmem>> -> memref<1x128xi32, #tpu.memory_space<vmem>>
    %dma_start3A_149 = tpu.memref_squeeze %dma_start3A_148 : memref<1x128xi32, #tpu.memory_space<vmem>> -> memref<128xi32, #tpu.memory_space<vmem>>
    %dma_start3A_150 = tpu.memref_slice %arg3[%select_n3A_127, %mul3A_145] : memref<26x16384xi32, #tpu.memory_space<hbm>> -> memref<1x128xi32, #tpu.memory_space<hbm>>
    %dma_start3A_151 = tpu.memref_squeeze %dma_start3A_150 : memref<1x128xi32, #tpu.memory_space<hbm>> -> memref<128xi32, #tpu.memory_space<hbm>>
    %dma_start3A_152 = arith.constant 0 : i32
    %dma_start3A_153 = tpu.memref_slice %arg5[%dma_start3A_146, %dma_start3A_152] : memref<8x128xi32, #tpu.memory_space<vmem>> -> memref<1x128xi32, #tpu.memory_space<vmem>>
    %dma_start3A_154 = tpu.memref_squeeze %dma_start3A_153 : memref<1x128xi32, #tpu.memory_space<vmem>> -> memref<128xi32, #tpu.memory_space<vmem>>
    %dma_start3A_155 = tpu.memref_slice %arg3[%select_n3A_127, %mul3A_145] : memref<26x16384xi32, #tpu.memory_space<hbm>> -> memref<1x128xi32, #tpu.memory_space<hbm>>
    %dma_start3A_156 = tpu.memref_squeeze %dma_start3A_155 : memref<1x128xi32, #tpu.memory_space<hbm>> -> memref<128xi32, #tpu.memory_space<hbm>>
    tpu.enqueue_dma source(%dma_start3A_156 : memref<128xi32, #tpu.memory_space<hbm>>) target(%dma_start3A_154 : memref<128xi32, #tpu.memory_space<vmem>>) target_semaphore(%arg32 : memref<!tpu.dma_semaphore, #tpu.memory_space<semaphore_mem>>)
    %add3A_157 = arith.constant 3 : i32
    %add3A_158 = arith.addi %mul3A_2, %add3A_157 : i32
    %jit3A_159 = arith.constant 128 : i32
    %div3A_160 = arith.divsi %add3A_158, %jit3A_159 : i32
    %sign3A_161 = arith.constant 0 : i32
    %sign3A_162 = arith.cmpi sgt, %add3A_158, %sign3A_161 : i32
    %sign3A_163 = arith.extui %sign3A_162 : i1 to i32
    %sign3A_164 = arith.constant 0 : i32
    %sign3A_165 = arith.cmpi slt, %add3A_158, %sign3A_164 : i32
    %sign3A_166 = arith.extui %sign3A_165 : i1 to i32
    %sign3A_167 = arith.subi %sign3A_163, %sign3A_166 : i32
    %sign3A_168 = arith.constant 0 : i32
    %sign3A_169 = arith.cmpi sgt, %jit3A_159, %sign3A_168 : i32
    %sign3A_170 = arith.extui %sign3A_169 : i1 to i32
    %sign3A_171 = arith.constant 0 : i32
    %sign3A_172 = arith.cmpi slt, %jit3A_159, %sign3A_171 : i32
    %sign3A_173 = arith.extui %sign3A_172 : i1 to i32
    %sign3A_174 = arith.subi %sign3A_170, %sign3A_173 : i32
    %ne3A_175 = arith.cmpi ne, %sign3A_167, %sign3A_174 : i32
    %rem3A_176 = arith.remsi %add3A_158, %jit3A_159 : i32
    %ne3A_177 = arith.constant 0 : i32
    %ne3A_178 = arith.cmpi ne, %rem3A_176, %ne3A_177 : i32
    %and3A_179 = arith.andi %ne3A_175, %ne3A_178 : i1
    %sub3A_180 = arith.constant 1 : i32
    %sub3A_181 = arith.subi %div3A_160, %sub3A_180 : i32
    %select_n3A_182 = arith.select %and3A_179, %sub3A_181, %div3A_160 : i32
    %jit3A_183 = arith.constant 128 : i32
    %eq3A_184 = arith.constant 0 : i32
    %eq3A_185 = arith.cmpi eq, %jit3A_183, %eq3A_184 : i32
    %jit3A_186 = arith.constant 1 : i32
    %select_n3A_187 = arith.select %eq3A_185, %jit3A_186, %jit3A_183 : i32
    %rem3A_188 = arith.remsi %add3A_158, %select_n3A_187 : i32
    %ne3A_189 = arith.constant 0 : i32
    %ne3A_190 = arith.cmpi ne, %rem3A_188, %ne3A_189 : i32
    %lt3A_191 = arith.constant 0 : i32
    %lt3A_192 = arith.cmpi slt, %rem3A_188, %lt3A_191 : i32
    %lt3A_193 = arith.constant 0 : i32
    %lt3A_194 = arith.cmpi slt, %select_n3A_187, %lt3A_193 : i32
    %ne3A_195 = arith.xori %lt3A_192, %lt3A_194 : i1
    %and3A_196 = arith.andi %ne3A_195, %ne3A_190 : i1
    %add3A_197 = arith.addi %rem3A_188, %select_n3A_187 : i32
    %select_n3A_198 = arith.select %and3A_196, %add3A_197, %rem3A_188 : i32
    %mul3A_199 = arith.constant 128 : i32
    %mul3A_200 = arith.muli %select_n3A_198, %mul3A_199 : i32
    %dma_start3A_201 = arith.constant 3 : i32
    %dma_start3A_202 = arith.constant 0 : i32
    %dma_start3A_203 = tpu.memref_slice %arg5[%dma_start3A_201, %dma_start3A_202] : memref<8x128xi32, #tpu.memory_space<vmem>> -> memref<1x128xi32, #tpu.memory_space<vmem>>
    %dma_start3A_204 = tpu.memref_squeeze %dma_start3A_203 : memref<1x128xi32, #tpu.memory_space<vmem>> -> memref<128xi32, #tpu.memory_space<vmem>>
    %dma_start3A_205 = tpu.memref_slice %arg3[%select_n3A_182, %mul3A_200] : memref<26x16384xi32, #tpu.memory_space<hbm>> -> memref<1x128xi32, #tpu.memory_space<hbm>>
    %dma_start3A_206 = tpu.memref_squeeze %dma_start3A_205 : memref<1x128xi32, #tpu.memory_space<hbm>> -> memref<128xi32, #tpu.memory_space<hbm>>
    %dma_start3A_207 = arith.constant 0 : i32
    %dma_start3A_208 = tpu.memref_slice %arg5[%dma_start3A_201, %dma_start3A_207] : memref<8x128xi32, #tpu.memory_space<vmem>> -> memref<1x128xi32, #tpu.memory_space<vmem>>
    %dma_start3A_209 = tpu.memref_squeeze %dma_start3A_208 : memref<1x128xi32, #tpu.memory_space<vmem>> -> memref<128xi32, #tpu.memory_space<vmem>>
    %dma_start3A_210 = tpu.memref_slice %arg3[%select_n3A_182, %mul3A_200] : memref<26x16384xi32, #tpu.memory_space<hbm>> -> memref<1x128xi32, #tpu.memory_space<hbm>>
    %dma_start3A_211 = tpu.memref_squeeze %dma_start3A_210 : memref<1x128xi32, #tpu.memory_space<hbm>> -> memref<128xi32, #tpu.memory_space<hbm>>
    tpu.enqueue_dma source(%dma_start3A_211 : memref<128xi32, #tpu.memory_space<hbm>>) target(%dma_start3A_209 : memref<128xi32, #tpu.memory_space<vmem>>) target_semaphore(%arg33 : memref<!tpu.dma_semaphore, #tpu.memory_space<semaphore_mem>>)
    %add3A_212 = arith.constant 4 : i32
    %add3A_213 = arith.addi %mul3A_2, %add3A_212 : i32
    %jit3A_214 = arith.constant 128 : i32
    %div3A_215 = arith.divsi %add3A_213, %jit3A_214 : i32
    %sign3A_216 = arith.constant 0 : i32
    %sign3A_217 = arith.cmpi sgt, %add3A_213, %sign3A_216 : i32
    %sign3A_218 = arith.extui %sign3A_217 : i1 to i32
    %sign3A_219 = arith.constant 0 : i32
    %sign3A_220 = arith.cmpi slt, %add3A_213, %sign3A_219 : i32
    %sign3A_221 = arith.extui %sign3A_220 : i1 to i32
    %sign3A_222 = arith.subi %sign3A_218, %sign3A_221 : i32
    %sign3A_223 = arith.constant 0 : i32
    %sign3A_224 = arith.cmpi sgt, %jit3A_214, %sign3A_223 : i32
    %sign3A_225 = arith.extui %sign3A_224 : i1 to i32
    %sign3A_226 = arith.constant 0 : i32
    %sign3A_227 = arith.cmpi slt, %jit3A_214, %sign3A_226 : i32
    %sign3A_228 = arith.extui %sign3A_227 : i1 to i32
    %sign3A_229 = arith.subi %sign3A_225, %sign3A_228 : i32
    %ne3A_230 = arith.cmpi ne, %sign3A_222, %sign3A_229 : i32
    %rem3A_231 = arith.remsi %add3A_213, %jit3A_214 : i32
    %ne3A_232 = arith.constant 0 : i32
    %ne3A_233 = arith.cmpi ne, %rem3A_231, %ne3A_232 : i32
    %and3A_234 = arith.andi %ne3A_230, %ne3A_233 : i1
    %sub3A_235 = arith.constant 1 : i32
    %sub3A_236 = arith.subi %div3A_215, %sub3A_235 : i32
    %select_n3A_237 = arith.select %and3A_234, %sub3A_236, %div3A_215 : i32
    %jit3A_238 = arith.constant 128 : i32
    %eq3A_239 = arith.constant 0 : i32
    %eq3A_240 = arith.cmpi eq, %jit3A_238, %eq3A_239 : i32
    %jit3A_241 = arith.constant 1 : i32
    %select_n3A_242 = arith.select %eq3A_240, %jit3A_241, %jit3A_238 : i32
    %rem3A_243 = arith.remsi %add3A_213, %select_n3A_242 : i32
    %ne3A_244 = arith.constant 0 : i32
    %ne3A_245 = arith.cmpi ne, %rem3A_243, %ne3A_244 : i32
    %lt3A_246 = arith.constant 0 : i32
    %lt3A_247 = arith.cmpi slt, %rem3A_243, %lt3A_246 : i32
    %lt3A_248 = arith.constant 0 : i32
    %lt3A_249 = arith.cmpi slt, %select_n3A_242, %lt3A_248 : i32
    %ne3A_250 = arith.xori %lt3A_247, %lt3A_249 : i1
    %and3A_251 = arith.andi %ne3A_250, %ne3A_245 : i1
    %add3A_252 = arith.addi %rem3A_243, %select_n3A_242 : i32
    %select_n3A_253 = arith.select %and3A_251, %add3A_252, %rem3A_243 : i32
    %mul3A_254 = arith.constant 128 : i32
    %mul3A_255 = arith.muli %select_n3A_253, %mul3A_254 : i32
    %dma_start3A_256 = arith.constant 4 : i32
    %dma_start3A_257 = arith.constant 0 : i32
    %dma_start3A_258 = tpu.memref_slice %arg5[%dma_start3A_256, %dma_start3A_257] : memref<8x128xi32, #tpu.memory_space<vmem>> -> memref<1x128xi32, #tpu.memory_space<vmem>>
    %dma_start3A_259 = tpu.memref_squeeze %dma_start3A_258 : memref<1x128xi32, #tpu.memory_space<vmem>> -> memref<128xi32, #tpu.memory_space<vmem>>
    %dma_start3A_260 = tpu.memref_slice %arg3[%select_n3A_237, %mul3A_255] : memref<26x16384xi32, #tpu.memory_space<hbm>> -> memref<1x128xi32, #tpu.memory_space<hbm>>
    %dma_start3A_261 = tpu.memref_squeeze %dma_start3A_260 : memref<1x128xi32, #tpu.memory_space<hbm>> -> memref<128xi32, #tpu.memory_space<hbm>>
    %dma_start3A_262 = arith.constant 0 : i32
    %dma_start3A_263 = tpu.memref_slice %arg5[%dma_start3A_256, %dma_start3A_262] : memref<8x128xi32, #tpu.memory_space<vmem>> -> memref<1x128xi32, #tpu.memory_space<vmem>>
    %dma_start3A_264 = tpu.memref_squeeze %dma_start3A_263 : memref<1x128xi32, #tpu.memory_space<vmem>> -> memref<128xi32, #tpu.memory_space<vmem>>
    %dma_start3A_265 = tpu.memref_slice %arg3[%select_n3A_237, %mul3A_255] : memref<26x16384xi32, #tpu.memory_space<hbm>> -> memref<1x128xi32, #tpu.memory_space<hbm>>
    %dma_start3A_266 = tpu.memref_squeeze %dma_start3A_265 : memref<1x128xi32, #tpu.memory_space<hbm>> -> memref<128xi32, #tpu.memory_space<hbm>>
    tpu.enqueue_dma source(%dma_start3A_266 : memref<128xi32, #tpu.memory_space<hbm>>) target(%dma_start3A_264 : memref<128xi32, #tpu.memory_space<vmem>>) target_semaphore(%arg34 : memref<!tpu.dma_semaphore, #tpu.memory_space<semaphore_mem>>)
    %add3A_267 = arith.constant 5 : i32
    %add3A_268 = arith.addi %mul3A_2, %add3A_267 : i32
    %jit3A_269 = arith.constant 128 : i32
    %div3A_270 = arith.divsi %add3A_268, %jit3A_269 : i32
    %sign3A_271 = arith.constant 0 : i32
    %sign3A_272 = arith.cmpi sgt, %add3A_268, %sign3A_271 : i32
    %sign3A_273 = arith.extui %sign3A_272 : i1 to i32
    %sign3A_274 = arith.constant 0 : i32
    %sign3A_275 = arith.cmpi slt, %add3A_268, %sign3A_274 : i32
    %sign3A_276 = arith.extui %sign3A_275 : i1 to i32
    %sign3A_277 = arith.subi %sign3A_273, %sign3A_276 : i32
    %sign3A_278 = arith.constant 0 : i32
    %sign3A_279 = arith.cmpi sgt, %jit3A_269, %sign3A_278 : i32
    %sign3A_280 = arith.extui %sign3A_279 : i1 to i32
    %sign3A_281 = arith.constant 0 : i32
    %sign3A_282 = arith.cmpi slt, %jit3A_269, %sign3A_281 : i32
    %sign3A_283 = arith.extui %sign3A_282 : i1 to i32
    %sign3A_284 = arith.subi %sign3A_280, %sign3A_283 : i32
    %ne3A_285 = arith.cmpi ne, %sign3A_277, %sign3A_284 : i32
    %rem3A_286 = arith.remsi %add3A_268, %jit3A_269 : i32
    %ne3A_287 = arith.constant 0 : i32
    %ne3A_288 = arith.cmpi ne, %rem3A_286, %ne3A_287 : i32
    %and3A_289 = arith.andi %ne3A_285, %ne3A_288 : i1
    %sub3A_290 = arith.constant 1 : i32
    %sub3A_291 = arith.subi %div3A_270, %sub3A_290 : i32
    %select_n3A_292 = arith.select %and3A_289, %sub3A_291, %div3A_270 : i32
    %jit3A_293 = arith.constant 128 : i32
    %eq3A_294 = arith.constant 0 : i32
    %eq3A_295 = arith.cmpi eq, %jit3A_293, %eq3A_294 : i32
    %jit3A_296 = arith.constant 1 : i32
    %select_n3A_297 = arith.select %eq3A_295, %jit3A_296, %jit3A_293 : i32
    %rem3A_298 = arith.remsi %add3A_268, %select_n3A_297 : i32
    %ne3A_299 = arith.constant 0 : i32
    %ne3A_300 = arith.cmpi ne, %rem3A_298, %ne3A_299 : i32
    %lt3A_301 = arith.constant 0 : i32
    %lt3A_302 = arith.cmpi slt, %rem3A_298, %lt3A_301 : i32
    %lt3A_303 = arith.constant 0 : i32
    %lt3A_304 = arith.cmpi slt, %select_n3A_297, %lt3A_303 : i32
    %ne3A_305 = arith.xori %lt3A_302, %lt3A_304 : i1
    %and3A_306 = arith.andi %ne3A_305, %ne3A_300 : i1
    %add3A_307 = arith.addi %rem3A_298, %select_n3A_297 : i32
    %select_n3A_308 = arith.select %and3A_306, %add3A_307, %rem3A_298 : i32
    %mul3A_309 = arith.constant 128 : i32
    %mul3A_310 = arith.muli %select_n3A_308, %mul3A_309 : i32
    %dma_start3A_311 = arith.constant 5 : i32
    %dma_start3A_312 = arith.constant 0 : i32
    %dma_start3A_313 = tpu.memref_slice %arg5[%dma_start3A_311, %dma_start3A_312] : memref<8x128xi32, #tpu.memory_space<vmem>> -> memref<1x128xi32, #tpu.memory_space<vmem>>
    %dma_start3A_314 = tpu.memref_squeeze %dma_start3A_313 : memref<1x128xi32, #tpu.memory_space<vmem>> -> memref<128xi32, #tpu.memory_space<vmem>>
    %dma_start3A_315 = tpu.memref_slice %arg3[%select_n3A_292, %mul3A_310] : memref<26x16384xi32, #tpu.memory_space<hbm>> -> memref<1x128xi32, #tpu.memory_space<hbm>>
    %dma_start3A_316 = tpu.memref_squeeze %dma_start3A_315 : memref<1x128xi32, #tpu.memory_space<hbm>> -> memref<128xi32, #tpu.memory_space<hbm>>
    %dma_start3A_317 = arith.constant 0 : i32
    %dma_start3A_318 = tpu.memref_slice %arg5[%dma_start3A_311, %dma_start3A_317] : memref<8x128xi32, #tpu.memory_space<vmem>> -> memref<1x128xi32, #tpu.memory_space<vmem>>
    %dma_start3A_319 = tpu.memref_squeeze %dma_start3A_318 : memref<1x128xi32, #tpu.memory_space<vmem>> -> memref<128xi32, #tpu.memory_space<vmem>>
    %dma_start3A_320 = tpu.memref_slice %arg3[%select_n3A_292, %mul3A_310] : memref<26x16384xi32, #tpu.memory_space<hbm>> -> memref<1x128xi32, #tpu.memory_space<hbm>>
    %dma_start3A_321 = tpu.memref_squeeze %dma_start3A_320 : memref<1x128xi32, #tpu.memory_space<hbm>> -> memref<128xi32, #tpu.memory_space<hbm>>
    tpu.enqueue_dma source(%dma_start3A_321 : memref<128xi32, #tpu.memory_space<hbm>>) target(%dma_start3A_319 : memref<128xi32, #tpu.memory_space<vmem>>) target_semaphore(%arg35 : memref<!tpu.dma_semaphore, #tpu.memory_space<semaphore_mem>>)
    %add3A_322 = arith.constant 6 : i32
    %add3A_323 = arith.addi %mul3A_2, %add3A_322 : i32
    %jit3A_324 = arith.constant 128 : i32
    %div3A_325 = arith.divsi %add3A_323, %jit3A_324 : i32
    %sign3A_326 = arith.constant 0 : i32
    %sign3A_327 = arith.cmpi sgt, %add3A_323, %sign3A_326 : i32
    %sign3A_328 = arith.extui %sign3A_327 : i1 to i32
    %sign3A_329 = arith.constant 0 : i32
    %sign3A_330 = arith.cmpi slt, %add3A_323, %sign3A_329 : i32
    %sign3A_331 = arith.extui %sign3A_330 : i1 to i32
    %sign3A_332 = arith.subi %sign3A_328, %sign3A_331 : i32
    %sign3A_333 = arith.constant 0 : i32
    %sign3A_334 = arith.cmpi sgt, %jit3A_324, %sign3A_333 : i32
    %sign3A_335 = arith.extui %sign3A_334 : i1 to i32
    %sign3A_336 = arith.constant 0 : i32
    %sign3A_337 = arith.cmpi slt, %jit3A_324, %sign3A_336 : i32
    %sign3A_338 = arith.extui %sign3A_337 : i1 to i32
    %sign3A_339 = arith.subi %sign3A_335, %sign3A_338 : i32
    %ne3A_340 = arith.cmpi ne, %sign3A_332, %sign3A_339 : i32
    %rem3A_341 = arith.remsi %add3A_323, %jit3A_324 : i32
    %ne3A_342 = arith.constant 0 : i32
    %ne3A_343 = arith.cmpi ne, %rem3A_341, %ne3A_342 : i32
    %and3A_344 = arith.andi %ne3A_340, %ne3A_343 : i1
    %sub3A_345 = arith.constant 1 : i32
    %sub3A_346 = arith.subi %div3A_325, %sub3A_345 : i32
    %select_n3A_347 = arith.select %and3A_344, %sub3A_346, %div3A_325 : i32
    %jit3A_348 = arith.constant 128 : i32
    %eq3A_349 = arith.constant 0 : i32
    %eq3A_350 = arith.cmpi eq, %jit3A_348, %eq3A_349 : i32
    %jit3A_351 = arith.constant 1 : i32
    %select_n3A_352 = arith.select %eq3A_350, %jit3A_351, %jit3A_348 : i32
    %rem3A_353 = arith.remsi %add3A_323, %select_n3A_352 : i32
    %ne3A_354 = arith.constant 0 : i32
    %ne3A_355 = arith.cmpi ne, %rem3A_353, %ne3A_354 : i32
    %lt3A_356 = arith.constant 0 : i32
    %lt3A_357 = arith.cmpi slt, %rem3A_353, %lt3A_356 : i32
    %lt3A_358 = arith.constant 0 : i32
    %lt3A_359 = arith.cmpi slt, %select_n3A_352, %lt3A_358 : i32
    %ne3A_360 = arith.xori %lt3A_357, %lt3A_359 : i1
    %and3A_361 = arith.andi %ne3A_360, %ne3A_355 : i1
    %add3A_362 = arith.addi %rem3A_353, %select_n3A_352 : i32
    %select_n3A_363 = arith.select %and3A_361, %add3A_362, %rem3A_353 : i32
    %mul3A_364 = arith.constant 128 : i32
    %mul3A_365 = arith.muli %select_n3A_363, %mul3A_364 : i32
    %dma_start3A_366 = arith.constant 6 : i32
    %dma_start3A_367 = arith.constant 0 : i32
    %dma_start3A_368 = tpu.memref_slice %arg5[%dma_start3A_366, %dma_start3A_367] : memref<8x128xi32, #tpu.memory_space<vmem>> -> memref<1x128xi32, #tpu.memory_space<vmem>>
    %dma_start3A_369 = tpu.memref_squeeze %dma_start3A_368 : memref<1x128xi32, #tpu.memory_space<vmem>> -> memref<128xi32, #tpu.memory_space<vmem>>
    %dma_start3A_370 = tpu.memref_slice %arg3[%select_n3A_347, %mul3A_365] : memref<26x16384xi32, #tpu.memory_space<hbm>> -> memref<1x128xi32, #tpu.memory_space<hbm>>
    %dma_start3A_371 = tpu.memref_squeeze %dma_start3A_370 : memref<1x128xi32, #tpu.memory_space<hbm>> -> memref<128xi32, #tpu.memory_space<hbm>>
    %dma_start3A_372 = arith.constant 0 : i32
    %dma_start3A_373 = tpu.memref_slice %arg5[%dma_start3A_366, %dma_start3A_372] : memref<8x128xi32, #tpu.memory_space<vmem>> -> memref<1x128xi32, #tpu.memory_space<vmem>>
    %dma_start3A_374 = tpu.memref_squeeze %dma_start3A_373 : memref<1x128xi32, #tpu.memory_space<vmem>> -> memref<128xi32, #tpu.memory_space<vmem>>
    %dma_start3A_375 = tpu.memref_slice %arg3[%select_n3A_347, %mul3A_365] : memref<26x16384xi32, #tpu.memory_space<hbm>> -> memref<1x128xi32, #tpu.memory_space<hbm>>
    %dma_start3A_376 = tpu.memref_squeeze %dma_start3A_375 : memref<1x128xi32, #tpu.memory_space<hbm>> -> memref<128xi32, #tpu.memory_space<hbm>>
    tpu.enqueue_dma source(%dma_start3A_376 : memref<128xi32, #tpu.memory_space<hbm>>) target(%dma_start3A_374 : memref<128xi32, #tpu.memory_space<vmem>>) target_semaphore(%arg36 : memref<!tpu.dma_semaphore, #tpu.memory_space<semaphore_mem>>)
    %add3A_377 = arith.constant 7 : i32
    %add3A_378 = arith.addi %mul3A_2, %add3A_377 : i32
    %jit3A_379 = arith.constant 128 : i32
    %div3A_380 = arith.divsi %add3A_378, %jit3A_379 : i32
    %sign3A_381 = arith.constant 0 : i32
    %sign3A_382 = arith.cmpi sgt, %add3A_378, %sign3A_381 : i32
    %sign3A_383 = arith.extui %sign3A_382 : i1 to i32
    %sign3A_384 = arith.constant 0 : i32
    %sign3A_385 = arith.cmpi slt, %add3A_378, %sign3A_384 : i32
    %sign3A_386 = arith.extui %sign3A_385 : i1 to i32
    %sign3A_387 = arith.subi %sign3A_383, %sign3A_386 : i32
    %sign3A_388 = arith.constant 0 : i32
    %sign3A_389 = arith.cmpi sgt, %jit3A_379, %sign3A_388 : i32
    %sign3A_390 = arith.extui %sign3A_389 : i1 to i32
    %sign3A_391 = arith.constant 0 : i32
    %sign3A_392 = arith.cmpi slt, %jit3A_379, %sign3A_391 : i32
    %sign3A_393 = arith.extui %sign3A_392 : i1 to i32
    %sign3A_394 = arith.subi %sign3A_390, %sign3A_393 : i32
    %ne3A_395 = arith.cmpi ne, %sign3A_387, %sign3A_394 : i32
    %rem3A_396 = arith.remsi %add3A_378, %jit3A_379 : i32
    %ne3A_397 = arith.constant 0 : i32
    %ne3A_398 = arith.cmpi ne, %rem3A_396, %ne3A_397 : i32
    %and3A_399 = arith.andi %ne3A_395, %ne3A_398 : i1
    %sub3A_400 = arith.constant 1 : i32
    %sub3A_401 = arith.subi %div3A_380, %sub3A_400 : i32
    %select_n3A_402 = arith.select %and3A_399, %sub3A_401, %div3A_380 : i32
    %jit3A_403 = arith.constant 128 : i32
    %eq3A_404 = arith.constant 0 : i32
    %eq3A_405 = arith.cmpi eq, %jit3A_403, %eq3A_404 : i32
    %jit3A_406 = arith.constant 1 : i32
    %select_n3A_407 = arith.select %eq3A_405, %jit3A_406, %jit3A_403 : i32
    %rem3A_408 = arith.remsi %add3A_378, %select_n3A_407 : i32
    %ne3A_409 = arith.constant 0 : i32
    %ne3A_410 = arith.cmpi ne, %rem3A_408, %ne3A_409 : i32
    %lt3A_411 = arith.constant 0 : i32
    %lt3A_412 = arith.cmpi slt, %rem3A_408, %lt3A_411 : i32
    %lt3A_413 = arith.constant 0 : i32
    %lt3A_414 = arith.cmpi slt, %select_n3A_407, %lt3A_413 : i32
    %ne3A_415 = arith.xori %lt3A_412, %lt3A_414 : i1
    %and3A_416 = arith.andi %ne3A_415, %ne3A_410 : i1
    %add3A_417 = arith.addi %rem3A_408, %select_n3A_407 : i32
    %select_n3A_418 = arith.select %and3A_416, %add3A_417, %rem3A_408 : i32
    %mul3A_419 = arith.constant 128 : i32
    %mul3A_420 = arith.muli %select_n3A_418, %mul3A_419 : i32
    %dma_start3A_421 = arith.constant 7 : i32
    %dma_start3A_422 = arith.constant 0 : i32
    %dma_start3A_423 = tpu.memref_slice %arg5[%dma_start3A_421, %dma_start3A_422] : memref<8x128xi32, #tpu.memory_space<vmem>> -> memref<1x128xi32, #tpu.memory_space<vmem>>
    %dma_start3A_424 = tpu.memref_squeeze %dma_start3A_423 : memref<1x128xi32, #tpu.memory_space<vmem>> -> memref<128xi32, #tpu.memory_space<vmem>>
    %dma_start3A_425 = tpu.memref_slice %arg3[%select_n3A_402, %mul3A_420] : memref<26x16384xi32, #tpu.memory_space<hbm>> -> memref<1x128xi32, #tpu.memory_space<hbm>>
    %dma_start3A_426 = tpu.memref_squeeze %dma_start3A_425 : memref<1x128xi32, #tpu.memory_space<hbm>> -> memref<128xi32, #tpu.memory_space<hbm>>
    %dma_start3A_427 = arith.constant 0 : i32
    %dma_start3A_428 = tpu.memref_slice %arg5[%dma_start3A_421, %dma_start3A_427] : memref<8x128xi32, #tpu.memory_space<vmem>> -> memref<1x128xi32, #tpu.memory_space<vmem>>
    %dma_start3A_429 = tpu.memref_squeeze %dma_start3A_428 : memref<1x128xi32, #tpu.memory_space<vmem>> -> memref<128xi32, #tpu.memory_space<vmem>>
    %dma_start3A_430 = tpu.memref_slice %arg3[%select_n3A_402, %mul3A_420] : memref<26x16384xi32, #tpu.memory_space<hbm>> -> memref<1x128xi32, #tpu.memory_space<hbm>>
    %dma_start3A_431 = tpu.memref_squeeze %dma_start3A_430 : memref<1x128xi32, #tpu.memory_space<hbm>> -> memref<128xi32, #tpu.memory_space<hbm>>
    tpu.enqueue_dma source(%dma_start3A_431 : memref<128xi32, #tpu.memory_space<hbm>>) target(%dma_start3A_429 : memref<128xi32, #tpu.memory_space<vmem>>) target_semaphore(%arg37 : memref<!tpu.dma_semaphore, #tpu.memory_space<semaphore_mem>>)
    %scan3A = arith.constant 0 : i32
    %scan3A_432 = arith.constant 0 : i32
    %scan3A_433 = arith.constant 13 : i32
    %scan3A_434 = arith.addi %scan3A_432, %scan3A_433 : i32
    %scan3A_435 = arith.constant 1 : i32
    scf.for %scan3A_820 = %scan3A_432 to %scan3A_434 step %scan3A_435  : i32 {
      %mul3A_821 = arith.constant 8 : i32
      %mul3A_822 = arith.muli %scan3A_820, %mul3A_821 : i32
      %add3A_823 = arith.constant 0 : i32
      %add3A_824 = arith.addi %mul3A_822, %add3A_823 : i32
      %gt3A = arith.constant 0 : i32
      %gt3A_825 = arith.cmpi sgt, %scan3A_820, %gt3A : i32
      %convert_element_type3A = arith.extui %gt3A_825 : i1 to i32
      %cond3A = arith.constant 0 : i32
      %cond3A_826 = arith.cmpi ne, %convert_element_type3A, %cond3A : i32
      scf.if %cond3A_826 {
        %sub3A_1850 = arith.constant 8 : i32
        %sub3A_1851 = arith.subi %add3A_824, %sub3A_1850 : i32
        %add3A_1852 = arith.addi %mul3A_2, %sub3A_1851 : i32
        %jit3A_1853 = arith.constant 128 : i32
        %div3A_1854 = arith.divsi %add3A_1852, %jit3A_1853 : i32
        %sign3A_1855 = arith.constant 0 : i32
        %sign3A_1856 = arith.cmpi sgt, %add3A_1852, %sign3A_1855 : i32
        %sign3A_1857 = arith.extui %sign3A_1856 : i1 to i32
        %sign3A_1858 = arith.constant 0 : i32
        %sign3A_1859 = arith.cmpi slt, %add3A_1852, %sign3A_1858 : i32
        %sign3A_1860 = arith.extui %sign3A_1859 : i1 to i32
        %sign3A_1861 = arith.subi %sign3A_1857, %sign3A_1860 : i32
        %sign3A_1862 = arith.constant 0 : i32
        %sign3A_1863 = arith.cmpi sgt, %jit3A_1853, %sign3A_1862 : i32
        %sign3A_1864 = arith.extui %sign3A_1863 : i1 to i32
        %sign3A_1865 = arith.constant 0 : i32
        %sign3A_1866 = arith.cmpi slt, %jit3A_1853, %sign3A_1865 : i32
        %sign3A_1867 = arith.extui %sign3A_1866 : i1 to i32
        %sign3A_1868 = arith.subi %sign3A_1864, %sign3A_1867 : i32
        %ne3A_1869 = arith.cmpi ne, %sign3A_1861, %sign3A_1868 : i32
        %rem3A_1870 = arith.remsi %add3A_1852, %jit3A_1853 : i32
        %ne3A_1871 = arith.constant 0 : i32
        %ne3A_1872 = arith.cmpi ne, %rem3A_1870, %ne3A_1871 : i32
        %and3A_1873 = arith.andi %ne3A_1869, %ne3A_1872 : i1
        %sub3A_1874 = arith.constant 1 : i32
        %sub3A_1875 = arith.subi %div3A_1854, %sub3A_1874 : i32
        %select_n3A_1876 = arith.select %and3A_1873, %sub3A_1875, %div3A_1854 : i32
        %jit3A_1877 = arith.constant 128 : i32
        %eq3A_1878 = arith.constant 0 : i32
        %eq3A_1879 = arith.cmpi eq, %jit3A_1877, %eq3A_1878 : i32
        %jit3A_1880 = arith.constant 1 : i32
        %select_n3A_1881 = arith.select %eq3A_1879, %jit3A_1880, %jit3A_1877 : i32
        %rem3A_1882 = arith.remsi %add3A_1852, %select_n3A_1881 : i32
        %ne3A_1883 = arith.constant 0 : i32
        %ne3A_1884 = arith.cmpi ne, %rem3A_1882, %ne3A_1883 : i32
        %lt3A_1885 = arith.constant 0 : i32
        %lt3A_1886 = arith.cmpi slt, %rem3A_1882, %lt3A_1885 : i32
        %lt3A_1887 = arith.constant 0 : i32
        %lt3A_1888 = arith.cmpi slt, %select_n3A_1881, %lt3A_1887 : i32
        %ne3A_1889 = arith.xori %lt3A_1886, %lt3A_1888 : i1
        %and3A_1890 = arith.andi %ne3A_1889, %ne3A_1884 : i1
        %add3A_1891 = arith.addi %rem3A_1882, %select_n3A_1881 : i32
        %select_n3A_1892 = arith.select %and3A_1890, %add3A_1891, %rem3A_1882 : i32
        %mul3A_1893 = arith.constant 128 : i32
        %mul3A_1894 = arith.muli %select_n3A_1892, %mul3A_1893 : i32
        %mul3A_1895 = arith.constant 32 : i32
        %mul3A_1896 = arith.muli %select_n3A_1876, %mul3A_1895 : i32
        %dma_wait3A_1897 = tpu.memref_slice %arg4[%mul3A_1894, %mul3A_1896] : memref<16384x832xf32, #tpu.memory_space<hbm>> -> memref<128x32xf32, #tpu.memory_space<hbm>>
        %dma_wait3A_1898 = tpu.memref_slice %arg4[%mul3A_1894, %mul3A_1896] : memref<16384x832xf32, #tpu.memory_space<hbm>> -> memref<128x32xf32, #tpu.memory_space<hbm>>
        tpu.wait_dma2 semaphore(%arg22 : memref<!tpu.dma_semaphore, #tpu.memory_space<semaphore_mem>>) src(%arg6 : memref<128x32xf32, #tpu.memory_space<vmem>>) dst(%dma_wait3A_1898 : memref<128x32xf32, #tpu.memory_space<hbm>>)
      } else {
      }
      %dma_wait3A_827 = arith.constant 0 : i32
      %dma_wait3A_828 = arith.constant 0 : i32
      %dma_wait3A_829 = arith.constant 0 : i32
      %dma_wait3A_830 = tpu.memref_slice %arg5[%dma_wait3A_828, %dma_wait3A_829] : memref<8x128xi32, #tpu.memory_space<vmem>> -> memref<1x128xi32, #tpu.memory_space<vmem>>
      %dma_wait3A_831 = tpu.memref_squeeze %dma_wait3A_830 : memref<1x128xi32, #tpu.memory_space<vmem>> -> memref<128xi32, #tpu.memory_space<vmem>>
      %dma_wait3A_832 = arith.constant 0 : i32
      %dma_wait3A_833 = tpu.memref_slice %arg3[%dma_wait3A_827, %dma_wait3A_832] : memref<26x16384xi32, #tpu.memory_space<hbm>> -> memref<1x128xi32, #tpu.memory_space<hbm>>
      %dma_wait3A_834 = tpu.memref_squeeze %dma_wait3A_833 : memref<1x128xi32, #tpu.memory_space<hbm>> -> memref<128xi32, #tpu.memory_space<hbm>>
      %dma_wait3A_835 = arith.constant 0 : i32
      %dma_wait3A_836 = tpu.memref_slice %arg5[%dma_wait3A_828, %dma_wait3A_835] : memref<8x128xi32, #tpu.memory_space<vmem>> -> memref<1x128xi32, #tpu.memory_space<vmem>>
      %dma_wait3A_837 = tpu.memref_squeeze %dma_wait3A_836 : memref<1x128xi32, #tpu.memory_space<vmem>> -> memref<128xi32, #tpu.memory_space<vmem>>
      %dma_wait3A_838 = arith.constant 0 : i32
      %dma_wait3A_839 = tpu.memref_slice %arg3[%dma_wait3A_827, %dma_wait3A_838] : memref<26x16384xi32, #tpu.memory_space<hbm>> -> memref<1x128xi32, #tpu.memory_space<hbm>>
      %dma_wait3A_840 = tpu.memref_squeeze %dma_wait3A_839 : memref<1x128xi32, #tpu.memory_space<hbm>> -> memref<128xi32, #tpu.memory_space<hbm>>
      tpu.wait_dma2 semaphore(%arg30 : memref<!tpu.dma_semaphore, #tpu.memory_space<semaphore_mem>>) src(%dma_wait3A_840 : memref<128xi32, #tpu.memory_space<hbm>>) dst(%dma_wait3A_837 : memref<128xi32, #tpu.memory_space<vmem>>)
      %add3A_841 = arith.addi %mul3A_2, %add3A_824 : i32
      %jit3A_842 = arith.constant 128 : i32
      %div3A_843 = arith.divsi %add3A_841, %jit3A_842 : i32
      %sign3A_844 = arith.constant 0 : i32
      %sign3A_845 = arith.cmpi sgt, %add3A_841, %sign3A_844 : i32
      %sign3A_846 = arith.extui %sign3A_845 : i1 to i32
      %sign3A_847 = arith.constant 0 : i32
      %sign3A_848 = arith.cmpi slt, %add3A_841, %sign3A_847 : i32
      %sign3A_849 = arith.extui %sign3A_848 : i1 to i32
      %sign3A_850 = arith.subi %sign3A_846, %sign3A_849 : i32
      %sign3A_851 = arith.constant 0 : i32
      %sign3A_852 = arith.cmpi sgt, %jit3A_842, %sign3A_851 : i32
      %sign3A_853 = arith.extui %sign3A_852 : i1 to i32
      %sign3A_854 = arith.constant 0 : i32
      %sign3A_855 = arith.cmpi slt, %jit3A_842, %sign3A_854 : i32
      %sign3A_856 = arith.extui %sign3A_855 : i1 to i32
      %sign3A_857 = arith.subi %sign3A_853, %sign3A_856 : i32
      %ne3A_858 = arith.cmpi ne, %sign3A_850, %sign3A_857 : i32
      %rem3A_859 = arith.remsi %add3A_841, %jit3A_842 : i32
      %ne3A_860 = arith.constant 0 : i32
      %ne3A_861 = arith.cmpi ne, %rem3A_859, %ne3A_860 : i32
      %and3A_862 = arith.andi %ne3A_858, %ne3A_861 : i1
      %sub3A_863 = arith.constant 1 : i32
      %sub3A_864 = arith.subi %div3A_843, %sub3A_863 : i32
      %select_n3A_865 = arith.select %and3A_862, %sub3A_864, %div3A_843 : i32
      %dma_start3A_866 = arith.constant 0 : i32
      %dma_start3A_867 = arith.constant 0 : i32
      %dma_start3A_868 = tpu.memref_slice %arg5[%dma_start3A_866, %dma_start3A_867] : memref<8x128xi32, #tpu.memory_space<vmem>> -> memref<1x128xi32, #tpu.memory_space<vmem>>
      %dma_start3A_869 = tpu.memref_squeeze %dma_start3A_868 : memref<1x128xi32, #tpu.memory_space<vmem>> -> memref<128xi32, #tpu.memory_space<vmem>>
      %dma_start3A_870 = arith.constant 0 : i32
      %dma_start3A_871 = arith.constant 0 : i32
      %dma_start3A_872 = tpu.memref_slice %arg2[%select_n3A_865, %dma_start3A_870, %dma_start3A_871] : memref<26x100000x32xf32, #tpu.memory_space<hbm>> -> memref<1x100000x32xf32, #tpu.memory_space<hbm>>
      %dma_start3A_873 = tpu.memref_squeeze %dma_start3A_872 : memref<1x100000x32xf32, #tpu.memory_space<hbm>> -> memref<100000x32xf32, #tpu.memory_space<hbm>>
      %dma_start3A_874 = arith.constant 0 : i32
      %dma_start3A_875 = arith.constant 0 : i32
      %dma_start3A_876 = tpu.memref_slice %dma_start3A_873[%dma_start3A_874, %dma_start3A_875] : memref<100000x32xf32, #tpu.memory_space<hbm>> -> memref<100000x32xf32, #tpu.memory_space<hbm>>
      tpu.enqueue_indirect_dma source(%dma_start3A_876 : memref<100000x32xf32, #tpu.memory_space<hbm>>) target(%arg6 : memref<128x32xf32, #tpu.memory_space<vmem>>) offsets(%dma_start3A_869 : memref<128xi32, #tpu.memory_space<vmem>>) semaphore(%arg14 : memref<!tpu.dma_semaphore, #tpu.memory_space<semaphore_mem>>)
      %mul3A_877 = arith.constant 8 : i32
      %mul3A_878 = arith.muli %scan3A_820, %mul3A_877 : i32
      %add3A_879 = arith.constant 1 : i32
      %add3A_880 = arith.addi %mul3A_878, %add3A_879 : i32
      %gt3A_881 = arith.constant 0 : i32
      %gt3A_882 = arith.cmpi sgt, %scan3A_820, %gt3A_881 : i32
      %convert_element_type3A_883 = arith.extui %gt3A_882 : i1 to i32
      %cond3A_884 = arith.constant 0 : i32
      %cond3A_885 = arith.cmpi ne, %convert_element_type3A_883, %cond3A_884 : i32
      scf.if %cond3A_885 {
        %sub3A_1850 = arith.constant 8 : i32
        %sub3A_1851 = arith.subi %add3A_880, %sub3A_1850 : i32
        %add3A_1852 = arith.addi %mul3A_2, %sub3A_1851 : i32
        %jit3A_1853 = arith.constant 128 : i32
        %div3A_1854 = arith.divsi %add3A_1852, %jit3A_1853 : i32
        %sign3A_1855 = arith.constant 0 : i32
        %sign3A_1856 = arith.cmpi sgt, %add3A_1852, %sign3A_1855 : i32
        %sign3A_1857 = arith.extui %sign3A_1856 : i1 to i32
        %sign3A_1858 = arith.constant 0 : i32
        %sign3A_1859 = arith.cmpi slt, %add3A_1852, %sign3A_1858 : i32
        %sign3A_1860 = arith.extui %sign3A_1859 : i1 to i32
        %sign3A_1861 = arith.subi %sign3A_1857, %sign3A_1860 : i32
        %sign3A_1862 = arith.constant 0 : i32
        %sign3A_1863 = arith.cmpi sgt, %jit3A_1853, %sign3A_1862 : i32
        %sign3A_1864 = arith.extui %sign3A_1863 : i1 to i32
        %sign3A_1865 = arith.constant 0 : i32
        %sign3A_1866 = arith.cmpi slt, %jit3A_1853, %sign3A_1865 : i32
        %sign3A_1867 = arith.extui %sign3A_1866 : i1 to i32
        %sign3A_1868 = arith.subi %sign3A_1864, %sign3A_1867 : i32
        %ne3A_1869 = arith.cmpi ne, %sign3A_1861, %sign3A_1868 : i32
        %rem3A_1870 = arith.remsi %add3A_1852, %jit3A_1853 : i32
        %ne3A_1871 = arith.constant 0 : i32
        %ne3A_1872 = arith.cmpi ne, %rem3A_1870, %ne3A_1871 : i32
        %and3A_1873 = arith.andi %ne3A_1869, %ne3A_1872 : i1
        %sub3A_1874 = arith.constant 1 : i32
        %sub3A_1875 = arith.subi %div3A_1854, %sub3A_1874 : i32
        %select_n3A_1876 = arith.select %and3A_1873, %sub3A_1875, %div3A_1854 : i32
        %jit3A_1877 = arith.constant 128 : i32
        %eq3A_1878 = arith.constant 0 : i32
        %eq3A_1879 = arith.cmpi eq, %jit3A_1877, %eq3A_1878 : i32
        %jit3A_1880 = arith.constant 1 : i32
        %select_n3A_1881 = arith.select %eq3A_1879, %jit3A_1880, %jit3A_1877 : i32
        %rem3A_1882 = arith.remsi %add3A_1852, %select_n3A_1881 : i32
        %ne3A_1883 = arith.constant 0 : i32
        %ne3A_1884 = arith.cmpi ne, %rem3A_1882, %ne3A_1883 : i32
        %lt3A_1885 = arith.constant 0 : i32
        %lt3A_1886 = arith.cmpi slt, %rem3A_1882, %lt3A_1885 : i32
        %lt3A_1887 = arith.constant 0 : i32
        %lt3A_1888 = arith.cmpi slt, %select_n3A_1881, %lt3A_1887 : i32
        %ne3A_1889 = arith.xori %lt3A_1886, %lt3A_1888 : i1
        %and3A_1890 = arith.andi %ne3A_1889, %ne3A_1884 : i1
        %add3A_1891 = arith.addi %rem3A_1882, %select_n3A_1881 : i32
        %select_n3A_1892 = arith.select %and3A_1890, %add3A_1891, %rem3A_1882 : i32
        %mul3A_1893 = arith.constant 128 : i32
        %mul3A_1894 = arith.muli %select_n3A_1892, %mul3A_1893 : i32
        %mul3A_1895 = arith.constant 32 : i32
        %mul3A_1896 = arith.muli %select_n3A_1876, %mul3A_1895 : i32
        %dma_wait3A_1897 = tpu.memref_slice %arg4[%mul3A_1894, %mul3A_1896] : memref<16384x832xf32, #tpu.memory_space<hbm>> -> memref<128x32xf32, #tpu.memory_space<hbm>>
        %dma_wait3A_1898 = tpu.memref_slice %arg4[%mul3A_1894, %mul3A_1896] : memref<16384x832xf32, #tpu.memory_space<hbm>> -> memref<128x32xf32, #tpu.memory_space<hbm>>
        tpu.wait_dma2 semaphore(%arg23 : memref<!tpu.dma_semaphore, #tpu.memory_space<semaphore_mem>>) src(%arg7 : memref<128x32xf32, #tpu.memory_space<vmem>>) dst(%dma_wait3A_1898 : memref<128x32xf32, #tpu.memory_space<hbm>>)
      } else {
      }
      %dma_wait3A_886 = arith.constant 0 : i32
      %dma_wait3A_887 = arith.constant 1 : i32
      %dma_wait3A_888 = arith.constant 0 : i32
      %dma_wait3A_889 = tpu.memref_slice %arg5[%dma_wait3A_887, %dma_wait3A_888] : memref<8x128xi32, #tpu.memory_space<vmem>> -> memref<1x128xi32, #tpu.memory_space<vmem>>
      %dma_wait3A_890 = tpu.memref_squeeze %dma_wait3A_889 : memref<1x128xi32, #tpu.memory_space<vmem>> -> memref<128xi32, #tpu.memory_space<vmem>>
      %dma_wait3A_891 = arith.constant 0 : i32
      %dma_wait3A_892 = tpu.memref_slice %arg3[%dma_wait3A_886, %dma_wait3A_891] : memref<26x16384xi32, #tpu.memory_space<hbm>> -> memref<1x128xi32, #tpu.memory_space<hbm>>
      %dma_wait3A_893 = tpu.memref_squeeze %dma_wait3A_892 : memref<1x128xi32, #tpu.memory_space<hbm>> -> memref<128xi32, #tpu.memory_space<hbm>>
      %dma_wait3A_894 = arith.constant 0 : i32
      %dma_wait3A_895 = tpu.memref_slice %arg5[%dma_wait3A_887, %dma_wait3A_894] : memref<8x128xi32, #tpu.memory_space<vmem>> -> memref<1x128xi32, #tpu.memory_space<vmem>>
      %dma_wait3A_896 = tpu.memref_squeeze %dma_wait3A_895 : memref<1x128xi32, #tpu.memory_space<vmem>> -> memref<128xi32, #tpu.memory_space<vmem>>
      %dma_wait3A_897 = arith.constant 0 : i32
      %dma_wait3A_898 = tpu.memref_slice %arg3[%dma_wait3A_886, %dma_wait3A_897] : memref<26x16384xi32, #tpu.memory_space<hbm>> -> memref<1x128xi32, #tpu.memory_space<hbm>>
      %dma_wait3A_899 = tpu.memref_squeeze %dma_wait3A_898 : memref<1x128xi32, #tpu.memory_space<hbm>> -> memref<128xi32, #tpu.memory_space<hbm>>
      tpu.wait_dma2 semaphore(%arg31 : memref<!tpu.dma_semaphore, #tpu.memory_space<semaphore_mem>>) src(%dma_wait3A_899 : memref<128xi32, #tpu.memory_space<hbm>>) dst(%dma_wait3A_896 : memref<128xi32, #tpu.memory_space<vmem>>)
      %add3A_900 = arith.addi %mul3A_2, %add3A_880 : i32
      %jit3A_901 = arith.constant 128 : i32
      %div3A_902 = arith.divsi %add3A_900, %jit3A_901 : i32
      %sign3A_903 = arith.constant 0 : i32
      %sign3A_904 = arith.cmpi sgt, %add3A_900, %sign3A_903 : i32
      %sign3A_905 = arith.extui %sign3A_904 : i1 to i32
      %sign3A_906 = arith.constant 0 : i32
      %sign3A_907 = arith.cmpi slt, %add3A_900, %sign3A_906 : i32
      %sign3A_908 = arith.extui %sign3A_907 : i1 to i32
      %sign3A_909 = arith.subi %sign3A_905, %sign3A_908 : i32
      %sign3A_910 = arith.constant 0 : i32
      %sign3A_911 = arith.cmpi sgt, %jit3A_901, %sign3A_910 : i32
      %sign3A_912 = arith.extui %sign3A_911 : i1 to i32
      %sign3A_913 = arith.constant 0 : i32
      %sign3A_914 = arith.cmpi slt, %jit3A_901, %sign3A_913 : i32
      %sign3A_915 = arith.extui %sign3A_914 : i1 to i32
      %sign3A_916 = arith.subi %sign3A_912, %sign3A_915 : i32
      %ne3A_917 = arith.cmpi ne, %sign3A_909, %sign3A_916 : i32
      %rem3A_918 = arith.remsi %add3A_900, %jit3A_901 : i32
      %ne3A_919 = arith.constant 0 : i32
      %ne3A_920 = arith.cmpi ne, %rem3A_918, %ne3A_919 : i32
      %and3A_921 = arith.andi %ne3A_917, %ne3A_920 : i1
      %sub3A_922 = arith.constant 1 : i32
      %sub3A_923 = arith.subi %div3A_902, %sub3A_922 : i32
      %select_n3A_924 = arith.select %and3A_921, %sub3A_923, %div3A_902 : i32
      %dma_start3A_925 = arith.constant 1 : i32
      %dma_start3A_926 = arith.constant 0 : i32
      %dma_start3A_927 = tpu.memref_slice %arg5[%dma_start3A_925, %dma_start3A_926] : memref<8x128xi32, #tpu.memory_space<vmem>> -> memref<1x128xi32, #tpu.memory_space<vmem>>
      %dma_start3A_928 = tpu.memref_squeeze %dma_start3A_927 : memref<1x128xi32, #tpu.memory_space<vmem>> -> memref<128xi32, #tpu.memory_space<vmem>>
      %dma_start3A_929 = arith.constant 0 : i32
      %dma_start3A_930 = arith.constant 0 : i32
      %dma_start3A_931 = tpu.memref_slice %arg2[%select_n3A_924, %dma_start3A_929, %dma_start3A_930] : memref<26x100000x32xf32, #tpu.memory_space<hbm>> -> memref<1x100000x32xf32, #tpu.memory_space<hbm>>
      %dma_start3A_932 = tpu.memref_squeeze %dma_start3A_931 : memref<1x100000x32xf32, #tpu.memory_space<hbm>> -> memref<100000x32xf32, #tpu.memory_space<hbm>>
      %dma_start3A_933 = arith.constant 0 : i32
      %dma_start3A_934 = arith.constant 0 : i32
      %dma_start3A_935 = tpu.memref_slice %dma_start3A_932[%dma_start3A_933, %dma_start3A_934] : memref<100000x32xf32, #tpu.memory_space<hbm>> -> memref<100000x32xf32, #tpu.memory_space<hbm>>
      tpu.enqueue_indirect_dma source(%dma_start3A_935 : memref<100000x32xf32, #tpu.memory_space<hbm>>) target(%arg7 : memref<128x32xf32, #tpu.memory_space<vmem>>) offsets(%dma_start3A_928 : memref<128xi32, #tpu.memory_space<vmem>>) semaphore(%arg15 : memref<!tpu.dma_semaphore, #tpu.memory_space<semaphore_mem>>)
      %mul3A_936 = arith.constant 8 : i32
      %mul3A_937 = arith.muli %scan3A_820, %mul3A_936 : i32
      %add3A_938 = arith.constant 2 : i32
      %add3A_939 = arith.addi %mul3A_937, %add3A_938 : i32
      %gt3A_940 = arith.constant 0 : i32
      %gt3A_941 = arith.cmpi sgt, %scan3A_820, %gt3A_940 : i32
      %convert_element_type3A_942 = arith.extui %gt3A_941 : i1 to i32
      %cond3A_943 = arith.constant 0 : i32
      %cond3A_944 = arith.cmpi ne, %convert_element_type3A_942, %cond3A_943 : i32
      scf.if %cond3A_944 {
        %sub3A_1850 = arith.constant 8 : i32
        %sub3A_1851 = arith.subi %add3A_939, %sub3A_1850 : i32
        %add3A_1852 = arith.addi %mul3A_2, %sub3A_1851 : i32
        %jit3A_1853 = arith.constant 128 : i32
        %div3A_1854 = arith.divsi %add3A_1852, %jit3A_1853 : i32
        %sign3A_1855 = arith.constant 0 : i32
        %sign3A_1856 = arith.cmpi sgt, %add3A_1852, %sign3A_1855 : i32
        %sign3A_1857 = arith.extui %sign3A_1856 : i1 to i32
        %sign3A_1858 = arith.constant 0 : i32
        %sign3A_1859 = arith.cmpi slt, %add3A_1852, %sign3A_1858 : i32
        %sign3A_1860 = arith.extui %sign3A_1859 : i1 to i32
        %sign3A_1861 = arith.subi %sign3A_1857, %sign3A_1860 : i32
        %sign3A_1862 = arith.constant 0 : i32
        %sign3A_1863 = arith.cmpi sgt, %jit3A_1853, %sign3A_1862 : i32
        %sign3A_1864 = arith.extui %sign3A_1863 : i1 to i32
        %sign3A_1865 = arith.constant 0 : i32
        %sign3A_1866 = arith.cmpi slt, %jit3A_1853, %sign3A_1865 : i32
        %sign3A_1867 = arith.extui %sign3A_1866 : i1 to i32
        %sign3A_1868 = arith.subi %sign3A_1864, %sign3A_1867 : i32
        %ne3A_1869 = arith.cmpi ne, %sign3A_1861, %sign3A_1868 : i32
        %rem3A_1870 = arith.remsi %add3A_1852, %jit3A_1853 : i32
        %ne3A_1871 = arith.constant 0 : i32
        %ne3A_1872 = arith.cmpi ne, %rem3A_1870, %ne3A_1871 : i32
        %and3A_1873 = arith.andi %ne3A_1869, %ne3A_1872 : i1
        %sub3A_1874 = arith.constant 1 : i32
        %sub3A_1875 = arith.subi %div3A_1854, %sub3A_1874 : i32
        %select_n3A_1876 = arith.select %and3A_1873, %sub3A_1875, %div3A_1854 : i32
        %jit3A_1877 = arith.constant 128 : i32
        %eq3A_1878 = arith.constant 0 : i32
        %eq3A_1879 = arith.cmpi eq, %jit3A_1877, %eq3A_1878 : i32
        %jit3A_1880 = arith.constant 1 : i32
        %select_n3A_1881 = arith.select %eq3A_1879, %jit3A_1880, %jit3A_1877 : i32
        %rem3A_1882 = arith.remsi %add3A_1852, %select_n3A_1881 : i32
        %ne3A_1883 = arith.constant 0 : i32
        %ne3A_1884 = arith.cmpi ne, %rem3A_1882, %ne3A_1883 : i32
        %lt3A_1885 = arith.constant 0 : i32
        %lt3A_1886 = arith.cmpi slt, %rem3A_1882, %lt3A_1885 : i32
        %lt3A_1887 = arith.constant 0 : i32
        %lt3A_1888 = arith.cmpi slt, %select_n3A_1881, %lt3A_1887 : i32
        %ne3A_1889 = arith.xori %lt3A_1886, %lt3A_1888 : i1
        %and3A_1890 = arith.andi %ne3A_1889, %ne3A_1884 : i1
        %add3A_1891 = arith.addi %rem3A_1882, %select_n3A_1881 : i32
        %select_n3A_1892 = arith.select %and3A_1890, %add3A_1891, %rem3A_1882 : i32
        %mul3A_1893 = arith.constant 128 : i32
        %mul3A_1894 = arith.muli %select_n3A_1892, %mul3A_1893 : i32
        %mul3A_1895 = arith.constant 32 : i32
        %mul3A_1896 = arith.muli %select_n3A_1876, %mul3A_1895 : i32
        %dma_wait3A_1897 = tpu.memref_slice %arg4[%mul3A_1894, %mul3A_1896] : memref<16384x832xf32, #tpu.memory_space<hbm>> -> memref<128x32xf32, #tpu.memory_space<hbm>>
        %dma_wait3A_1898 = tpu.memref_slice %arg4[%mul3A_1894, %mul3A_1896] : memref<16384x832xf32, #tpu.memory_space<hbm>> -> memref<128x32xf32, #tpu.memory_space<hbm>>
        tpu.wait_dma2 semaphore(%arg24 : memref<!tpu.dma_semaphore, #tpu.memory_space<semaphore_mem>>) src(%arg8 : memref<128x32xf32, #tpu.memory_space<vmem>>) dst(%dma_wait3A_1898 : memref<128x32xf32, #tpu.memory_space<hbm>>)
      } else {
      }
      %dma_wait3A_945 = arith.constant 0 : i32
      %dma_wait3A_946 = arith.constant 2 : i32
      %dma_wait3A_947 = arith.constant 0 : i32
      %dma_wait3A_948 = tpu.memref_slice %arg5[%dma_wait3A_946, %dma_wait3A_947] : memref<8x128xi32, #tpu.memory_space<vmem>> -> memref<1x128xi32, #tpu.memory_space<vmem>>
      %dma_wait3A_949 = tpu.memref_squeeze %dma_wait3A_948 : memref<1x128xi32, #tpu.memory_space<vmem>> -> memref<128xi32, #tpu.memory_space<vmem>>
      %dma_wait3A_950 = arith.constant 0 : i32
      %dma_wait3A_951 = tpu.memref_slice %arg3[%dma_wait3A_945, %dma_wait3A_950] : memref<26x16384xi32, #tpu.memory_space<hbm>> -> memref<1x128xi32, #tpu.memory_space<hbm>>
      %dma_wait3A_952 = tpu.memref_squeeze %dma_wait3A_951 : memref<1x128xi32, #tpu.memory_space<hbm>> -> memref<128xi32, #tpu.memory_space<hbm>>
      %dma_wait3A_953 = arith.constant 0 : i32
      %dma_wait3A_954 = tpu.memref_slice %arg5[%dma_wait3A_946, %dma_wait3A_953] : memref<8x128xi32, #tpu.memory_space<vmem>> -> memref<1x128xi32, #tpu.memory_space<vmem>>
      %dma_wait3A_955 = tpu.memref_squeeze %dma_wait3A_954 : memref<1x128xi32, #tpu.memory_space<vmem>> -> memref<128xi32, #tpu.memory_space<vmem>>
      %dma_wait3A_956 = arith.constant 0 : i32
      %dma_wait3A_957 = tpu.memref_slice %arg3[%dma_wait3A_945, %dma_wait3A_956] : memref<26x16384xi32, #tpu.memory_space<hbm>> -> memref<1x128xi32, #tpu.memory_space<hbm>>
      %dma_wait3A_958 = tpu.memref_squeeze %dma_wait3A_957 : memref<1x128xi32, #tpu.memory_space<hbm>> -> memref<128xi32, #tpu.memory_space<hbm>>
      tpu.wait_dma2 semaphore(%arg32 : memref<!tpu.dma_semaphore, #tpu.memory_space<semaphore_mem>>) src(%dma_wait3A_958 : memref<128xi32, #tpu.memory_space<hbm>>) dst(%dma_wait3A_955 : memref<128xi32, #tpu.memory_space<vmem>>)
      %add3A_959 = arith.addi %mul3A_2, %add3A_939 : i32
      %jit3A_960 = arith.constant 128 : i32
      %div3A_961 = arith.divsi %add3A_959, %jit3A_960 : i32
      %sign3A_962 = arith.constant 0 : i32
      %sign3A_963 = arith.cmpi sgt, %add3A_959, %sign3A_962 : i32
      %sign3A_964 = arith.extui %sign3A_963 : i1 to i32
      %sign3A_965 = arith.constant 0 : i32
      %sign3A_966 = arith.cmpi slt, %add3A_959, %sign3A_965 : i32
      %sign3A_967 = arith.extui %sign3A_966 : i1 to i32
      %sign3A_968 = arith.subi %sign3A_964, %sign3A_967 : i32
      %sign3A_969 = arith.constant 0 : i32
      %sign3A_970 = arith.cmpi sgt, %jit3A_960, %sign3A_969 : i32
      %sign3A_971 = arith.extui %sign3A_970 : i1 to i32
      %sign3A_972 = arith.constant 0 : i32
      %sign3A_973 = arith.cmpi slt, %jit3A_960, %sign3A_972 : i32
      %sign3A_974 = arith.extui %sign3A_973 : i1 to i32
      %sign3A_975 = arith.subi %sign3A_971, %sign3A_974 : i32
      %ne3A_976 = arith.cmpi ne, %sign3A_968, %sign3A_975 : i32
      %rem3A_977 = arith.remsi %add3A_959, %jit3A_960 : i32
      %ne3A_978 = arith.constant 0 : i32
      %ne3A_979 = arith.cmpi ne, %rem3A_977, %ne3A_978 : i32
      %and3A_980 = arith.andi %ne3A_976, %ne3A_979 : i1
      %sub3A_981 = arith.constant 1 : i32
      %sub3A_982 = arith.subi %div3A_961, %sub3A_981 : i32
      %select_n3A_983 = arith.select %and3A_980, %sub3A_982, %div3A_961 : i32
      %dma_start3A_984 = arith.constant 2 : i32
      %dma_start3A_985 = arith.constant 0 : i32
      %dma_start3A_986 = tpu.memref_slice %arg5[%dma_start3A_984, %dma_start3A_985] : memref<8x128xi32, #tpu.memory_space<vmem>> -> memref<1x128xi32, #tpu.memory_space<vmem>>
      %dma_start3A_987 = tpu.memref_squeeze %dma_start3A_986 : memref<1x128xi32, #tpu.memory_space<vmem>> -> memref<128xi32, #tpu.memory_space<vmem>>
      %dma_start3A_988 = arith.constant 0 : i32
      %dma_start3A_989 = arith.constant 0 : i32
      %dma_start3A_990 = tpu.memref_slice %arg2[%select_n3A_983, %dma_start3A_988, %dma_start3A_989] : memref<26x100000x32xf32, #tpu.memory_space<hbm>> -> memref<1x100000x32xf32, #tpu.memory_space<hbm>>
      %dma_start3A_991 = tpu.memref_squeeze %dma_start3A_990 : memref<1x100000x32xf32, #tpu.memory_space<hbm>> -> memref<100000x32xf32, #tpu.memory_space<hbm>>
      %dma_start3A_992 = arith.constant 0 : i32
      %dma_start3A_993 = arith.constant 0 : i32
      %dma_start3A_994 = tpu.memref_slice %dma_start3A_991[%dma_start3A_992, %dma_start3A_993] : memref<100000x32xf32, #tpu.memory_space<hbm>> -> memref<100000x32xf32, #tpu.memory_space<hbm>>
      tpu.enqueue_indirect_dma source(%dma_start3A_994 : memref<100000x32xf32, #tpu.memory_space<hbm>>) target(%arg8 : memref<128x32xf32, #tpu.memory_space<vmem>>) offsets(%dma_start3A_987 : memref<128xi32, #tpu.memory_space<vmem>>) semaphore(%arg16 : memref<!tpu.dma_semaphore, #tpu.memory_space<semaphore_mem>>)
      %mul3A_995 = arith.constant 8 : i32
      %mul3A_996 = arith.muli %scan3A_820, %mul3A_995 : i32
      %add3A_997 = arith.constant 3 : i32
      %add3A_998 = arith.addi %mul3A_996, %add3A_997 : i32
      %gt3A_999 = arith.constant 0 : i32
      %gt3A_1000 = arith.cmpi sgt, %scan3A_820, %gt3A_999 : i32
      %convert_element_type3A_1001 = arith.extui %gt3A_1000 : i1 to i32
      %cond3A_1002 = arith.constant 0 : i32
      %cond3A_1003 = arith.cmpi ne, %convert_element_type3A_1001, %cond3A_1002 : i32
      scf.if %cond3A_1003 {
        %sub3A_1850 = arith.constant 8 : i32
        %sub3A_1851 = arith.subi %add3A_998, %sub3A_1850 : i32
        %add3A_1852 = arith.addi %mul3A_2, %sub3A_1851 : i32
        %jit3A_1853 = arith.constant 128 : i32
        %div3A_1854 = arith.divsi %add3A_1852, %jit3A_1853 : i32
        %sign3A_1855 = arith.constant 0 : i32
        %sign3A_1856 = arith.cmpi sgt, %add3A_1852, %sign3A_1855 : i32
        %sign3A_1857 = arith.extui %sign3A_1856 : i1 to i32
        %sign3A_1858 = arith.constant 0 : i32
        %sign3A_1859 = arith.cmpi slt, %add3A_1852, %sign3A_1858 : i32
        %sign3A_1860 = arith.extui %sign3A_1859 : i1 to i32
        %sign3A_1861 = arith.subi %sign3A_1857, %sign3A_1860 : i32
        %sign3A_1862 = arith.constant 0 : i32
        %sign3A_1863 = arith.cmpi sgt, %jit3A_1853, %sign3A_1862 : i32
        %sign3A_1864 = arith.extui %sign3A_1863 : i1 to i32
        %sign3A_1865 = arith.constant 0 : i32
        %sign3A_1866 = arith.cmpi slt, %jit3A_1853, %sign3A_1865 : i32
        %sign3A_1867 = arith.extui %sign3A_1866 : i1 to i32
        %sign3A_1868 = arith.subi %sign3A_1864, %sign3A_1867 : i32
        %ne3A_1869 = arith.cmpi ne, %sign3A_1861, %sign3A_1868 : i32
        %rem3A_1870 = arith.remsi %add3A_1852, %jit3A_1853 : i32
        %ne3A_1871 = arith.constant 0 : i32
        %ne3A_1872 = arith.cmpi ne, %rem3A_1870, %ne3A_1871 : i32
        %and3A_1873 = arith.andi %ne3A_1869, %ne3A_1872 : i1
        %sub3A_1874 = arith.constant 1 : i32
        %sub3A_1875 = arith.subi %div3A_1854, %sub3A_1874 : i32
        %select_n3A_1876 = arith.select %and3A_1873, %sub3A_1875, %div3A_1854 : i32
        %jit3A_1877 = arith.constant 128 : i32
        %eq3A_1878 = arith.constant 0 : i32
        %eq3A_1879 = arith.cmpi eq, %jit3A_1877, %eq3A_1878 : i32
        %jit3A_1880 = arith.constant 1 : i32
        %select_n3A_1881 = arith.select %eq3A_1879, %jit3A_1880, %jit3A_1877 : i32
        %rem3A_1882 = arith.remsi %add3A_1852, %select_n3A_1881 : i32
        %ne3A_1883 = arith.constant 0 : i32
        %ne3A_1884 = arith.cmpi ne, %rem3A_1882, %ne3A_1883 : i32
        %lt3A_1885 = arith.constant 0 : i32
        %lt3A_1886 = arith.cmpi slt, %rem3A_1882, %lt3A_1885 : i32
        %lt3A_1887 = arith.constant 0 : i32
        %lt3A_1888 = arith.cmpi slt, %select_n3A_1881, %lt3A_1887 : i32
        %ne3A_1889 = arith.xori %lt3A_1886, %lt3A_1888 : i1
        %and3A_1890 = arith.andi %ne3A_1889, %ne3A_1884 : i1
        %add3A_1891 = arith.addi %rem3A_1882, %select_n3A_1881 : i32
        %select_n3A_1892 = arith.select %and3A_1890, %add3A_1891, %rem3A_1882 : i32
        %mul3A_1893 = arith.constant 128 : i32
        %mul3A_1894 = arith.muli %select_n3A_1892, %mul3A_1893 : i32
        %mul3A_1895 = arith.constant 32 : i32
        %mul3A_1896 = arith.muli %select_n3A_1876, %mul3A_1895 : i32
        %dma_wait3A_1897 = tpu.memref_slice %arg4[%mul3A_1894, %mul3A_1896] : memref<16384x832xf32, #tpu.memory_space<hbm>> -> memref<128x32xf32, #tpu.memory_space<hbm>>
        %dma_wait3A_1898 = tpu.memref_slice %arg4[%mul3A_1894, %mul3A_1896] : memref<16384x832xf32, #tpu.memory_space<hbm>> -> memref<128x32xf32, #tpu.memory_space<hbm>>
        tpu.wait_dma2 semaphore(%arg25 : memref<!tpu.dma_semaphore, #tpu.memory_space<semaphore_mem>>) src(%arg9 : memref<128x32xf32, #tpu.memory_space<vmem>>) dst(%dma_wait3A_1898 : memref<128x32xf32, #tpu.memory_space<hbm>>)
      } else {
      }
      %dma_wait3A_1004 = arith.constant 0 : i32
      %dma_wait3A_1005 = arith.constant 3 : i32
      %dma_wait3A_1006 = arith.constant 0 : i32
      %dma_wait3A_1007 = tpu.memref_slice %arg5[%dma_wait3A_1005, %dma_wait3A_1006] : memref<8x128xi32, #tpu.memory_space<vmem>> -> memref<1x128xi32, #tpu.memory_space<vmem>>
      %dma_wait3A_1008 = tpu.memref_squeeze %dma_wait3A_1007 : memref<1x128xi32, #tpu.memory_space<vmem>> -> memref<128xi32, #tpu.memory_space<vmem>>
      %dma_wait3A_1009 = arith.constant 0 : i32
      %dma_wait3A_1010 = tpu.memref_slice %arg3[%dma_wait3A_1004, %dma_wait3A_1009] : memref<26x16384xi32, #tpu.memory_space<hbm>> -> memref<1x128xi32, #tpu.memory_space<hbm>>
      %dma_wait3A_1011 = tpu.memref_squeeze %dma_wait3A_1010 : memref<1x128xi32, #tpu.memory_space<hbm>> -> memref<128xi32, #tpu.memory_space<hbm>>
      %dma_wait3A_1012 = arith.constant 0 : i32
      %dma_wait3A_1013 = tpu.memref_slice %arg5[%dma_wait3A_1005, %dma_wait3A_1012] : memref<8x128xi32, #tpu.memory_space<vmem>> -> memref<1x128xi32, #tpu.memory_space<vmem>>
      %dma_wait3A_1014 = tpu.memref_squeeze %dma_wait3A_1013 : memref<1x128xi32, #tpu.memory_space<vmem>> -> memref<128xi32, #tpu.memory_space<vmem>>
      %dma_wait3A_1015 = arith.constant 0 : i32
      %dma_wait3A_1016 = tpu.memref_slice %arg3[%dma_wait3A_1004, %dma_wait3A_1015] : memref<26x16384xi32, #tpu.memory_space<hbm>> -> memref<1x128xi32, #tpu.memory_space<hbm>>
      %dma_wait3A_1017 = tpu.memref_squeeze %dma_wait3A_1016 : memref<1x128xi32, #tpu.memory_space<hbm>> -> memref<128xi32, #tpu.memory_space<hbm>>
      tpu.wait_dma2 semaphore(%arg33 : memref<!tpu.dma_semaphore, #tpu.memory_space<semaphore_mem>>) src(%dma_wait3A_1017 : memref<128xi32, #tpu.memory_space<hbm>>) dst(%dma_wait3A_1014 : memref<128xi32, #tpu.memory_space<vmem>>)
      %add3A_1018 = arith.addi %mul3A_2, %add3A_998 : i32
      %jit3A_1019 = arith.constant 128 : i32
      %div3A_1020 = arith.divsi %add3A_1018, %jit3A_1019 : i32
      %sign3A_1021 = arith.constant 0 : i32
      %sign3A_1022 = arith.cmpi sgt, %add3A_1018, %sign3A_1021 : i32
      %sign3A_1023 = arith.extui %sign3A_1022 : i1 to i32
      %sign3A_1024 = arith.constant 0 : i32
      %sign3A_1025 = arith.cmpi slt, %add3A_1018, %sign3A_1024 : i32
      %sign3A_1026 = arith.extui %sign3A_1025 : i1 to i32
      %sign3A_1027 = arith.subi %sign3A_1023, %sign3A_1026 : i32
      %sign3A_1028 = arith.constant 0 : i32
      %sign3A_1029 = arith.cmpi sgt, %jit3A_1019, %sign3A_1028 : i32
      %sign3A_1030 = arith.extui %sign3A_1029 : i1 to i32
      %sign3A_1031 = arith.constant 0 : i32
      %sign3A_1032 = arith.cmpi slt, %jit3A_1019, %sign3A_1031 : i32
      %sign3A_1033 = arith.extui %sign3A_1032 : i1 to i32
      %sign3A_1034 = arith.subi %sign3A_1030, %sign3A_1033 : i32
      %ne3A_1035 = arith.cmpi ne, %sign3A_1027, %sign3A_1034 : i32
      %rem3A_1036 = arith.remsi %add3A_1018, %jit3A_1019 : i32
      %ne3A_1037 = arith.constant 0 : i32
      %ne3A_1038 = arith.cmpi ne, %rem3A_1036, %ne3A_1037 : i32
      %and3A_1039 = arith.andi %ne3A_1035, %ne3A_1038 : i1
      %sub3A_1040 = arith.constant 1 : i32
      %sub3A_1041 = arith.subi %div3A_1020, %sub3A_1040 : i32
      %select_n3A_1042 = arith.select %and3A_1039, %sub3A_1041, %div3A_1020 : i32
      %dma_start3A_1043 = arith.constant 3 : i32
      %dma_start3A_1044 = arith.constant 0 : i32
      %dma_start3A_1045 = tpu.memref_slice %arg5[%dma_start3A_1043, %dma_start3A_1044] : memref<8x128xi32, #tpu.memory_space<vmem>> -> memref<1x128xi32, #tpu.memory_space<vmem>>
      %dma_start3A_1046 = tpu.memref_squeeze %dma_start3A_1045 : memref<1x128xi32, #tpu.memory_space<vmem>> -> memref<128xi32, #tpu.memory_space<vmem>>
      %dma_start3A_1047 = arith.constant 0 : i32
      %dma_start3A_1048 = arith.constant 0 : i32
      %dma_start3A_1049 = tpu.memref_slice %arg2[%select_n3A_1042, %dma_start3A_1047, %dma_start3A_1048] : memref<26x100000x32xf32, #tpu.memory_space<hbm>> -> memref<1x100000x32xf32, #tpu.memory_space<hbm>>
      %dma_start3A_1050 = tpu.memref_squeeze %dma_start3A_1049 : memref<1x100000x32xf32, #tpu.memory_space<hbm>> -> memref<100000x32xf32, #tpu.memory_space<hbm>>
      %dma_start3A_1051 = arith.constant 0 : i32
      %dma_start3A_1052 = arith.constant 0 : i32
      %dma_start3A_1053 = tpu.memref_slice %dma_start3A_1050[%dma_start3A_1051, %dma_start3A_1052] : memref<100000x32xf32, #tpu.memory_space<hbm>> -> memref<100000x32xf32, #tpu.memory_space<hbm>>
      tpu.enqueue_indirect_dma source(%dma_start3A_1053 : memref<100000x32xf32, #tpu.memory_space<hbm>>) target(%arg9 : memref<128x32xf32, #tpu.memory_space<vmem>>) offsets(%dma_start3A_1046 : memref<128xi32, #tpu.memory_space<vmem>>) semaphore(%arg17 : memref<!tpu.dma_semaphore, #tpu.memory_space<semaphore_mem>>)
      %mul3A_1054 = arith.constant 8 : i32
      %mul3A_1055 = arith.muli %scan3A_820, %mul3A_1054 : i32
      %add3A_1056 = arith.constant 4 : i32
      %add3A_1057 = arith.addi %mul3A_1055, %add3A_1056 : i32
      %gt3A_1058 = arith.constant 0 : i32
      %gt3A_1059 = arith.cmpi sgt, %scan3A_820, %gt3A_1058 : i32
      %convert_element_type3A_1060 = arith.extui %gt3A_1059 : i1 to i32
      %cond3A_1061 = arith.constant 0 : i32
      %cond3A_1062 = arith.cmpi ne, %convert_element_type3A_1060, %cond3A_1061 : i32
      scf.if %cond3A_1062 {
        %sub3A_1850 = arith.constant 8 : i32
        %sub3A_1851 = arith.subi %add3A_1057, %sub3A_1850 : i32
        %add3A_1852 = arith.addi %mul3A_2, %sub3A_1851 : i32
        %jit3A_1853 = arith.constant 128 : i32
        %div3A_1854 = arith.divsi %add3A_1852, %jit3A_1853 : i32
        %sign3A_1855 = arith.constant 0 : i32
        %sign3A_1856 = arith.cmpi sgt, %add3A_1852, %sign3A_1855 : i32
        %sign3A_1857 = arith.extui %sign3A_1856 : i1 to i32
        %sign3A_1858 = arith.constant 0 : i32
        %sign3A_1859 = arith.cmpi slt, %add3A_1852, %sign3A_1858 : i32
        %sign3A_1860 = arith.extui %sign3A_1859 : i1 to i32
        %sign3A_1861 = arith.subi %sign3A_1857, %sign3A_1860 : i32
        %sign3A_1862 = arith.constant 0 : i32
        %sign3A_1863 = arith.cmpi sgt, %jit3A_1853, %sign3A_1862 : i32
        %sign3A_1864 = arith.extui %sign3A_1863 : i1 to i32
        %sign3A_1865 = arith.constant 0 : i32
        %sign3A_1866 = arith.cmpi slt, %jit3A_1853, %sign3A_1865 : i32
        %sign3A_1867 = arith.extui %sign3A_1866 : i1 to i32
        %sign3A_1868 = arith.subi %sign3A_1864, %sign3A_1867 : i32
        %ne3A_1869 = arith.cmpi ne, %sign3A_1861, %sign3A_1868 : i32
        %rem3A_1870 = arith.remsi %add3A_1852, %jit3A_1853 : i32
        %ne3A_1871 = arith.constant 0 : i32
        %ne3A_1872 = arith.cmpi ne, %rem3A_1870, %ne3A_1871 : i32
        %and3A_1873 = arith.andi %ne3A_1869, %ne3A_1872 : i1
        %sub3A_1874 = arith.constant 1 : i32
        %sub3A_1875 = arith.subi %div3A_1854, %sub3A_1874 : i32
        %select_n3A_1876 = arith.select %and3A_1873, %sub3A_1875, %div3A_1854 : i32
        %jit3A_1877 = arith.constant 128 : i32
        %eq3A_1878 = arith.constant 0 : i32
        %eq3A_1879 = arith.cmpi eq, %jit3A_1877, %eq3A_1878 : i32
        %jit3A_1880 = arith.constant 1 : i32
        %select_n3A_1881 = arith.select %eq3A_1879, %jit3A_1880, %jit3A_1877 : i32
        %rem3A_1882 = arith.remsi %add3A_1852, %select_n3A_1881 : i32
        %ne3A_1883 = arith.constant 0 : i32
        %ne3A_1884 = arith.cmpi ne, %rem3A_1882, %ne3A_1883 : i32
        %lt3A_1885 = arith.constant 0 : i32
        %lt3A_1886 = arith.cmpi slt, %rem3A_1882, %lt3A_1885 : i32
        %lt3A_1887 = arith.constant 0 : i32
        %lt3A_1888 = arith.cmpi slt, %select_n3A_1881, %lt3A_1887 : i32
        %ne3A_1889 = arith.xori %lt3A_1886, %lt3A_1888 : i1
        %and3A_1890 = arith.andi %ne3A_1889, %ne3A_1884 : i1
        %add3A_1891 = arith.addi %rem3A_1882, %select_n3A_1881 : i32
        %select_n3A_1892 = arith.select %and3A_1890, %add3A_1891, %rem3A_1882 : i32
        %mul3A_1893 = arith.constant 128 : i32
        %mul3A_1894 = arith.muli %select_n3A_1892, %mul3A_1893 : i32
        %mul3A_1895 = arith.constant 32 : i32
        %mul3A_1896 = arith.muli %select_n3A_1876, %mul3A_1895 : i32
        %dma_wait3A_1897 = tpu.memref_slice %arg4[%mul3A_1894, %mul3A_1896] : memref<16384x832xf32, #tpu.memory_space<hbm>> -> memref<128x32xf32, #tpu.memory_space<hbm>>
        %dma_wait3A_1898 = tpu.memref_slice %arg4[%mul3A_1894, %mul3A_1896] : memref<16384x832xf32, #tpu.memory_space<hbm>> -> memref<128x32xf32, #tpu.memory_space<hbm>>
        tpu.wait_dma2 semaphore(%arg26 : memref<!tpu.dma_semaphore, #tpu.memory_space<semaphore_mem>>) src(%arg10 : memref<128x32xf32, #tpu.memory_space<vmem>>) dst(%dma_wait3A_1898 : memref<128x32xf32, #tpu.memory_space<hbm>>)
      } else {
      }
      %dma_wait3A_1063 = arith.constant 0 : i32
      %dma_wait3A_1064 = arith.constant 4 : i32
      %dma_wait3A_1065 = arith.constant 0 : i32
      %dma_wait3A_1066 = tpu.memref_slice %arg5[%dma_wait3A_1064, %dma_wait3A_1065] : memref<8x128xi32, #tpu.memory_space<vmem>> -> memref<1x128xi32, #tpu.memory_space<vmem>>
      %dma_wait3A_1067 = tpu.memref_squeeze %dma_wait3A_1066 : memref<1x128xi32, #tpu.memory_space<vmem>> -> memref<128xi32, #tpu.memory_space<vmem>>
      %dma_wait3A_1068 = arith.constant 0 : i32
      %dma_wait3A_1069 = tpu.memref_slice %arg3[%dma_wait3A_1063, %dma_wait3A_1068] : memref<26x16384xi32, #tpu.memory_space<hbm>> -> memref<1x128xi32, #tpu.memory_space<hbm>>
      %dma_wait3A_1070 = tpu.memref_squeeze %dma_wait3A_1069 : memref<1x128xi32, #tpu.memory_space<hbm>> -> memref<128xi32, #tpu.memory_space<hbm>>
      %dma_wait3A_1071 = arith.constant 0 : i32
      %dma_wait3A_1072 = tpu.memref_slice %arg5[%dma_wait3A_1064, %dma_wait3A_1071] : memref<8x128xi32, #tpu.memory_space<vmem>> -> memref<1x128xi32, #tpu.memory_space<vmem>>
      %dma_wait3A_1073 = tpu.memref_squeeze %dma_wait3A_1072 : memref<1x128xi32, #tpu.memory_space<vmem>> -> memref<128xi32, #tpu.memory_space<vmem>>
      %dma_wait3A_1074 = arith.constant 0 : i32
      %dma_wait3A_1075 = tpu.memref_slice %arg3[%dma_wait3A_1063, %dma_wait3A_1074] : memref<26x16384xi32, #tpu.memory_space<hbm>> -> memref<1x128xi32, #tpu.memory_space<hbm>>
      %dma_wait3A_1076 = tpu.memref_squeeze %dma_wait3A_1075 : memref<1x128xi32, #tpu.memory_space<hbm>> -> memref<128xi32, #tpu.memory_space<hbm>>
      tpu.wait_dma2 semaphore(%arg34 : memref<!tpu.dma_semaphore, #tpu.memory_space<semaphore_mem>>) src(%dma_wait3A_1076 : memref<128xi32, #tpu.memory_space<hbm>>) dst(%dma_wait3A_1073 : memref<128xi32, #tpu.memory_space<vmem>>)
      %add3A_1077 = arith.addi %mul3A_2, %add3A_1057 : i32
      %jit3A_1078 = arith.constant 128 : i32
      %div3A_1079 = arith.divsi %add3A_1077, %jit3A_1078 : i32
      %sign3A_1080 = arith.constant 0 : i32
      %sign3A_1081 = arith.cmpi sgt, %add3A_1077, %sign3A_1080 : i32
      %sign3A_1082 = arith.extui %sign3A_1081 : i1 to i32
      %sign3A_1083 = arith.constant 0 : i32
      %sign3A_1084 = arith.cmpi slt, %add3A_1077, %sign3A_1083 : i32
      %sign3A_1085 = arith.extui %sign3A_1084 : i1 to i32
      %sign3A_1086 = arith.subi %sign3A_1082, %sign3A_1085 : i32
      %sign3A_1087 = arith.constant 0 : i32
      %sign3A_1088 = arith.cmpi sgt, %jit3A_1078, %sign3A_1087 : i32
      %sign3A_1089 = arith.extui %sign3A_1088 : i1 to i32
      %sign3A_1090 = arith.constant 0 : i32
      %sign3A_1091 = arith.cmpi slt, %jit3A_1078, %sign3A_1090 : i32
      %sign3A_1092 = arith.extui %sign3A_1091 : i1 to i32
      %sign3A_1093 = arith.subi %sign3A_1089, %sign3A_1092 : i32
      %ne3A_1094 = arith.cmpi ne, %sign3A_1086, %sign3A_1093 : i32
      %rem3A_1095 = arith.remsi %add3A_1077, %jit3A_1078 : i32
      %ne3A_1096 = arith.constant 0 : i32
      %ne3A_1097 = arith.cmpi ne, %rem3A_1095, %ne3A_1096 : i32
      %and3A_1098 = arith.andi %ne3A_1094, %ne3A_1097 : i1
      %sub3A_1099 = arith.constant 1 : i32
      %sub3A_1100 = arith.subi %div3A_1079, %sub3A_1099 : i32
      %select_n3A_1101 = arith.select %and3A_1098, %sub3A_1100, %div3A_1079 : i32
      %dma_start3A_1102 = arith.constant 4 : i32
      %dma_start3A_1103 = arith.constant 0 : i32
      %dma_start3A_1104 = tpu.memref_slice %arg5[%dma_start3A_1102, %dma_start3A_1103] : memref<8x128xi32, #tpu.memory_space<vmem>> -> memref<1x128xi32, #tpu.memory_space<vmem>>
      %dma_start3A_1105 = tpu.memref_squeeze %dma_start3A_1104 : memref<1x128xi32, #tpu.memory_space<vmem>> -> memref<128xi32, #tpu.memory_space<vmem>>
      %dma_start3A_1106 = arith.constant 0 : i32
      %dma_start3A_1107 = arith.constant 0 : i32
      %dma_start3A_1108 = tpu.memref_slice %arg2[%select_n3A_1101, %dma_start3A_1106, %dma_start3A_1107] : memref<26x100000x32xf32, #tpu.memory_space<hbm>> -> memref<1x100000x32xf32, #tpu.memory_space<hbm>>
      %dma_start3A_1109 = tpu.memref_squeeze %dma_start3A_1108 : memref<1x100000x32xf32, #tpu.memory_space<hbm>> -> memref<100000x32xf32, #tpu.memory_space<hbm>>
      %dma_start3A_1110 = arith.constant 0 : i32
      %dma_start3A_1111 = arith.constant 0 : i32
      %dma_start3A_1112 = tpu.memref_slice %dma_start3A_1109[%dma_start3A_1110, %dma_start3A_1111] : memref<100000x32xf32, #tpu.memory_space<hbm>> -> memref<100000x32xf32, #tpu.memory_space<hbm>>
      tpu.enqueue_indirect_dma source(%dma_start3A_1112 : memref<100000x32xf32, #tpu.memory_space<hbm>>) target(%arg10 : memref<128x32xf32, #tpu.memory_space<vmem>>) offsets(%dma_start3A_1105 : memref<128xi32, #tpu.memory_space<vmem>>) semaphore(%arg18 : memref<!tpu.dma_semaphore, #tpu.memory_space<semaphore_mem>>)
      %mul3A_1113 = arith.constant 8 : i32
      %mul3A_1114 = arith.muli %scan3A_820, %mul3A_1113 : i32
      %add3A_1115 = arith.constant 5 : i32
      %add3A_1116 = arith.addi %mul3A_1114, %add3A_1115 : i32
      %gt3A_1117 = arith.constant 0 : i32
      %gt3A_1118 = arith.cmpi sgt, %scan3A_820, %gt3A_1117 : i32
      %convert_element_type3A_1119 = arith.extui %gt3A_1118 : i1 to i32
      %cond3A_1120 = arith.constant 0 : i32
      %cond3A_1121 = arith.cmpi ne, %convert_element_type3A_1119, %cond3A_1120 : i32
      scf.if %cond3A_1121 {
        %sub3A_1850 = arith.constant 8 : i32
        %sub3A_1851 = arith.subi %add3A_1116, %sub3A_1850 : i32
        %add3A_1852 = arith.addi %mul3A_2, %sub3A_1851 : i32
        %jit3A_1853 = arith.constant 128 : i32
        %div3A_1854 = arith.divsi %add3A_1852, %jit3A_1853 : i32
        %sign3A_1855 = arith.constant 0 : i32
        %sign3A_1856 = arith.cmpi sgt, %add3A_1852, %sign3A_1855 : i32
        %sign3A_1857 = arith.extui %sign3A_1856 : i1 to i32
        %sign3A_1858 = arith.constant 0 : i32
        %sign3A_1859 = arith.cmpi slt, %add3A_1852, %sign3A_1858 : i32
        %sign3A_1860 = arith.extui %sign3A_1859 : i1 to i32
        %sign3A_1861 = arith.subi %sign3A_1857, %sign3A_1860 : i32
        %sign3A_1862 = arith.constant 0 : i32
        %sign3A_1863 = arith.cmpi sgt, %jit3A_1853, %sign3A_1862 : i32
        %sign3A_1864 = arith.extui %sign3A_1863 : i1 to i32
        %sign3A_1865 = arith.constant 0 : i32
        %sign3A_1866 = arith.cmpi slt, %jit3A_1853, %sign3A_1865 : i32
        %sign3A_1867 = arith.extui %sign3A_1866 : i1 to i32
        %sign3A_1868 = arith.subi %sign3A_1864, %sign3A_1867 : i32
        %ne3A_1869 = arith.cmpi ne, %sign3A_1861, %sign3A_1868 : i32
        %rem3A_1870 = arith.remsi %add3A_1852, %jit3A_1853 : i32
        %ne3A_1871 = arith.constant 0 : i32
        %ne3A_1872 = arith.cmpi ne, %rem3A_1870, %ne3A_1871 : i32
        %and3A_1873 = arith.andi %ne3A_1869, %ne3A_1872 : i1
        %sub3A_1874 = arith.constant 1 : i32
        %sub3A_1875 = arith.subi %div3A_1854, %sub3A_1874 : i32
        %select_n3A_1876 = arith.select %and3A_1873, %sub3A_1875, %div3A_1854 : i32
        %jit3A_1877 = arith.constant 128 : i32
        %eq3A_1878 = arith.constant 0 : i32
        %eq3A_1879 = arith.cmpi eq, %jit3A_1877, %eq3A_1878 : i32
        %jit3A_1880 = arith.constant 1 : i32
        %select_n3A_1881 = arith.select %eq3A_1879, %jit3A_1880, %jit3A_1877 : i32
        %rem3A_1882 = arith.remsi %add3A_1852, %select_n3A_1881 : i32
        %ne3A_1883 = arith.constant 0 : i32
        %ne3A_1884 = arith.cmpi ne, %rem3A_1882, %ne3A_1883 : i32
        %lt3A_1885 = arith.constant 0 : i32
        %lt3A_1886 = arith.cmpi slt, %rem3A_1882, %lt3A_1885 : i32
        %lt3A_1887 = arith.constant 0 : i32
        %lt3A_1888 = arith.cmpi slt, %select_n3A_1881, %lt3A_1887 : i32
        %ne3A_1889 = arith.xori %lt3A_1886, %lt3A_1888 : i1
        %and3A_1890 = arith.andi %ne3A_1889, %ne3A_1884 : i1
        %add3A_1891 = arith.addi %rem3A_1882, %select_n3A_1881 : i32
        %select_n3A_1892 = arith.select %and3A_1890, %add3A_1891, %rem3A_1882 : i32
        %mul3A_1893 = arith.constant 128 : i32
        %mul3A_1894 = arith.muli %select_n3A_1892, %mul3A_1893 : i32
        %mul3A_1895 = arith.constant 32 : i32
        %mul3A_1896 = arith.muli %select_n3A_1876, %mul3A_1895 : i32
        %dma_wait3A_1897 = tpu.memref_slice %arg4[%mul3A_1894, %mul3A_1896] : memref<16384x832xf32, #tpu.memory_space<hbm>> -> memref<128x32xf32, #tpu.memory_space<hbm>>
        %dma_wait3A_1898 = tpu.memref_slice %arg4[%mul3A_1894, %mul3A_1896] : memref<16384x832xf32, #tpu.memory_space<hbm>> -> memref<128x32xf32, #tpu.memory_space<hbm>>
        tpu.wait_dma2 semaphore(%arg27 : memref<!tpu.dma_semaphore, #tpu.memory_space<semaphore_mem>>) src(%arg11 : memref<128x32xf32, #tpu.memory_space<vmem>>) dst(%dma_wait3A_1898 : memref<128x32xf32, #tpu.memory_space<hbm>>)
      } else {
      }
      %dma_wait3A_1122 = arith.constant 0 : i32
      %dma_wait3A_1123 = arith.constant 5 : i32
      %dma_wait3A_1124 = arith.constant 0 : i32
      %dma_wait3A_1125 = tpu.memref_slice %arg5[%dma_wait3A_1123, %dma_wait3A_1124] : memref<8x128xi32, #tpu.memory_space<vmem>> -> memref<1x128xi32, #tpu.memory_space<vmem>>
      %dma_wait3A_1126 = tpu.memref_squeeze %dma_wait3A_1125 : memref<1x128xi32, #tpu.memory_space<vmem>> -> memref<128xi32, #tpu.memory_space<vmem>>
      %dma_wait3A_1127 = arith.constant 0 : i32
      %dma_wait3A_1128 = tpu.memref_slice %arg3[%dma_wait3A_1122, %dma_wait3A_1127] : memref<26x16384xi32, #tpu.memory_space<hbm>> -> memref<1x128xi32, #tpu.memory_space<hbm>>
      %dma_wait3A_1129 = tpu.memref_squeeze %dma_wait3A_1128 : memref<1x128xi32, #tpu.memory_space<hbm>> -> memref<128xi32, #tpu.memory_space<hbm>>
      %dma_wait3A_1130 = arith.constant 0 : i32
      %dma_wait3A_1131 = tpu.memref_slice %arg5[%dma_wait3A_1123, %dma_wait3A_1130] : memref<8x128xi32, #tpu.memory_space<vmem>> -> memref<1x128xi32, #tpu.memory_space<vmem>>
      %dma_wait3A_1132 = tpu.memref_squeeze %dma_wait3A_1131 : memref<1x128xi32, #tpu.memory_space<vmem>> -> memref<128xi32, #tpu.memory_space<vmem>>
      %dma_wait3A_1133 = arith.constant 0 : i32
      %dma_wait3A_1134 = tpu.memref_slice %arg3[%dma_wait3A_1122, %dma_wait3A_1133] : memref<26x16384xi32, #tpu.memory_space<hbm>> -> memref<1x128xi32, #tpu.memory_space<hbm>>
      %dma_wait3A_1135 = tpu.memref_squeeze %dma_wait3A_1134 : memref<1x128xi32, #tpu.memory_space<hbm>> -> memref<128xi32, #tpu.memory_space<hbm>>
      tpu.wait_dma2 semaphore(%arg35 : memref<!tpu.dma_semaphore, #tpu.memory_space<semaphore_mem>>) src(%dma_wait3A_1135 : memref<128xi32, #tpu.memory_space<hbm>>) dst(%dma_wait3A_1132 : memref<128xi32, #tpu.memory_space<vmem>>)
      %add3A_1136 = arith.addi %mul3A_2, %add3A_1116 : i32
      %jit3A_1137 = arith.constant 128 : i32
      %div3A_1138 = arith.divsi %add3A_1136, %jit3A_1137 : i32
      %sign3A_1139 = arith.constant 0 : i32
      %sign3A_1140 = arith.cmpi sgt, %add3A_1136, %sign3A_1139 : i32
      %sign3A_1141 = arith.extui %sign3A_1140 : i1 to i32
      %sign3A_1142 = arith.constant 0 : i32
      %sign3A_1143 = arith.cmpi slt, %add3A_1136, %sign3A_1142 : i32
      %sign3A_1144 = arith.extui %sign3A_1143 : i1 to i32
      %sign3A_1145 = arith.subi %sign3A_1141, %sign3A_1144 : i32
      %sign3A_1146 = arith.constant 0 : i32
      %sign3A_1147 = arith.cmpi sgt, %jit3A_1137, %sign3A_1146 : i32
      %sign3A_1148 = arith.extui %sign3A_1147 : i1 to i32
      %sign3A_1149 = arith.constant 0 : i32
      %sign3A_1150 = arith.cmpi slt, %jit3A_1137, %sign3A_1149 : i32
      %sign3A_1151 = arith.extui %sign3A_1150 : i1 to i32
      %sign3A_1152 = arith.subi %sign3A_1148, %sign3A_1151 : i32
      %ne3A_1153 = arith.cmpi ne, %sign3A_1145, %sign3A_1152 : i32
      %rem3A_1154 = arith.remsi %add3A_1136, %jit3A_1137 : i32
      %ne3A_1155 = arith.constant 0 : i32
      %ne3A_1156 = arith.cmpi ne, %rem3A_1154, %ne3A_1155 : i32
      %and3A_1157 = arith.andi %ne3A_1153, %ne3A_1156 : i1
      %sub3A_1158 = arith.constant 1 : i32
      %sub3A_1159 = arith.subi %div3A_1138, %sub3A_1158 : i32
      %select_n3A_1160 = arith.select %and3A_1157, %sub3A_1159, %div3A_1138 : i32
      %dma_start3A_1161 = arith.constant 5 : i32
      %dma_start3A_1162 = arith.constant 0 : i32
      %dma_start3A_1163 = tpu.memref_slice %arg5[%dma_start3A_1161, %dma_start3A_1162] : memref<8x128xi32, #tpu.memory_space<vmem>> -> memref<1x128xi32, #tpu.memory_space<vmem>>
      %dma_start3A_1164 = tpu.memref_squeeze %dma_start3A_1163 : memref<1x128xi32, #tpu.memory_space<vmem>> -> memref<128xi32, #tpu.memory_space<vmem>>
      %dma_start3A_1165 = arith.constant 0 : i32
      %dma_start3A_1166 = arith.constant 0 : i32
      %dma_start3A_1167 = tpu.memref_slice %arg2[%select_n3A_1160, %dma_start3A_1165, %dma_start3A_1166] : memref<26x100000x32xf32, #tpu.memory_space<hbm>> -> memref<1x100000x32xf32, #tpu.memory_space<hbm>>
      %dma_start3A_1168 = tpu.memref_squeeze %dma_start3A_1167 : memref<1x100000x32xf32, #tpu.memory_space<hbm>> -> memref<100000x32xf32, #tpu.memory_space<hbm>>
      %dma_start3A_1169 = arith.constant 0 : i32
      %dma_start3A_1170 = arith.constant 0 : i32
      %dma_start3A_1171 = tpu.memref_slice %dma_start3A_1168[%dma_start3A_1169, %dma_start3A_1170] : memref<100000x32xf32, #tpu.memory_space<hbm>> -> memref<100000x32xf32, #tpu.memory_space<hbm>>
      tpu.enqueue_indirect_dma source(%dma_start3A_1171 : memref<100000x32xf32, #tpu.memory_space<hbm>>) target(%arg11 : memref<128x32xf32, #tpu.memory_space<vmem>>) offsets(%dma_start3A_1164 : memref<128xi32, #tpu.memory_space<vmem>>) semaphore(%arg19 : memref<!tpu.dma_semaphore, #tpu.memory_space<semaphore_mem>>)
      %mul3A_1172 = arith.constant 8 : i32
      %mul3A_1173 = arith.muli %scan3A_820, %mul3A_1172 : i32
      %add3A_1174 = arith.constant 6 : i32
      %add3A_1175 = arith.addi %mul3A_1173, %add3A_1174 : i32
      %gt3A_1176 = arith.constant 0 : i32
      %gt3A_1177 = arith.cmpi sgt, %scan3A_820, %gt3A_1176 : i32
      %convert_element_type3A_1178 = arith.extui %gt3A_1177 : i1 to i32
      %cond3A_1179 = arith.constant 0 : i32
      %cond3A_1180 = arith.cmpi ne, %convert_element_type3A_1178, %cond3A_1179 : i32
      scf.if %cond3A_1180 {
        %sub3A_1850 = arith.constant 8 : i32
        %sub3A_1851 = arith.subi %add3A_1175, %sub3A_1850 : i32
        %add3A_1852 = arith.addi %mul3A_2, %sub3A_1851 : i32
        %jit3A_1853 = arith.constant 128 : i32
        %div3A_1854 = arith.divsi %add3A_1852, %jit3A_1853 : i32
        %sign3A_1855 = arith.constant 0 : i32
        %sign3A_1856 = arith.cmpi sgt, %add3A_1852, %sign3A_1855 : i32
        %sign3A_1857 = arith.extui %sign3A_1856 : i1 to i32
        %sign3A_1858 = arith.constant 0 : i32
        %sign3A_1859 = arith.cmpi slt, %add3A_1852, %sign3A_1858 : i32
        %sign3A_1860 = arith.extui %sign3A_1859 : i1 to i32
        %sign3A_1861 = arith.subi %sign3A_1857, %sign3A_1860 : i32
        %sign3A_1862 = arith.constant 0 : i32
        %sign3A_1863 = arith.cmpi sgt, %jit3A_1853, %sign3A_1862 : i32
        %sign3A_1864 = arith.extui %sign3A_1863 : i1 to i32
        %sign3A_1865 = arith.constant 0 : i32
        %sign3A_1866 = arith.cmpi slt, %jit3A_1853, %sign3A_1865 : i32
        %sign3A_1867 = arith.extui %sign3A_1866 : i1 to i32
        %sign3A_1868 = arith.subi %sign3A_1864, %sign3A_1867 : i32
        %ne3A_1869 = arith.cmpi ne, %sign3A_1861, %sign3A_1868 : i32
        %rem3A_1870 = arith.remsi %add3A_1852, %jit3A_1853 : i32
        %ne3A_1871 = arith.constant 0 : i32
        %ne3A_1872 = arith.cmpi ne, %rem3A_1870, %ne3A_1871 : i32
        %and3A_1873 = arith.andi %ne3A_1869, %ne3A_1872 : i1
        %sub3A_1874 = arith.constant 1 : i32
        %sub3A_1875 = arith.subi %div3A_1854, %sub3A_1874 : i32
        %select_n3A_1876 = arith.select %and3A_1873, %sub3A_1875, %div3A_1854 : i32
        %jit3A_1877 = arith.constant 128 : i32
        %eq3A_1878 = arith.constant 0 : i32
        %eq3A_1879 = arith.cmpi eq, %jit3A_1877, %eq3A_1878 : i32
        %jit3A_1880 = arith.constant 1 : i32
        %select_n3A_1881 = arith.select %eq3A_1879, %jit3A_1880, %jit3A_1877 : i32
        %rem3A_1882 = arith.remsi %add3A_1852, %select_n3A_1881 : i32
        %ne3A_1883 = arith.constant 0 : i32
        %ne3A_1884 = arith.cmpi ne, %rem3A_1882, %ne3A_1883 : i32
        %lt3A_1885 = arith.constant 0 : i32
        %lt3A_1886 = arith.cmpi slt, %rem3A_1882, %lt3A_1885 : i32
        %lt3A_1887 = arith.constant 0 : i32
        %lt3A_1888 = arith.cmpi slt, %select_n3A_1881, %lt3A_1887 : i32
        %ne3A_1889 = arith.xori %lt3A_1886, %lt3A_1888 : i1
        %and3A_1890 = arith.andi %ne3A_1889, %ne3A_1884 : i1
        %add3A_1891 = arith.addi %rem3A_1882, %select_n3A_1881 : i32
        %select_n3A_1892 = arith.select %and3A_1890, %add3A_1891, %rem3A_1882 : i32
        %mul3A_1893 = arith.constant 128 : i32
        %mul3A_1894 = arith.muli %select_n3A_1892, %mul3A_1893 : i32
        %mul3A_1895 = arith.constant 32 : i32
        %mul3A_1896 = arith.muli %select_n3A_1876, %mul3A_1895 : i32
        %dma_wait3A_1897 = tpu.memref_slice %arg4[%mul3A_1894, %mul3A_1896] : memref<16384x832xf32, #tpu.memory_space<hbm>> -> memref<128x32xf32, #tpu.memory_space<hbm>>
        %dma_wait3A_1898 = tpu.memref_slice %arg4[%mul3A_1894, %mul3A_1896] : memref<16384x832xf32, #tpu.memory_space<hbm>> -> memref<128x32xf32, #tpu.memory_space<hbm>>
        tpu.wait_dma2 semaphore(%arg28 : memref<!tpu.dma_semaphore, #tpu.memory_space<semaphore_mem>>) src(%arg12 : memref<128x32xf32, #tpu.memory_space<vmem>>) dst(%dma_wait3A_1898 : memref<128x32xf32, #tpu.memory_space<hbm>>)
      } else {
      }
      %dma_wait3A_1181 = arith.constant 0 : i32
      %dma_wait3A_1182 = arith.constant 6 : i32
      %dma_wait3A_1183 = arith.constant 0 : i32
      %dma_wait3A_1184 = tpu.memref_slice %arg5[%dma_wait3A_1182, %dma_wait3A_1183] : memref<8x128xi32, #tpu.memory_space<vmem>> -> memref<1x128xi32, #tpu.memory_space<vmem>>
      %dma_wait3A_1185 = tpu.memref_squeeze %dma_wait3A_1184 : memref<1x128xi32, #tpu.memory_space<vmem>> -> memref<128xi32, #tpu.memory_space<vmem>>
      %dma_wait3A_1186 = arith.constant 0 : i32
      %dma_wait3A_1187 = tpu.memref_slice %arg3[%dma_wait3A_1181, %dma_wait3A_1186] : memref<26x16384xi32, #tpu.memory_space<hbm>> -> memref<1x128xi32, #tpu.memory_space<hbm>>
      %dma_wait3A_1188 = tpu.memref_squeeze %dma_wait3A_1187 : memref<1x128xi32, #tpu.memory_space<hbm>> -> memref<128xi32, #tpu.memory_space<hbm>>
      %dma_wait3A_1189 = arith.constant 0 : i32
      %dma_wait3A_1190 = tpu.memref_slice %arg5[%dma_wait3A_1182, %dma_wait3A_1189] : memref<8x128xi32, #tpu.memory_space<vmem>> -> memref<1x128xi32, #tpu.memory_space<vmem>>
      %dma_wait3A_1191 = tpu.memref_squeeze %dma_wait3A_1190 : memref<1x128xi32, #tpu.memory_space<vmem>> -> memref<128xi32, #tpu.memory_space<vmem>>
      %dma_wait3A_1192 = arith.constant 0 : i32
      %dma_wait3A_1193 = tpu.memref_slice %arg3[%dma_wait3A_1181, %dma_wait3A_1192] : memref<26x16384xi32, #tpu.memory_space<hbm>> -> memref<1x128xi32, #tpu.memory_space<hbm>>
      %dma_wait3A_1194 = tpu.memref_squeeze %dma_wait3A_1193 : memref<1x128xi32, #tpu.memory_space<hbm>> -> memref<128xi32, #tpu.memory_space<hbm>>
      tpu.wait_dma2 semaphore(%arg36 : memref<!tpu.dma_semaphore, #tpu.memory_space<semaphore_mem>>) src(%dma_wait3A_1194 : memref<128xi32, #tpu.memory_space<hbm>>) dst(%dma_wait3A_1191 : memref<128xi32, #tpu.memory_space<vmem>>)
      %add3A_1195 = arith.addi %mul3A_2, %add3A_1175 : i32
      %jit3A_1196 = arith.constant 128 : i32
      %div3A_1197 = arith.divsi %add3A_1195, %jit3A_1196 : i32
      %sign3A_1198 = arith.constant 0 : i32
      %sign3A_1199 = arith.cmpi sgt, %add3A_1195, %sign3A_1198 : i32
      %sign3A_1200 = arith.extui %sign3A_1199 : i1 to i32
      %sign3A_1201 = arith.constant 0 : i32
      %sign3A_1202 = arith.cmpi slt, %add3A_1195, %sign3A_1201 : i32
      %sign3A_1203 = arith.extui %sign3A_1202 : i1 to i32
      %sign3A_1204 = arith.subi %sign3A_1200, %sign3A_1203 : i32
      %sign3A_1205 = arith.constant 0 : i32
      %sign3A_1206 = arith.cmpi sgt, %jit3A_1196, %sign3A_1205 : i32
      %sign3A_1207 = arith.extui %sign3A_1206 : i1 to i32
      %sign3A_1208 = arith.constant 0 : i32
      %sign3A_1209 = arith.cmpi slt, %jit3A_1196, %sign3A_1208 : i32
      %sign3A_1210 = arith.extui %sign3A_1209 : i1 to i32
      %sign3A_1211 = arith.subi %sign3A_1207, %sign3A_1210 : i32
      %ne3A_1212 = arith.cmpi ne, %sign3A_1204, %sign3A_1211 : i32
      %rem3A_1213 = arith.remsi %add3A_1195, %jit3A_1196 : i32
      %ne3A_1214 = arith.constant 0 : i32
      %ne3A_1215 = arith.cmpi ne, %rem3A_1213, %ne3A_1214 : i32
      %and3A_1216 = arith.andi %ne3A_1212, %ne3A_1215 : i1
      %sub3A_1217 = arith.constant 1 : i32
      %sub3A_1218 = arith.subi %div3A_1197, %sub3A_1217 : i32
      %select_n3A_1219 = arith.select %and3A_1216, %sub3A_1218, %div3A_1197 : i32
      %dma_start3A_1220 = arith.constant 6 : i32
      %dma_start3A_1221 = arith.constant 0 : i32
      %dma_start3A_1222 = tpu.memref_slice %arg5[%dma_start3A_1220, %dma_start3A_1221] : memref<8x128xi32, #tpu.memory_space<vmem>> -> memref<1x128xi32, #tpu.memory_space<vmem>>
      %dma_start3A_1223 = tpu.memref_squeeze %dma_start3A_1222 : memref<1x128xi32, #tpu.memory_space<vmem>> -> memref<128xi32, #tpu.memory_space<vmem>>
      %dma_start3A_1224 = arith.constant 0 : i32
      %dma_start3A_1225 = arith.constant 0 : i32
      %dma_start3A_1226 = tpu.memref_slice %arg2[%select_n3A_1219, %dma_start3A_1224, %dma_start3A_1225] : memref<26x100000x32xf32, #tpu.memory_space<hbm>> -> memref<1x100000x32xf32, #tpu.memory_space<hbm>>
      %dma_start3A_1227 = tpu.memref_squeeze %dma_start3A_1226 : memref<1x100000x32xf32, #tpu.memory_space<hbm>> -> memref<100000x32xf32, #tpu.memory_space<hbm>>
      %dma_start3A_1228 = arith.constant 0 : i32
      %dma_start3A_1229 = arith.constant 0 : i32
      %dma_start3A_1230 = tpu.memref_slice %dma_start3A_1227[%dma_start3A_1228, %dma_start3A_1229] : memref<100000x32xf32, #tpu.memory_space<hbm>> -> memref<100000x32xf32, #tpu.memory_space<hbm>>
      tpu.enqueue_indirect_dma source(%dma_start3A_1230 : memref<100000x32xf32, #tpu.memory_space<hbm>>) target(%arg12 : memref<128x32xf32, #tpu.memory_space<vmem>>) offsets(%dma_start3A_1223 : memref<128xi32, #tpu.memory_space<vmem>>) semaphore(%arg20 : memref<!tpu.dma_semaphore, #tpu.memory_space<semaphore_mem>>)
      %mul3A_1231 = arith.constant 8 : i32
      %mul3A_1232 = arith.muli %scan3A_820, %mul3A_1231 : i32
      %add3A_1233 = arith.constant 7 : i32
      %add3A_1234 = arith.addi %mul3A_1232, %add3A_1233 : i32
      %gt3A_1235 = arith.constant 0 : i32
      %gt3A_1236 = arith.cmpi sgt, %scan3A_820, %gt3A_1235 : i32
      %convert_element_type3A_1237 = arith.extui %gt3A_1236 : i1 to i32
      %cond3A_1238 = arith.constant 0 : i32
      %cond3A_1239 = arith.cmpi ne, %convert_element_type3A_1237, %cond3A_1238 : i32
      scf.if %cond3A_1239 {
        %sub3A_1850 = arith.constant 8 : i32
        %sub3A_1851 = arith.subi %add3A_1234, %sub3A_1850 : i32
        %add3A_1852 = arith.addi %mul3A_2, %sub3A_1851 : i32
        %jit3A_1853 = arith.constant 128 : i32
        %div3A_1854 = arith.divsi %add3A_1852, %jit3A_1853 : i32
        %sign3A_1855 = arith.constant 0 : i32
        %sign3A_1856 = arith.cmpi sgt, %add3A_1852, %sign3A_1855 : i32
        %sign3A_1857 = arith.extui %sign3A_1856 : i1 to i32
        %sign3A_1858 = arith.constant 0 : i32
        %sign3A_1859 = arith.cmpi slt, %add3A_1852, %sign3A_1858 : i32
        %sign3A_1860 = arith.extui %sign3A_1859 : i1 to i32
        %sign3A_1861 = arith.subi %sign3A_1857, %sign3A_1860 : i32
        %sign3A_1862 = arith.constant 0 : i32
        %sign3A_1863 = arith.cmpi sgt, %jit3A_1853, %sign3A_1862 : i32
        %sign3A_1864 = arith.extui %sign3A_1863 : i1 to i32
        %sign3A_1865 = arith.constant 0 : i32
        %sign3A_1866 = arith.cmpi slt, %jit3A_1853, %sign3A_1865 : i32
        %sign3A_1867 = arith.extui %sign3A_1866 : i1 to i32
        %sign3A_1868 = arith.subi %sign3A_1864, %sign3A_1867 : i32
        %ne3A_1869 = arith.cmpi ne, %sign3A_1861, %sign3A_1868 : i32
        %rem3A_1870 = arith.remsi %add3A_1852, %jit3A_1853 : i32
        %ne3A_1871 = arith.constant 0 : i32
        %ne3A_1872 = arith.cmpi ne, %rem3A_1870, %ne3A_1871 : i32
        %and3A_1873 = arith.andi %ne3A_1869, %ne3A_1872 : i1
        %sub3A_1874 = arith.constant 1 : i32
        %sub3A_1875 = arith.subi %div3A_1854, %sub3A_1874 : i32
        %select_n3A_1876 = arith.select %and3A_1873, %sub3A_1875, %div3A_1854 : i32
        %jit3A_1877 = arith.constant 128 : i32
        %eq3A_1878 = arith.constant 0 : i32
        %eq3A_1879 = arith.cmpi eq, %jit3A_1877, %eq3A_1878 : i32
        %jit3A_1880 = arith.constant 1 : i32
        %select_n3A_1881 = arith.select %eq3A_1879, %jit3A_1880, %jit3A_1877 : i32
        %rem3A_1882 = arith.remsi %add3A_1852, %select_n3A_1881 : i32
        %ne3A_1883 = arith.constant 0 : i32
        %ne3A_1884 = arith.cmpi ne, %rem3A_1882, %ne3A_1883 : i32
        %lt3A_1885 = arith.constant 0 : i32
        %lt3A_1886 = arith.cmpi slt, %rem3A_1882, %lt3A_1885 : i32
        %lt3A_1887 = arith.constant 0 : i32
        %lt3A_1888 = arith.cmpi slt, %select_n3A_1881, %lt3A_1887 : i32
        %ne3A_1889 = arith.xori %lt3A_1886, %lt3A_1888 : i1
        %and3A_1890 = arith.andi %ne3A_1889, %ne3A_1884 : i1
        %add3A_1891 = arith.addi %rem3A_1882, %select_n3A_1881 : i32
        %select_n3A_1892 = arith.select %and3A_1890, %add3A_1891, %rem3A_1882 : i32
        %mul3A_1893 = arith.constant 128 : i32
        %mul3A_1894 = arith.muli %select_n3A_1892, %mul3A_1893 : i32
        %mul3A_1895 = arith.constant 32 : i32
        %mul3A_1896 = arith.muli %select_n3A_1876, %mul3A_1895 : i32
        %dma_wait3A_1897 = tpu.memref_slice %arg4[%mul3A_1894, %mul3A_1896] : memref<16384x832xf32, #tpu.memory_space<hbm>> -> memref<128x32xf32, #tpu.memory_space<hbm>>
        %dma_wait3A_1898 = tpu.memref_slice %arg4[%mul3A_1894, %mul3A_1896] : memref<16384x832xf32, #tpu.memory_space<hbm>> -> memref<128x32xf32, #tpu.memory_space<hbm>>
        tpu.wait_dma2 semaphore(%arg29 : memref<!tpu.dma_semaphore, #tpu.memory_space<semaphore_mem>>) src(%arg13 : memref<128x32xf32, #tpu.memory_space<vmem>>) dst(%dma_wait3A_1898 : memref<128x32xf32, #tpu.memory_space<hbm>>)
      } else {
      }
      %dma_wait3A_1240 = arith.constant 0 : i32
      %dma_wait3A_1241 = arith.constant 7 : i32
      %dma_wait3A_1242 = arith.constant 0 : i32
      %dma_wait3A_1243 = tpu.memref_slice %arg5[%dma_wait3A_1241, %dma_wait3A_1242] : memref<8x128xi32, #tpu.memory_space<vmem>> -> memref<1x128xi32, #tpu.memory_space<vmem>>
      %dma_wait3A_1244 = tpu.memref_squeeze %dma_wait3A_1243 : memref<1x128xi32, #tpu.memory_space<vmem>> -> memref<128xi32, #tpu.memory_space<vmem>>
      %dma_wait3A_1245 = arith.constant 0 : i32
      %dma_wait3A_1246 = tpu.memref_slice %arg3[%dma_wait3A_1240, %dma_wait3A_1245] : memref<26x16384xi32, #tpu.memory_space<hbm>> -> memref<1x128xi32, #tpu.memory_space<hbm>>
      %dma_wait3A_1247 = tpu.memref_squeeze %dma_wait3A_1246 : memref<1x128xi32, #tpu.memory_space<hbm>> -> memref<128xi32, #tpu.memory_space<hbm>>
      %dma_wait3A_1248 = arith.constant 0 : i32
      %dma_wait3A_1249 = tpu.memref_slice %arg5[%dma_wait3A_1241, %dma_wait3A_1248] : memref<8x128xi32, #tpu.memory_space<vmem>> -> memref<1x128xi32, #tpu.memory_space<vmem>>
      %dma_wait3A_1250 = tpu.memref_squeeze %dma_wait3A_1249 : memref<1x128xi32, #tpu.memory_space<vmem>> -> memref<128xi32, #tpu.memory_space<vmem>>
      %dma_wait3A_1251 = arith.constant 0 : i32
      %dma_wait3A_1252 = tpu.memref_slice %arg3[%dma_wait3A_1240, %dma_wait3A_1251] : memref<26x16384xi32, #tpu.memory_space<hbm>> -> memref<1x128xi32, #tpu.memory_space<hbm>>
      %dma_wait3A_1253 = tpu.memref_squeeze %dma_wait3A_1252 : memref<1x128xi32, #tpu.memory_space<hbm>> -> memref<128xi32, #tpu.memory_space<hbm>>
      tpu.wait_dma2 semaphore(%arg37 : memref<!tpu.dma_semaphore, #tpu.memory_space<semaphore_mem>>) src(%dma_wait3A_1253 : memref<128xi32, #tpu.memory_space<hbm>>) dst(%dma_wait3A_1250 : memref<128xi32, #tpu.memory_space<vmem>>)
      %add3A_1254 = arith.addi %mul3A_2, %add3A_1234 : i32
      %jit3A_1255 = arith.constant 128 : i32
      %div3A_1256 = arith.divsi %add3A_1254, %jit3A_1255 : i32
      %sign3A_1257 = arith.constant 0 : i32
      %sign3A_1258 = arith.cmpi sgt, %add3A_1254, %sign3A_1257 : i32
      %sign3A_1259 = arith.extui %sign3A_1258 : i1 to i32
      %sign3A_1260 = arith.constant 0 : i32
      %sign3A_1261 = arith.cmpi slt, %add3A_1254, %sign3A_1260 : i32
      %sign3A_1262 = arith.extui %sign3A_1261 : i1 to i32
      %sign3A_1263 = arith.subi %sign3A_1259, %sign3A_1262 : i32
      %sign3A_1264 = arith.constant 0 : i32
      %sign3A_1265 = arith.cmpi sgt, %jit3A_1255, %sign3A_1264 : i32
      %sign3A_1266 = arith.extui %sign3A_1265 : i1 to i32
      %sign3A_1267 = arith.constant 0 : i32
      %sign3A_1268 = arith.cmpi slt, %jit3A_1255, %sign3A_1267 : i32
      %sign3A_1269 = arith.extui %sign3A_1268 : i1 to i32
      %sign3A_1270 = arith.subi %sign3A_1266, %sign3A_1269 : i32
      %ne3A_1271 = arith.cmpi ne, %sign3A_1263, %sign3A_1270 : i32
      %rem3A_1272 = arith.remsi %add3A_1254, %jit3A_1255 : i32
      %ne3A_1273 = arith.constant 0 : i32
      %ne3A_1274 = arith.cmpi ne, %rem3A_1272, %ne3A_1273 : i32
      %and3A_1275 = arith.andi %ne3A_1271, %ne3A_1274 : i1
      %sub3A_1276 = arith.constant 1 : i32
      %sub3A_1277 = arith.subi %div3A_1256, %sub3A_1276 : i32
      %select_n3A_1278 = arith.select %and3A_1275, %sub3A_1277, %div3A_1256 : i32
      %dma_start3A_1279 = arith.constant 7 : i32
      %dma_start3A_1280 = arith.constant 0 : i32
      %dma_start3A_1281 = tpu.memref_slice %arg5[%dma_start3A_1279, %dma_start3A_1280] : memref<8x128xi32, #tpu.memory_space<vmem>> -> memref<1x128xi32, #tpu.memory_space<vmem>>
      %dma_start3A_1282 = tpu.memref_squeeze %dma_start3A_1281 : memref<1x128xi32, #tpu.memory_space<vmem>> -> memref<128xi32, #tpu.memory_space<vmem>>
      %dma_start3A_1283 = arith.constant 0 : i32
      %dma_start3A_1284 = arith.constant 0 : i32
      %dma_start3A_1285 = tpu.memref_slice %arg2[%select_n3A_1278, %dma_start3A_1283, %dma_start3A_1284] : memref<26x100000x32xf32, #tpu.memory_space<hbm>> -> memref<1x100000x32xf32, #tpu.memory_space<hbm>>
      %dma_start3A_1286 = tpu.memref_squeeze %dma_start3A_1285 : memref<1x100000x32xf32, #tpu.memory_space<hbm>> -> memref<100000x32xf32, #tpu.memory_space<hbm>>
      %dma_start3A_1287 = arith.constant 0 : i32
      %dma_start3A_1288 = arith.constant 0 : i32
      %dma_start3A_1289 = tpu.memref_slice %dma_start3A_1286[%dma_start3A_1287, %dma_start3A_1288] : memref<100000x32xf32, #tpu.memory_space<hbm>> -> memref<100000x32xf32, #tpu.memory_space<hbm>>
      tpu.enqueue_indirect_dma source(%dma_start3A_1289 : memref<100000x32xf32, #tpu.memory_space<hbm>>) target(%arg13 : memref<128x32xf32, #tpu.memory_space<vmem>>) offsets(%dma_start3A_1282 : memref<128xi32, #tpu.memory_space<vmem>>) semaphore(%arg21 : memref<!tpu.dma_semaphore, #tpu.memory_space<semaphore_mem>>)
      %mul3A_1290 = arith.constant 8 : i32
      %mul3A_1291 = arith.muli %scan3A_820, %mul3A_1290 : i32
      %add3A_1292 = arith.constant 0 : i32
      %add3A_1293 = arith.addi %mul3A_1291, %add3A_1292 : i32
      %dma_wait3A_1294 = arith.constant 0 : i32
      %dma_wait3A_1295 = arith.constant 0 : i32
      %dma_wait3A_1296 = arith.constant 0 : i32
      %dma_wait3A_1297 = tpu.memref_slice %arg5[%dma_wait3A_1295, %dma_wait3A_1296] : memref<8x128xi32, #tpu.memory_space<vmem>> -> memref<1x128xi32, #tpu.memory_space<vmem>>
      %dma_wait3A_1298 = tpu.memref_squeeze %dma_wait3A_1297 : memref<1x128xi32, #tpu.memory_space<vmem>> -> memref<128xi32, #tpu.memory_space<vmem>>
      %dma_wait3A_1299 = arith.constant 0 : i32
      %dma_wait3A_1300 = arith.constant 0 : i32
      %dma_wait3A_1301 = tpu.memref_slice %arg2[%dma_wait3A_1294, %dma_wait3A_1299, %dma_wait3A_1300] : memref<26x100000x32xf32, #tpu.memory_space<hbm>> -> memref<1x100000x32xf32, #tpu.memory_space<hbm>>
      %dma_wait3A_1302 = tpu.memref_squeeze %dma_wait3A_1301 : memref<1x100000x32xf32, #tpu.memory_space<hbm>> -> memref<100000x32xf32, #tpu.memory_space<hbm>>
      %dma_wait3A_1303 = arith.constant 0 : i32
      %dma_wait3A_1304 = arith.constant 0 : i32
      %dma_wait3A_1305 = tpu.memref_slice %dma_wait3A_1302[%dma_wait3A_1303, %dma_wait3A_1304] : memref<100000x32xf32, #tpu.memory_space<hbm>> -> memref<100000x32xf32, #tpu.memory_space<hbm>>
      tpu.wait_indirect_dma semaphore(%arg14 : memref<!tpu.dma_semaphore, #tpu.memory_space<semaphore_mem>>) src(%dma_wait3A_1305 : memref<100000x32xf32, #tpu.memory_space<hbm>>) dst(%arg6 : memref<128x32xf32, #tpu.memory_space<vmem>>)
      %add3A_1306 = arith.addi %mul3A_2, %add3A_1293 : i32
      %jit3A_1307 = arith.constant 128 : i32
      %div3A_1308 = arith.divsi %add3A_1306, %jit3A_1307 : i32
      %sign3A_1309 = arith.constant 0 : i32
      %sign3A_1310 = arith.cmpi sgt, %add3A_1306, %sign3A_1309 : i32
      %sign3A_1311 = arith.extui %sign3A_1310 : i1 to i32
      %sign3A_1312 = arith.constant 0 : i32
      %sign3A_1313 = arith.cmpi slt, %add3A_1306, %sign3A_1312 : i32
      %sign3A_1314 = arith.extui %sign3A_1313 : i1 to i32
      %sign3A_1315 = arith.subi %sign3A_1311, %sign3A_1314 : i32
      %sign3A_1316 = arith.constant 0 : i32
      %sign3A_1317 = arith.cmpi sgt, %jit3A_1307, %sign3A_1316 : i32
      %sign3A_1318 = arith.extui %sign3A_1317 : i1 to i32
      %sign3A_1319 = arith.constant 0 : i32
      %sign3A_1320 = arith.cmpi slt, %jit3A_1307, %sign3A_1319 : i32
      %sign3A_1321 = arith.extui %sign3A_1320 : i1 to i32
      %sign3A_1322 = arith.subi %sign3A_1318, %sign3A_1321 : i32
      %ne3A_1323 = arith.cmpi ne, %sign3A_1315, %sign3A_1322 : i32
      %rem3A_1324 = arith.remsi %add3A_1306, %jit3A_1307 : i32
      %ne3A_1325 = arith.constant 0 : i32
      %ne3A_1326 = arith.cmpi ne, %rem3A_1324, %ne3A_1325 : i32
      %and3A_1327 = arith.andi %ne3A_1323, %ne3A_1326 : i1
      %sub3A_1328 = arith.constant 1 : i32
      %sub3A_1329 = arith.subi %div3A_1308, %sub3A_1328 : i32
      %select_n3A_1330 = arith.select %and3A_1327, %sub3A_1329, %div3A_1308 : i32
      %jit3A_1331 = arith.constant 128 : i32
      %eq3A_1332 = arith.constant 0 : i32
      %eq3A_1333 = arith.cmpi eq, %jit3A_1331, %eq3A_1332 : i32
      %jit3A_1334 = arith.constant 1 : i32
      %select_n3A_1335 = arith.select %eq3A_1333, %jit3A_1334, %jit3A_1331 : i32
      %rem3A_1336 = arith.remsi %add3A_1306, %select_n3A_1335 : i32
      %ne3A_1337 = arith.constant 0 : i32
      %ne3A_1338 = arith.cmpi ne, %rem3A_1336, %ne3A_1337 : i32
      %lt3A_1339 = arith.constant 0 : i32
      %lt3A_1340 = arith.cmpi slt, %rem3A_1336, %lt3A_1339 : i32
      %lt3A_1341 = arith.constant 0 : i32
      %lt3A_1342 = arith.cmpi slt, %select_n3A_1335, %lt3A_1341 : i32
      %ne3A_1343 = arith.xori %lt3A_1340, %lt3A_1342 : i1
      %and3A_1344 = arith.andi %ne3A_1343, %ne3A_1338 : i1
      %add3A_1345 = arith.addi %rem3A_1336, %select_n3A_1335 : i32
      %select_n3A_1346 = arith.select %and3A_1344, %add3A_1345, %rem3A_1336 : i32
      %mul3A_1347 = arith.constant 128 : i32
      %mul3A_1348 = arith.muli %select_n3A_1346, %mul3A_1347 : i32
      %mul3A_1349 = arith.constant 32 : i32
      %mul3A_1350 = arith.muli %select_n3A_1330, %mul3A_1349 : i32
      %dma_start3A_1351 = tpu.memref_slice %arg4[%mul3A_1348, %mul3A_1350] : memref<16384x832xf32, #tpu.memory_space<hbm>> -> memref<128x32xf32, #tpu.memory_space<hbm>>
      %dma_start3A_1352 = tpu.memref_slice %arg4[%mul3A_1348, %mul3A_1350] : memref<16384x832xf32, #tpu.memory_space<hbm>> -> memref<128x32xf32, #tpu.memory_space<hbm>>
      tpu.enqueue_dma source(%arg6 : memref<128x32xf32, #tpu.memory_space<vmem>>) target(%dma_start3A_1352 : memref<128x32xf32, #tpu.memory_space<hbm>>) target_semaphore(%arg22 : memref<!tpu.dma_semaphore, #tpu.memory_space<semaphore_mem>>)
      %add3A_1353 = arith.constant 8 : i32
      %add3A_1354 = arith.addi %add3A_1293, %add3A_1353 : i32
      %lt3A_1355 = arith.constant 104 : i32
      %lt3A_1356 = arith.cmpi slt, %add3A_1354, %lt3A_1355 : i32
      %convert_element_type3A_1357 = arith.extui %lt3A_1356 : i1 to i32
      %cond3A_1358 = arith.constant 0 : i32
      %cond3A_1359 = arith.cmpi ne, %convert_element_type3A_1357, %cond3A_1358 : i32
      scf.if %cond3A_1359 {
        %add3A_1850 = arith.constant 8 : i32
        %add3A_1851 = arith.addi %add3A_1293, %add3A_1850 : i32
        %add3A_1852 = arith.addi %mul3A_2, %add3A_1851 : i32
        %jit3A_1853 = arith.constant 128 : i32
        %div3A_1854 = arith.divsi %add3A_1852, %jit3A_1853 : i32
        %sign3A_1855 = arith.constant 0 : i32
        %sign3A_1856 = arith.cmpi sgt, %add3A_1852, %sign3A_1855 : i32
        %sign3A_1857 = arith.extui %sign3A_1856 : i1 to i32
        %sign3A_1858 = arith.constant 0 : i32
        %sign3A_1859 = arith.cmpi slt, %add3A_1852, %sign3A_1858 : i32
        %sign3A_1860 = arith.extui %sign3A_1859 : i1 to i32
        %sign3A_1861 = arith.subi %sign3A_1857, %sign3A_1860 : i32
        %sign3A_1862 = arith.constant 0 : i32
        %sign3A_1863 = arith.cmpi sgt, %jit3A_1853, %sign3A_1862 : i32
        %sign3A_1864 = arith.extui %sign3A_1863 : i1 to i32
        %sign3A_1865 = arith.constant 0 : i32
        %sign3A_1866 = arith.cmpi slt, %jit3A_1853, %sign3A_1865 : i32
        %sign3A_1867 = arith.extui %sign3A_1866 : i1 to i32
        %sign3A_1868 = arith.subi %sign3A_1864, %sign3A_1867 : i32
        %ne3A_1869 = arith.cmpi ne, %sign3A_1861, %sign3A_1868 : i32
        %rem3A_1870 = arith.remsi %add3A_1852, %jit3A_1853 : i32
        %ne3A_1871 = arith.constant 0 : i32
        %ne3A_1872 = arith.cmpi ne, %rem3A_1870, %ne3A_1871 : i32
        %and3A_1873 = arith.andi %ne3A_1869, %ne3A_1872 : i1
        %sub3A_1874 = arith.constant 1 : i32
        %sub3A_1875 = arith.subi %div3A_1854, %sub3A_1874 : i32
        %select_n3A_1876 = arith.select %and3A_1873, %sub3A_1875, %div3A_1854 : i32
        %jit3A_1877 = arith.constant 128 : i32
        %eq3A_1878 = arith.constant 0 : i32
        %eq3A_1879 = arith.cmpi eq, %jit3A_1877, %eq3A_1878 : i32
        %jit3A_1880 = arith.constant 1 : i32
        %select_n3A_1881 = arith.select %eq3A_1879, %jit3A_1880, %jit3A_1877 : i32
        %rem3A_1882 = arith.remsi %add3A_1852, %select_n3A_1881 : i32
        %ne3A_1883 = arith.constant 0 : i32
        %ne3A_1884 = arith.cmpi ne, %rem3A_1882, %ne3A_1883 : i32
        %lt3A_1885 = arith.constant 0 : i32
        %lt3A_1886 = arith.cmpi slt, %rem3A_1882, %lt3A_1885 : i32
        %lt3A_1887 = arith.constant 0 : i32
        %lt3A_1888 = arith.cmpi slt, %select_n3A_1881, %lt3A_1887 : i32
        %ne3A_1889 = arith.xori %lt3A_1886, %lt3A_1888 : i1
        %and3A_1890 = arith.andi %ne3A_1889, %ne3A_1884 : i1
        %add3A_1891 = arith.addi %rem3A_1882, %select_n3A_1881 : i32
        %select_n3A_1892 = arith.select %and3A_1890, %add3A_1891, %rem3A_1882 : i32
        %mul3A_1893 = arith.constant 128 : i32
        %mul3A_1894 = arith.muli %select_n3A_1892, %mul3A_1893 : i32
        %dma_start3A_1895 = arith.constant 0 : i32
        %dma_start3A_1896 = arith.constant 0 : i32
        %dma_start3A_1897 = tpu.memref_slice %arg5[%dma_start3A_1895, %dma_start3A_1896] : memref<8x128xi32, #tpu.memory_space<vmem>> -> memref<1x128xi32, #tpu.memory_space<vmem>>
        %dma_start3A_1898 = tpu.memref_squeeze %dma_start3A_1897 : memref<1x128xi32, #tpu.memory_space<vmem>> -> memref<128xi32, #tpu.memory_space<vmem>>
        %dma_start3A_1899 = tpu.memref_slice %arg3[%select_n3A_1876, %mul3A_1894] : memref<26x16384xi32, #tpu.memory_space<hbm>> -> memref<1x128xi32, #tpu.memory_space<hbm>>
        %dma_start3A_1900 = tpu.memref_squeeze %dma_start3A_1899 : memref<1x128xi32, #tpu.memory_space<hbm>> -> memref<128xi32, #tpu.memory_space<hbm>>
        %dma_start3A_1901 = arith.constant 0 : i32
        %dma_start3A_1902 = tpu.memref_slice %arg5[%dma_start3A_1895, %dma_start3A_1901] : memref<8x128xi32, #tpu.memory_space<vmem>> -> memref<1x128xi32, #tpu.memory_space<vmem>>
        %dma_start3A_1903 = tpu.memref_squeeze %dma_start3A_1902 : memref<1x128xi32, #tpu.memory_space<vmem>> -> memref<128xi32, #tpu.memory_space<vmem>>
        %dma_start3A_1904 = tpu.memref_slice %arg3[%select_n3A_1876, %mul3A_1894] : memref<26x16384xi32, #tpu.memory_space<hbm>> -> memref<1x128xi32, #tpu.memory_space<hbm>>
        %dma_start3A_1905 = tpu.memref_squeeze %dma_start3A_1904 : memref<1x128xi32, #tpu.memory_space<hbm>> -> memref<128xi32, #tpu.memory_space<hbm>>
        tpu.enqueue_dma source(%dma_start3A_1905 : memref<128xi32, #tpu.memory_space<hbm>>) target(%dma_start3A_1903 : memref<128xi32, #tpu.memory_space<vmem>>) target_semaphore(%arg30 : memref<!tpu.dma_semaphore, #tpu.memory_space<semaphore_mem>>)
      } else {
      }
      %mul3A_1360 = arith.constant 8 : i32
      %mul3A_1361 = arith.muli %scan3A_820, %mul3A_1360 : i32
      %add3A_1362 = arith.constant 1 : i32
      %add3A_1363 = arith.addi %mul3A_1361, %add3A_1362 : i32
      %dma_wait3A_1364 = arith.constant 0 : i32
      %dma_wait3A_1365 = arith.constant 1 : i32
      %dma_wait3A_1366 = arith.constant 0 : i32
      %dma_wait3A_1367 = tpu.memref_slice %arg5[%dma_wait3A_1365, %dma_wait3A_1366] : memref<8x128xi32, #tpu.memory_space<vmem>> -> memref<1x128xi32, #tpu.memory_space<vmem>>
      %dma_wait3A_1368 = tpu.memref_squeeze %dma_wait3A_1367 : memref<1x128xi32, #tpu.memory_space<vmem>> -> memref<128xi32, #tpu.memory_space<vmem>>
      %dma_wait3A_1369 = arith.constant 0 : i32
      %dma_wait3A_1370 = arith.constant 0 : i32
      %dma_wait3A_1371 = tpu.memref_slice %arg2[%dma_wait3A_1364, %dma_wait3A_1369, %dma_wait3A_1370] : memref<26x100000x32xf32, #tpu.memory_space<hbm>> -> memref<1x100000x32xf32, #tpu.memory_space<hbm>>
      %dma_wait3A_1372 = tpu.memref_squeeze %dma_wait3A_1371 : memref<1x100000x32xf32, #tpu.memory_space<hbm>> -> memref<100000x32xf32, #tpu.memory_space<hbm>>
      %dma_wait3A_1373 = arith.constant 0 : i32
      %dma_wait3A_1374 = arith.constant 0 : i32
      %dma_wait3A_1375 = tpu.memref_slice %dma_wait3A_1372[%dma_wait3A_1373, %dma_wait3A_1374] : memref<100000x32xf32, #tpu.memory_space<hbm>> -> memref<100000x32xf32, #tpu.memory_space<hbm>>
      tpu.wait_indirect_dma semaphore(%arg15 : memref<!tpu.dma_semaphore, #tpu.memory_space<semaphore_mem>>) src(%dma_wait3A_1375 : memref<100000x32xf32, #tpu.memory_space<hbm>>) dst(%arg7 : memref<128x32xf32, #tpu.memory_space<vmem>>)
      %add3A_1376 = arith.addi %mul3A_2, %add3A_1363 : i32
      %jit3A_1377 = arith.constant 128 : i32
      %div3A_1378 = arith.divsi %add3A_1376, %jit3A_1377 : i32
      %sign3A_1379 = arith.constant 0 : i32
      %sign3A_1380 = arith.cmpi sgt, %add3A_1376, %sign3A_1379 : i32
      %sign3A_1381 = arith.extui %sign3A_1380 : i1 to i32
      %sign3A_1382 = arith.constant 0 : i32
      %sign3A_1383 = arith.cmpi slt, %add3A_1376, %sign3A_1382 : i32
      %sign3A_1384 = arith.extui %sign3A_1383 : i1 to i32
      %sign3A_1385 = arith.subi %sign3A_1381, %sign3A_1384 : i32
      %sign3A_1386 = arith.constant 0 : i32
      %sign3A_1387 = arith.cmpi sgt, %jit3A_1377, %sign3A_1386 : i32
      %sign3A_1388 = arith.extui %sign3A_1387 : i1 to i32
      %sign3A_1389 = arith.constant 0 : i32
      %sign3A_1390 = arith.cmpi slt, %jit3A_1377, %sign3A_1389 : i32
      %sign3A_1391 = arith.extui %sign3A_1390 : i1 to i32
      %sign3A_1392 = arith.subi %sign3A_1388, %sign3A_1391 : i32
      %ne3A_1393 = arith.cmpi ne, %sign3A_1385, %sign3A_1392 : i32
      %rem3A_1394 = arith.remsi %add3A_1376, %jit3A_1377 : i32
      %ne3A_1395 = arith.constant 0 : i32
      %ne3A_1396 = arith.cmpi ne, %rem3A_1394, %ne3A_1395 : i32
      %and3A_1397 = arith.andi %ne3A_1393, %ne3A_1396 : i1
      %sub3A_1398 = arith.constant 1 : i32
      %sub3A_1399 = arith.subi %div3A_1378, %sub3A_1398 : i32
      %select_n3A_1400 = arith.select %and3A_1397, %sub3A_1399, %div3A_1378 : i32
      %jit3A_1401 = arith.constant 128 : i32
      %eq3A_1402 = arith.constant 0 : i32
      %eq3A_1403 = arith.cmpi eq, %jit3A_1401, %eq3A_1402 : i32
      %jit3A_1404 = arith.constant 1 : i32
      %select_n3A_1405 = arith.select %eq3A_1403, %jit3A_1404, %jit3A_1401 : i32
      %rem3A_1406 = arith.remsi %add3A_1376, %select_n3A_1405 : i32
      %ne3A_1407 = arith.constant 0 : i32
      %ne3A_1408 = arith.cmpi ne, %rem3A_1406, %ne3A_1407 : i32
      %lt3A_1409 = arith.constant 0 : i32
      %lt3A_1410 = arith.cmpi slt, %rem3A_1406, %lt3A_1409 : i32
      %lt3A_1411 = arith.constant 0 : i32
      %lt3A_1412 = arith.cmpi slt, %select_n3A_1405, %lt3A_1411 : i32
      %ne3A_1413 = arith.xori %lt3A_1410, %lt3A_1412 : i1
      %and3A_1414 = arith.andi %ne3A_1413, %ne3A_1408 : i1
      %add3A_1415 = arith.addi %rem3A_1406, %select_n3A_1405 : i32
      %select_n3A_1416 = arith.select %and3A_1414, %add3A_1415, %rem3A_1406 : i32
      %mul3A_1417 = arith.constant 128 : i32
      %mul3A_1418 = arith.muli %select_n3A_1416, %mul3A_1417 : i32
      %mul3A_1419 = arith.constant 32 : i32
      %mul3A_1420 = arith.muli %select_n3A_1400, %mul3A_1419 : i32
      %dma_start3A_1421 = tpu.memref_slice %arg4[%mul3A_1418, %mul3A_1420] : memref<16384x832xf32, #tpu.memory_space<hbm>> -> memref<128x32xf32, #tpu.memory_space<hbm>>
      %dma_start3A_1422 = tpu.memref_slice %arg4[%mul3A_1418, %mul3A_1420] : memref<16384x832xf32, #tpu.memory_space<hbm>> -> memref<128x32xf32, #tpu.memory_space<hbm>>
      tpu.enqueue_dma source(%arg7 : memref<128x32xf32, #tpu.memory_space<vmem>>) target(%dma_start3A_1422 : memref<128x32xf32, #tpu.memory_space<hbm>>) target_semaphore(%arg23 : memref<!tpu.dma_semaphore, #tpu.memory_space<semaphore_mem>>)
      %add3A_1423 = arith.constant 8 : i32
      %add3A_1424 = arith.addi %add3A_1363, %add3A_1423 : i32
      %lt3A_1425 = arith.constant 104 : i32
      %lt3A_1426 = arith.cmpi slt, %add3A_1424, %lt3A_1425 : i32
      %convert_element_type3A_1427 = arith.extui %lt3A_1426 : i1 to i32
      %cond3A_1428 = arith.constant 0 : i32
      %cond3A_1429 = arith.cmpi ne, %convert_element_type3A_1427, %cond3A_1428 : i32
      scf.if %cond3A_1429 {
        %add3A_1850 = arith.constant 8 : i32
        %add3A_1851 = arith.addi %add3A_1363, %add3A_1850 : i32
        %add3A_1852 = arith.addi %mul3A_2, %add3A_1851 : i32
        %jit3A_1853 = arith.constant 128 : i32
        %div3A_1854 = arith.divsi %add3A_1852, %jit3A_1853 : i32
        %sign3A_1855 = arith.constant 0 : i32
        %sign3A_1856 = arith.cmpi sgt, %add3A_1852, %sign3A_1855 : i32
        %sign3A_1857 = arith.extui %sign3A_1856 : i1 to i32
        %sign3A_1858 = arith.constant 0 : i32
        %sign3A_1859 = arith.cmpi slt, %add3A_1852, %sign3A_1858 : i32
        %sign3A_1860 = arith.extui %sign3A_1859 : i1 to i32
        %sign3A_1861 = arith.subi %sign3A_1857, %sign3A_1860 : i32
        %sign3A_1862 = arith.constant 0 : i32
        %sign3A_1863 = arith.cmpi sgt, %jit3A_1853, %sign3A_1862 : i32
        %sign3A_1864 = arith.extui %sign3A_1863 : i1 to i32
        %sign3A_1865 = arith.constant 0 : i32
        %sign3A_1866 = arith.cmpi slt, %jit3A_1853, %sign3A_1865 : i32
        %sign3A_1867 = arith.extui %sign3A_1866 : i1 to i32
        %sign3A_1868 = arith.subi %sign3A_1864, %sign3A_1867 : i32
        %ne3A_1869 = arith.cmpi ne, %sign3A_1861, %sign3A_1868 : i32
        %rem3A_1870 = arith.remsi %add3A_1852, %jit3A_1853 : i32
        %ne3A_1871 = arith.constant 0 : i32
        %ne3A_1872 = arith.cmpi ne, %rem3A_1870, %ne3A_1871 : i32
        %and3A_1873 = arith.andi %ne3A_1869, %ne3A_1872 : i1
        %sub3A_1874 = arith.constant 1 : i32
        %sub3A_1875 = arith.subi %div3A_1854, %sub3A_1874 : i32
        %select_n3A_1876 = arith.select %and3A_1873, %sub3A_1875, %div3A_1854 : i32
        %jit3A_1877 = arith.constant 128 : i32
        %eq3A_1878 = arith.constant 0 : i32
        %eq3A_1879 = arith.cmpi eq, %jit3A_1877, %eq3A_1878 : i32
        %jit3A_1880 = arith.constant 1 : i32
        %select_n3A_1881 = arith.select %eq3A_1879, %jit3A_1880, %jit3A_1877 : i32
        %rem3A_1882 = arith.remsi %add3A_1852, %select_n3A_1881 : i32
        %ne3A_1883 = arith.constant 0 : i32
        %ne3A_1884 = arith.cmpi ne, %rem3A_1882, %ne3A_1883 : i32
        %lt3A_1885 = arith.constant 0 : i32
        %lt3A_1886 = arith.cmpi slt, %rem3A_1882, %lt3A_1885 : i32
        %lt3A_1887 = arith.constant 0 : i32
        %lt3A_1888 = arith.cmpi slt, %select_n3A_1881, %lt3A_1887 : i32
        %ne3A_1889 = arith.xori %lt3A_1886, %lt3A_1888 : i1
        %and3A_1890 = arith.andi %ne3A_1889, %ne3A_1884 : i1
        %add3A_1891 = arith.addi %rem3A_1882, %select_n3A_1881 : i32
        %select_n3A_1892 = arith.select %and3A_1890, %add3A_1891, %rem3A_1882 : i32
        %mul3A_1893 = arith.constant 128 : i32
        %mul3A_1894 = arith.muli %select_n3A_1892, %mul3A_1893 : i32
        %dma_start3A_1895 = arith.constant 1 : i32
        %dma_start3A_1896 = arith.constant 0 : i32
        %dma_start3A_1897 = tpu.memref_slice %arg5[%dma_start3A_1895, %dma_start3A_1896] : memref<8x128xi32, #tpu.memory_space<vmem>> -> memref<1x128xi32, #tpu.memory_space<vmem>>
        %dma_start3A_1898 = tpu.memref_squeeze %dma_start3A_1897 : memref<1x128xi32, #tpu.memory_space<vmem>> -> memref<128xi32, #tpu.memory_space<vmem>>
        %dma_start3A_1899 = tpu.memref_slice %arg3[%select_n3A_1876, %mul3A_1894] : memref<26x16384xi32, #tpu.memory_space<hbm>> -> memref<1x128xi32, #tpu.memory_space<hbm>>
        %dma_start3A_1900 = tpu.memref_squeeze %dma_start3A_1899 : memref<1x128xi32, #tpu.memory_space<hbm>> -> memref<128xi32, #tpu.memory_space<hbm>>
        %dma_start3A_1901 = arith.constant 0 : i32
        %dma_start3A_1902 = tpu.memref_slice %arg5[%dma_start3A_1895, %dma_start3A_1901] : memref<8x128xi32, #tpu.memory_space<vmem>> -> memref<1x128xi32, #tpu.memory_space<vmem>>
        %dma_start3A_1903 = tpu.memref_squeeze %dma_start3A_1902 : memref<1x128xi32, #tpu.memory_space<vmem>> -> memref<128xi32, #tpu.memory_space<vmem>>
        %dma_start3A_1904 = tpu.memref_slice %arg3[%select_n3A_1876, %mul3A_1894] : memref<26x16384xi32, #tpu.memory_space<hbm>> -> memref<1x128xi32, #tpu.memory_space<hbm>>
        %dma_start3A_1905 = tpu.memref_squeeze %dma_start3A_1904 : memref<1x128xi32, #tpu.memory_space<hbm>> -> memref<128xi32, #tpu.memory_space<hbm>>
        tpu.enqueue_dma source(%dma_start3A_1905 : memref<128xi32, #tpu.memory_space<hbm>>) target(%dma_start3A_1903 : memref<128xi32, #tpu.memory_space<vmem>>) target_semaphore(%arg31 : memref<!tpu.dma_semaphore, #tpu.memory_space<semaphore_mem>>)
      } else {
      }
      %mul3A_1430 = arith.constant 8 : i32
      %mul3A_1431 = arith.muli %scan3A_820, %mul3A_1430 : i32
      %add3A_1432 = arith.constant 2 : i32
      %add3A_1433 = arith.addi %mul3A_1431, %add3A_1432 : i32
      %dma_wait3A_1434 = arith.constant 0 : i32
      %dma_wait3A_1435 = arith.constant 2 : i32
      %dma_wait3A_1436 = arith.constant 0 : i32
      %dma_wait3A_1437 = tpu.memref_slice %arg5[%dma_wait3A_1435, %dma_wait3A_1436] : memref<8x128xi32, #tpu.memory_space<vmem>> -> memref<1x128xi32, #tpu.memory_space<vmem>>
      %dma_wait3A_1438 = tpu.memref_squeeze %dma_wait3A_1437 : memref<1x128xi32, #tpu.memory_space<vmem>> -> memref<128xi32, #tpu.memory_space<vmem>>
      %dma_wait3A_1439 = arith.constant 0 : i32
      %dma_wait3A_1440 = arith.constant 0 : i32
      %dma_wait3A_1441 = tpu.memref_slice %arg2[%dma_wait3A_1434, %dma_wait3A_1439, %dma_wait3A_1440] : memref<26x100000x32xf32, #tpu.memory_space<hbm>> -> memref<1x100000x32xf32, #tpu.memory_space<hbm>>
      %dma_wait3A_1442 = tpu.memref_squeeze %dma_wait3A_1441 : memref<1x100000x32xf32, #tpu.memory_space<hbm>> -> memref<100000x32xf32, #tpu.memory_space<hbm>>
      %dma_wait3A_1443 = arith.constant 0 : i32
      %dma_wait3A_1444 = arith.constant 0 : i32
      %dma_wait3A_1445 = tpu.memref_slice %dma_wait3A_1442[%dma_wait3A_1443, %dma_wait3A_1444] : memref<100000x32xf32, #tpu.memory_space<hbm>> -> memref<100000x32xf32, #tpu.memory_space<hbm>>
      tpu.wait_indirect_dma semaphore(%arg16 : memref<!tpu.dma_semaphore, #tpu.memory_space<semaphore_mem>>) src(%dma_wait3A_1445 : memref<100000x32xf32, #tpu.memory_space<hbm>>) dst(%arg8 : memref<128x32xf32, #tpu.memory_space<vmem>>)
      %add3A_1446 = arith.addi %mul3A_2, %add3A_1433 : i32
      %jit3A_1447 = arith.constant 128 : i32
      %div3A_1448 = arith.divsi %add3A_1446, %jit3A_1447 : i32
      %sign3A_1449 = arith.constant 0 : i32
      %sign3A_1450 = arith.cmpi sgt, %add3A_1446, %sign3A_1449 : i32
      %sign3A_1451 = arith.extui %sign3A_1450 : i1 to i32
      %sign3A_1452 = arith.constant 0 : i32
      %sign3A_1453 = arith.cmpi slt, %add3A_1446, %sign3A_1452 : i32
      %sign3A_1454 = arith.extui %sign3A_1453 : i1 to i32
      %sign3A_1455 = arith.subi %sign3A_1451, %sign3A_1454 : i32
      %sign3A_1456 = arith.constant 0 : i32
      %sign3A_1457 = arith.cmpi sgt, %jit3A_1447, %sign3A_1456 : i32
      %sign3A_1458 = arith.extui %sign3A_1457 : i1 to i32
      %sign3A_1459 = arith.constant 0 : i32
      %sign3A_1460 = arith.cmpi slt, %jit3A_1447, %sign3A_1459 : i32
      %sign3A_1461 = arith.extui %sign3A_1460 : i1 to i32
      %sign3A_1462 = arith.subi %sign3A_1458, %sign3A_1461 : i32
      %ne3A_1463 = arith.cmpi ne, %sign3A_1455, %sign3A_1462 : i32
      %rem3A_1464 = arith.remsi %add3A_1446, %jit3A_1447 : i32
      %ne3A_1465 = arith.constant 0 : i32
      %ne3A_1466 = arith.cmpi ne, %rem3A_1464, %ne3A_1465 : i32
      %and3A_1467 = arith.andi %ne3A_1463, %ne3A_1466 : i1
      %sub3A_1468 = arith.constant 1 : i32
      %sub3A_1469 = arith.subi %div3A_1448, %sub3A_1468 : i32
      %select_n3A_1470 = arith.select %and3A_1467, %sub3A_1469, %div3A_1448 : i32
      %jit3A_1471 = arith.constant 128 : i32
      %eq3A_1472 = arith.constant 0 : i32
      %eq3A_1473 = arith.cmpi eq, %jit3A_1471, %eq3A_1472 : i32
      %jit3A_1474 = arith.constant 1 : i32
      %select_n3A_1475 = arith.select %eq3A_1473, %jit3A_1474, %jit3A_1471 : i32
      %rem3A_1476 = arith.remsi %add3A_1446, %select_n3A_1475 : i32
      %ne3A_1477 = arith.constant 0 : i32
      %ne3A_1478 = arith.cmpi ne, %rem3A_1476, %ne3A_1477 : i32
      %lt3A_1479 = arith.constant 0 : i32
      %lt3A_1480 = arith.cmpi slt, %rem3A_1476, %lt3A_1479 : i32
      %lt3A_1481 = arith.constant 0 : i32
      %lt3A_1482 = arith.cmpi slt, %select_n3A_1475, %lt3A_1481 : i32
      %ne3A_1483 = arith.xori %lt3A_1480, %lt3A_1482 : i1
      %and3A_1484 = arith.andi %ne3A_1483, %ne3A_1478 : i1
      %add3A_1485 = arith.addi %rem3A_1476, %select_n3A_1475 : i32
      %select_n3A_1486 = arith.select %and3A_1484, %add3A_1485, %rem3A_1476 : i32
      %mul3A_1487 = arith.constant 128 : i32
      %mul3A_1488 = arith.muli %select_n3A_1486, %mul3A_1487 : i32
      %mul3A_1489 = arith.constant 32 : i32
      %mul3A_1490 = arith.muli %select_n3A_1470, %mul3A_1489 : i32
      %dma_start3A_1491 = tpu.memref_slice %arg4[%mul3A_1488, %mul3A_1490] : memref<16384x832xf32, #tpu.memory_space<hbm>> -> memref<128x32xf32, #tpu.memory_space<hbm>>
      %dma_start3A_1492 = tpu.memref_slice %arg4[%mul3A_1488, %mul3A_1490] : memref<16384x832xf32, #tpu.memory_space<hbm>> -> memref<128x32xf32, #tpu.memory_space<hbm>>
      tpu.enqueue_dma source(%arg8 : memref<128x32xf32, #tpu.memory_space<vmem>>) target(%dma_start3A_1492 : memref<128x32xf32, #tpu.memory_space<hbm>>) target_semaphore(%arg24 : memref<!tpu.dma_semaphore, #tpu.memory_space<semaphore_mem>>)
      %add3A_1493 = arith.constant 8 : i32
      %add3A_1494 = arith.addi %add3A_1433, %add3A_1493 : i32
      %lt3A_1495 = arith.constant 104 : i32
      %lt3A_1496 = arith.cmpi slt, %add3A_1494, %lt3A_1495 : i32
      %convert_element_type3A_1497 = arith.extui %lt3A_1496 : i1 to i32
      %cond3A_1498 = arith.constant 0 : i32
      %cond3A_1499 = arith.cmpi ne, %convert_element_type3A_1497, %cond3A_1498 : i32
      scf.if %cond3A_1499 {
        %add3A_1850 = arith.constant 8 : i32
        %add3A_1851 = arith.addi %add3A_1433, %add3A_1850 : i32
        %add3A_1852 = arith.addi %mul3A_2, %add3A_1851 : i32
        %jit3A_1853 = arith.constant 128 : i32
        %div3A_1854 = arith.divsi %add3A_1852, %jit3A_1853 : i32
        %sign3A_1855 = arith.constant 0 : i32
        %sign3A_1856 = arith.cmpi sgt, %add3A_1852, %sign3A_1855 : i32
        %sign3A_1857 = arith.extui %sign3A_1856 : i1 to i32
        %sign3A_1858 = arith.constant 0 : i32
        %sign3A_1859 = arith.cmpi slt, %add3A_1852, %sign3A_1858 : i32
        %sign3A_1860 = arith.extui %sign3A_1859 : i1 to i32
        %sign3A_1861 = arith.subi %sign3A_1857, %sign3A_1860 : i32
        %sign3A_1862 = arith.constant 0 : i32
        %sign3A_1863 = arith.cmpi sgt, %jit3A_1853, %sign3A_1862 : i32
        %sign3A_1864 = arith.extui %sign3A_1863 : i1 to i32
        %sign3A_1865 = arith.constant 0 : i32
        %sign3A_1866 = arith.cmpi slt, %jit3A_1853, %sign3A_1865 : i32
        %sign3A_1867 = arith.extui %sign3A_1866 : i1 to i32
        %sign3A_1868 = arith.subi %sign3A_1864, %sign3A_1867 : i32
        %ne3A_1869 = arith.cmpi ne, %sign3A_1861, %sign3A_1868 : i32
        %rem3A_1870 = arith.remsi %add3A_1852, %jit3A_1853 : i32
        %ne3A_1871 = arith.constant 0 : i32
        %ne3A_1872 = arith.cmpi ne, %rem3A_1870, %ne3A_1871 : i32
        %and3A_1873 = arith.andi %ne3A_1869, %ne3A_1872 : i1
        %sub3A_1874 = arith.constant 1 : i32
        %sub3A_1875 = arith.subi %div3A_1854, %sub3A_1874 : i32
        %select_n3A_1876 = arith.select %and3A_1873, %sub3A_1875, %div3A_1854 : i32
        %jit3A_1877 = arith.constant 128 : i32
        %eq3A_1878 = arith.constant 0 : i32
        %eq3A_1879 = arith.cmpi eq, %jit3A_1877, %eq3A_1878 : i32
        %jit3A_1880 = arith.constant 1 : i32
        %select_n3A_1881 = arith.select %eq3A_1879, %jit3A_1880, %jit3A_1877 : i32
        %rem3A_1882 = arith.remsi %add3A_1852, %select_n3A_1881 : i32
        %ne3A_1883 = arith.constant 0 : i32
        %ne3A_1884 = arith.cmpi ne, %rem3A_1882, %ne3A_1883 : i32
        %lt3A_1885 = arith.constant 0 : i32
        %lt3A_1886 = arith.cmpi slt, %rem3A_1882, %lt3A_1885 : i32
        %lt3A_1887 = arith.constant 0 : i32
        %lt3A_1888 = arith.cmpi slt, %select_n3A_1881, %lt3A_1887 : i32
        %ne3A_1889 = arith.xori %lt3A_1886, %lt3A_1888 : i1
        %and3A_1890 = arith.andi %ne3A_1889, %ne3A_1884 : i1
        %add3A_1891 = arith.addi %rem3A_1882, %select_n3A_1881 : i32
        %select_n3A_1892 = arith.select %and3A_1890, %add3A_1891, %rem3A_1882 : i32
        %mul3A_1893 = arith.constant 128 : i32
        %mul3A_1894 = arith.muli %select_n3A_1892, %mul3A_1893 : i32
        %dma_start3A_1895 = arith.constant 2 : i32
        %dma_start3A_1896 = arith.constant 0 : i32
        %dma_start3A_1897 = tpu.memref_slice %arg5[%dma_start3A_1895, %dma_start3A_1896] : memref<8x128xi32, #tpu.memory_space<vmem>> -> memref<1x128xi32, #tpu.memory_space<vmem>>
        %dma_start3A_1898 = tpu.memref_squeeze %dma_start3A_1897 : memref<1x128xi32, #tpu.memory_space<vmem>> -> memref<128xi32, #tpu.memory_space<vmem>>
        %dma_start3A_1899 = tpu.memref_slice %arg3[%select_n3A_1876, %mul3A_1894] : memref<26x16384xi32, #tpu.memory_space<hbm>> -> memref<1x128xi32, #tpu.memory_space<hbm>>
        %dma_start3A_1900 = tpu.memref_squeeze %dma_start3A_1899 : memref<1x128xi32, #tpu.memory_space<hbm>> -> memref<128xi32, #tpu.memory_space<hbm>>
        %dma_start3A_1901 = arith.constant 0 : i32
        %dma_start3A_1902 = tpu.memref_slice %arg5[%dma_start3A_1895, %dma_start3A_1901] : memref<8x128xi32, #tpu.memory_space<vmem>> -> memref<1x128xi32, #tpu.memory_space<vmem>>
        %dma_start3A_1903 = tpu.memref_squeeze %dma_start3A_1902 : memref<1x128xi32, #tpu.memory_space<vmem>> -> memref<128xi32, #tpu.memory_space<vmem>>
        %dma_start3A_1904 = tpu.memref_slice %arg3[%select_n3A_1876, %mul3A_1894] : memref<26x16384xi32, #tpu.memory_space<hbm>> -> memref<1x128xi32, #tpu.memory_space<hbm>>
        %dma_start3A_1905 = tpu.memref_squeeze %dma_start3A_1904 : memref<1x128xi32, #tpu.memory_space<hbm>> -> memref<128xi32, #tpu.memory_space<hbm>>
        tpu.enqueue_dma source(%dma_start3A_1905 : memref<128xi32, #tpu.memory_space<hbm>>) target(%dma_start3A_1903 : memref<128xi32, #tpu.memory_space<vmem>>) target_semaphore(%arg32 : memref<!tpu.dma_semaphore, #tpu.memory_space<semaphore_mem>>)
      } else {
      }
      %mul3A_1500 = arith.constant 8 : i32
      %mul3A_1501 = arith.muli %scan3A_820, %mul3A_1500 : i32
      %add3A_1502 = arith.constant 3 : i32
      %add3A_1503 = arith.addi %mul3A_1501, %add3A_1502 : i32
      %dma_wait3A_1504 = arith.constant 0 : i32
      %dma_wait3A_1505 = arith.constant 3 : i32
      %dma_wait3A_1506 = arith.constant 0 : i32
      %dma_wait3A_1507 = tpu.memref_slice %arg5[%dma_wait3A_1505, %dma_wait3A_1506] : memref<8x128xi32, #tpu.memory_space<vmem>> -> memref<1x128xi32, #tpu.memory_space<vmem>>
      %dma_wait3A_1508 = tpu.memref_squeeze %dma_wait3A_1507 : memref<1x128xi32, #tpu.memory_space<vmem>> -> memref<128xi32, #tpu.memory_space<vmem>>
      %dma_wait3A_1509 = arith.constant 0 : i32
      %dma_wait3A_1510 = arith.constant 0 : i32
      %dma_wait3A_1511 = tpu.memref_slice %arg2[%dma_wait3A_1504, %dma_wait3A_1509, %dma_wait3A_1510] : memref<26x100000x32xf32, #tpu.memory_space<hbm>> -> memref<1x100000x32xf32, #tpu.memory_space<hbm>>
      %dma_wait3A_1512 = tpu.memref_squeeze %dma_wait3A_1511 : memref<1x100000x32xf32, #tpu.memory_space<hbm>> -> memref<100000x32xf32, #tpu.memory_space<hbm>>
      %dma_wait3A_1513 = arith.constant 0 : i32
      %dma_wait3A_1514 = arith.constant 0 : i32
      %dma_wait3A_1515 = tpu.memref_slice %dma_wait3A_1512[%dma_wait3A_1513, %dma_wait3A_1514] : memref<100000x32xf32, #tpu.memory_space<hbm>> -> memref<100000x32xf32, #tpu.memory_space<hbm>>
      tpu.wait_indirect_dma semaphore(%arg17 : memref<!tpu.dma_semaphore, #tpu.memory_space<semaphore_mem>>) src(%dma_wait3A_1515 : memref<100000x32xf32, #tpu.memory_space<hbm>>) dst(%arg9 : memref<128x32xf32, #tpu.memory_space<vmem>>)
      %add3A_1516 = arith.addi %mul3A_2, %add3A_1503 : i32
      %jit3A_1517 = arith.constant 128 : i32
      %div3A_1518 = arith.divsi %add3A_1516, %jit3A_1517 : i32
      %sign3A_1519 = arith.constant 0 : i32
      %sign3A_1520 = arith.cmpi sgt, %add3A_1516, %sign3A_1519 : i32
      %sign3A_1521 = arith.extui %sign3A_1520 : i1 to i32
      %sign3A_1522 = arith.constant 0 : i32
      %sign3A_1523 = arith.cmpi slt, %add3A_1516, %sign3A_1522 : i32
      %sign3A_1524 = arith.extui %sign3A_1523 : i1 to i32
      %sign3A_1525 = arith.subi %sign3A_1521, %sign3A_1524 : i32
      %sign3A_1526 = arith.constant 0 : i32
      %sign3A_1527 = arith.cmpi sgt, %jit3A_1517, %sign3A_1526 : i32
      %sign3A_1528 = arith.extui %sign3A_1527 : i1 to i32
      %sign3A_1529 = arith.constant 0 : i32
      %sign3A_1530 = arith.cmpi slt, %jit3A_1517, %sign3A_1529 : i32
      %sign3A_1531 = arith.extui %sign3A_1530 : i1 to i32
      %sign3A_1532 = arith.subi %sign3A_1528, %sign3A_1531 : i32
      %ne3A_1533 = arith.cmpi ne, %sign3A_1525, %sign3A_1532 : i32
      %rem3A_1534 = arith.remsi %add3A_1516, %jit3A_1517 : i32
      %ne3A_1535 = arith.constant 0 : i32
      %ne3A_1536 = arith.cmpi ne, %rem3A_1534, %ne3A_1535 : i32
      %and3A_1537 = arith.andi %ne3A_1533, %ne3A_1536 : i1
      %sub3A_1538 = arith.constant 1 : i32
      %sub3A_1539 = arith.subi %div3A_1518, %sub3A_1538 : i32
      %select_n3A_1540 = arith.select %and3A_1537, %sub3A_1539, %div3A_1518 : i32
      %jit3A_1541 = arith.constant 128 : i32
      %eq3A_1542 = arith.constant 0 : i32
      %eq3A_1543 = arith.cmpi eq, %jit3A_1541, %eq3A_1542 : i32
      %jit3A_1544 = arith.constant 1 : i32
      %select_n3A_1545 = arith.select %eq3A_1543, %jit3A_1544, %jit3A_1541 : i32
      %rem3A_1546 = arith.remsi %add3A_1516, %select_n3A_1545 : i32
      %ne3A_1547 = arith.constant 0 : i32
      %ne3A_1548 = arith.cmpi ne, %rem3A_1546, %ne3A_1547 : i32
      %lt3A_1549 = arith.constant 0 : i32
      %lt3A_1550 = arith.cmpi slt, %rem3A_1546, %lt3A_1549 : i32
      %lt3A_1551 = arith.constant 0 : i32
      %lt3A_1552 = arith.cmpi slt, %select_n3A_1545, %lt3A_1551 : i32
      %ne3A_1553 = arith.xori %lt3A_1550, %lt3A_1552 : i1
      %and3A_1554 = arith.andi %ne3A_1553, %ne3A_1548 : i1
      %add3A_1555 = arith.addi %rem3A_1546, %select_n3A_1545 : i32
      %select_n3A_1556 = arith.select %and3A_1554, %add3A_1555, %rem3A_1546 : i32
      %mul3A_1557 = arith.constant 128 : i32
      %mul3A_1558 = arith.muli %select_n3A_1556, %mul3A_1557 : i32
      %mul3A_1559 = arith.constant 32 : i32
      %mul3A_1560 = arith.muli %select_n3A_1540, %mul3A_1559 : i32
      %dma_start3A_1561 = tpu.memref_slice %arg4[%mul3A_1558, %mul3A_1560] : memref<16384x832xf32, #tpu.memory_space<hbm>> -> memref<128x32xf32, #tpu.memory_space<hbm>>
      %dma_start3A_1562 = tpu.memref_slice %arg4[%mul3A_1558, %mul3A_1560] : memref<16384x832xf32, #tpu.memory_space<hbm>> -> memref<128x32xf32, #tpu.memory_space<hbm>>
      tpu.enqueue_dma source(%arg9 : memref<128x32xf32, #tpu.memory_space<vmem>>) target(%dma_start3A_1562 : memref<128x32xf32, #tpu.memory_space<hbm>>) target_semaphore(%arg25 : memref<!tpu.dma_semaphore, #tpu.memory_space<semaphore_mem>>)
      %add3A_1563 = arith.constant 8 : i32
      %add3A_1564 = arith.addi %add3A_1503, %add3A_1563 : i32
      %lt3A_1565 = arith.constant 104 : i32
      %lt3A_1566 = arith.cmpi slt, %add3A_1564, %lt3A_1565 : i32
      %convert_element_type3A_1567 = arith.extui %lt3A_1566 : i1 to i32
      %cond3A_1568 = arith.constant 0 : i32
      %cond3A_1569 = arith.cmpi ne, %convert_element_type3A_1567, %cond3A_1568 : i32
      scf.if %cond3A_1569 {
        %add3A_1850 = arith.constant 8 : i32
        %add3A_1851 = arith.addi %add3A_1503, %add3A_1850 : i32
        %add3A_1852 = arith.addi %mul3A_2, %add3A_1851 : i32
        %jit3A_1853 = arith.constant 128 : i32
        %div3A_1854 = arith.divsi %add3A_1852, %jit3A_1853 : i32
        %sign3A_1855 = arith.constant 0 : i32
        %sign3A_1856 = arith.cmpi sgt, %add3A_1852, %sign3A_1855 : i32
        %sign3A_1857 = arith.extui %sign3A_1856 : i1 to i32
        %sign3A_1858 = arith.constant 0 : i32
        %sign3A_1859 = arith.cmpi slt, %add3A_1852, %sign3A_1858 : i32
        %sign3A_1860 = arith.extui %sign3A_1859 : i1 to i32
        %sign3A_1861 = arith.subi %sign3A_1857, %sign3A_1860 : i32
        %sign3A_1862 = arith.constant 0 : i32
        %sign3A_1863 = arith.cmpi sgt, %jit3A_1853, %sign3A_1862 : i32
        %sign3A_1864 = arith.extui %sign3A_1863 : i1 to i32
        %sign3A_1865 = arith.constant 0 : i32
        %sign3A_1866 = arith.cmpi slt, %jit3A_1853, %sign3A_1865 : i32
        %sign3A_1867 = arith.extui %sign3A_1866 : i1 to i32
        %sign3A_1868 = arith.subi %sign3A_1864, %sign3A_1867 : i32
        %ne3A_1869 = arith.cmpi ne, %sign3A_1861, %sign3A_1868 : i32
        %rem3A_1870 = arith.remsi %add3A_1852, %jit3A_1853 : i32
        %ne3A_1871 = arith.constant 0 : i32
        %ne3A_1872 = arith.cmpi ne, %rem3A_1870, %ne3A_1871 : i32
        %and3A_1873 = arith.andi %ne3A_1869, %ne3A_1872 : i1
        %sub3A_1874 = arith.constant 1 : i32
        %sub3A_1875 = arith.subi %div3A_1854, %sub3A_1874 : i32
        %select_n3A_1876 = arith.select %and3A_1873, %sub3A_1875, %div3A_1854 : i32
        %jit3A_1877 = arith.constant 128 : i32
        %eq3A_1878 = arith.constant 0 : i32
        %eq3A_1879 = arith.cmpi eq, %jit3A_1877, %eq3A_1878 : i32
        %jit3A_1880 = arith.constant 1 : i32
        %select_n3A_1881 = arith.select %eq3A_1879, %jit3A_1880, %jit3A_1877 : i32
        %rem3A_1882 = arith.remsi %add3A_1852, %select_n3A_1881 : i32
        %ne3A_1883 = arith.constant 0 : i32
        %ne3A_1884 = arith.cmpi ne, %rem3A_1882, %ne3A_1883 : i32
        %lt3A_1885 = arith.constant 0 : i32
        %lt3A_1886 = arith.cmpi slt, %rem3A_1882, %lt3A_1885 : i32
        %lt3A_1887 = arith.constant 0 : i32
        %lt3A_1888 = arith.cmpi slt, %select_n3A_1881, %lt3A_1887 : i32
        %ne3A_1889 = arith.xori %lt3A_1886, %lt3A_1888 : i1
        %and3A_1890 = arith.andi %ne3A_1889, %ne3A_1884 : i1
        %add3A_1891 = arith.addi %rem3A_1882, %select_n3A_1881 : i32
        %select_n3A_1892 = arith.select %and3A_1890, %add3A_1891, %rem3A_1882 : i32
        %mul3A_1893 = arith.constant 128 : i32
        %mul3A_1894 = arith.muli %select_n3A_1892, %mul3A_1893 : i32
        %dma_start3A_1895 = arith.constant 3 : i32
        %dma_start3A_1896 = arith.constant 0 : i32
        %dma_start3A_1897 = tpu.memref_slice %arg5[%dma_start3A_1895, %dma_start3A_1896] : memref<8x128xi32, #tpu.memory_space<vmem>> -> memref<1x128xi32, #tpu.memory_space<vmem>>
        %dma_start3A_1898 = tpu.memref_squeeze %dma_start3A_1897 : memref<1x128xi32, #tpu.memory_space<vmem>> -> memref<128xi32, #tpu.memory_space<vmem>>
        %dma_start3A_1899 = tpu.memref_slice %arg3[%select_n3A_1876, %mul3A_1894] : memref<26x16384xi32, #tpu.memory_space<hbm>> -> memref<1x128xi32, #tpu.memory_space<hbm>>
        %dma_start3A_1900 = tpu.memref_squeeze %dma_start3A_1899 : memref<1x128xi32, #tpu.memory_space<hbm>> -> memref<128xi32, #tpu.memory_space<hbm>>
        %dma_start3A_1901 = arith.constant 0 : i32
        %dma_start3A_1902 = tpu.memref_slice %arg5[%dma_start3A_1895, %dma_start3A_1901] : memref<8x128xi32, #tpu.memory_space<vmem>> -> memref<1x128xi32, #tpu.memory_space<vmem>>
        %dma_start3A_1903 = tpu.memref_squeeze %dma_start3A_1902 : memref<1x128xi32, #tpu.memory_space<vmem>> -> memref<128xi32, #tpu.memory_space<vmem>>
        %dma_start3A_1904 = tpu.memref_slice %arg3[%select_n3A_1876, %mul3A_1894] : memref<26x16384xi32, #tpu.memory_space<hbm>> -> memref<1x128xi32, #tpu.memory_space<hbm>>
        %dma_start3A_1905 = tpu.memref_squeeze %dma_start3A_1904 : memref<1x128xi32, #tpu.memory_space<hbm>> -> memref<128xi32, #tpu.memory_space<hbm>>
        tpu.enqueue_dma source(%dma_start3A_1905 : memref<128xi32, #tpu.memory_space<hbm>>) target(%dma_start3A_1903 : memref<128xi32, #tpu.memory_space<vmem>>) target_semaphore(%arg33 : memref<!tpu.dma_semaphore, #tpu.memory_space<semaphore_mem>>)
      } else {
      }
      %mul3A_1570 = arith.constant 8 : i32
      %mul3A_1571 = arith.muli %scan3A_820, %mul3A_1570 : i32
      %add3A_1572 = arith.constant 4 : i32
      %add3A_1573 = arith.addi %mul3A_1571, %add3A_1572 : i32
      %dma_wait3A_1574 = arith.constant 0 : i32
      %dma_wait3A_1575 = arith.constant 4 : i32
      %dma_wait3A_1576 = arith.constant 0 : i32
      %dma_wait3A_1577 = tpu.memref_slice %arg5[%dma_wait3A_1575, %dma_wait3A_1576] : memref<8x128xi32, #tpu.memory_space<vmem>> -> memref<1x128xi32, #tpu.memory_space<vmem>>
      %dma_wait3A_1578 = tpu.memref_squeeze %dma_wait3A_1577 : memref<1x128xi32, #tpu.memory_space<vmem>> -> memref<128xi32, #tpu.memory_space<vmem>>
      %dma_wait3A_1579 = arith.constant 0 : i32
      %dma_wait3A_1580 = arith.constant 0 : i32
      %dma_wait3A_1581 = tpu.memref_slice %arg2[%dma_wait3A_1574, %dma_wait3A_1579, %dma_wait3A_1580] : memref<26x100000x32xf32, #tpu.memory_space<hbm>> -> memref<1x100000x32xf32, #tpu.memory_space<hbm>>
      %dma_wait3A_1582 = tpu.memref_squeeze %dma_wait3A_1581 : memref<1x100000x32xf32, #tpu.memory_space<hbm>> -> memref<100000x32xf32, #tpu.memory_space<hbm>>
      %dma_wait3A_1583 = arith.constant 0 : i32
      %dma_wait3A_1584 = arith.constant 0 : i32
      %dma_wait3A_1585 = tpu.memref_slice %dma_wait3A_1582[%dma_wait3A_1583, %dma_wait3A_1584] : memref<100000x32xf32, #tpu.memory_space<hbm>> -> memref<100000x32xf32, #tpu.memory_space<hbm>>
      tpu.wait_indirect_dma semaphore(%arg18 : memref<!tpu.dma_semaphore, #tpu.memory_space<semaphore_mem>>) src(%dma_wait3A_1585 : memref<100000x32xf32, #tpu.memory_space<hbm>>) dst(%arg10 : memref<128x32xf32, #tpu.memory_space<vmem>>)
      %add3A_1586 = arith.addi %mul3A_2, %add3A_1573 : i32
      %jit3A_1587 = arith.constant 128 : i32
      %div3A_1588 = arith.divsi %add3A_1586, %jit3A_1587 : i32
      %sign3A_1589 = arith.constant 0 : i32
      %sign3A_1590 = arith.cmpi sgt, %add3A_1586, %sign3A_1589 : i32
      %sign3A_1591 = arith.extui %sign3A_1590 : i1 to i32
      %sign3A_1592 = arith.constant 0 : i32
      %sign3A_1593 = arith.cmpi slt, %add3A_1586, %sign3A_1592 : i32
      %sign3A_1594 = arith.extui %sign3A_1593 : i1 to i32
      %sign3A_1595 = arith.subi %sign3A_1591, %sign3A_1594 : i32
      %sign3A_1596 = arith.constant 0 : i32
      %sign3A_1597 = arith.cmpi sgt, %jit3A_1587, %sign3A_1596 : i32
      %sign3A_1598 = arith.extui %sign3A_1597 : i1 to i32
      %sign3A_1599 = arith.constant 0 : i32
      %sign3A_1600 = arith.cmpi slt, %jit3A_1587, %sign3A_1599 : i32
      %sign3A_1601 = arith.extui %sign3A_1600 : i1 to i32
      %sign3A_1602 = arith.subi %sign3A_1598, %sign3A_1601 : i32
      %ne3A_1603 = arith.cmpi ne, %sign3A_1595, %sign3A_1602 : i32
      %rem3A_1604 = arith.remsi %add3A_1586, %jit3A_1587 : i32
      %ne3A_1605 = arith.constant 0 : i32
      %ne3A_1606 = arith.cmpi ne, %rem3A_1604, %ne3A_1605 : i32
      %and3A_1607 = arith.andi %ne3A_1603, %ne3A_1606 : i1
      %sub3A_1608 = arith.constant 1 : i32
      %sub3A_1609 = arith.subi %div3A_1588, %sub3A_1608 : i32
      %select_n3A_1610 = arith.select %and3A_1607, %sub3A_1609, %div3A_1588 : i32
      %jit3A_1611 = arith.constant 128 : i32
      %eq3A_1612 = arith.constant 0 : i32
      %eq3A_1613 = arith.cmpi eq, %jit3A_1611, %eq3A_1612 : i32
      %jit3A_1614 = arith.constant 1 : i32
      %select_n3A_1615 = arith.select %eq3A_1613, %jit3A_1614, %jit3A_1611 : i32
      %rem3A_1616 = arith.remsi %add3A_1586, %select_n3A_1615 : i32
      %ne3A_1617 = arith.constant 0 : i32
      %ne3A_1618 = arith.cmpi ne, %rem3A_1616, %ne3A_1617 : i32
      %lt3A_1619 = arith.constant 0 : i32
      %lt3A_1620 = arith.cmpi slt, %rem3A_1616, %lt3A_1619 : i32
      %lt3A_1621 = arith.constant 0 : i32
      %lt3A_1622 = arith.cmpi slt, %select_n3A_1615, %lt3A_1621 : i32
      %ne3A_1623 = arith.xori %lt3A_1620, %lt3A_1622 : i1
      %and3A_1624 = arith.andi %ne3A_1623, %ne3A_1618 : i1
      %add3A_1625 = arith.addi %rem3A_1616, %select_n3A_1615 : i32
      %select_n3A_1626 = arith.select %and3A_1624, %add3A_1625, %rem3A_1616 : i32
      %mul3A_1627 = arith.constant 128 : i32
      %mul3A_1628 = arith.muli %select_n3A_1626, %mul3A_1627 : i32
      %mul3A_1629 = arith.constant 32 : i32
      %mul3A_1630 = arith.muli %select_n3A_1610, %mul3A_1629 : i32
      %dma_start3A_1631 = tpu.memref_slice %arg4[%mul3A_1628, %mul3A_1630] : memref<16384x832xf32, #tpu.memory_space<hbm>> -> memref<128x32xf32, #tpu.memory_space<hbm>>
      %dma_start3A_1632 = tpu.memref_slice %arg4[%mul3A_1628, %mul3A_1630] : memref<16384x832xf32, #tpu.memory_space<hbm>> -> memref<128x32xf32, #tpu.memory_space<hbm>>
      tpu.enqueue_dma source(%arg10 : memref<128x32xf32, #tpu.memory_space<vmem>>) target(%dma_start3A_1632 : memref<128x32xf32, #tpu.memory_space<hbm>>) target_semaphore(%arg26 : memref<!tpu.dma_semaphore, #tpu.memory_space<semaphore_mem>>)
      %add3A_1633 = arith.constant 8 : i32
      %add3A_1634 = arith.addi %add3A_1573, %add3A_1633 : i32
      %lt3A_1635 = arith.constant 104 : i32
      %lt3A_1636 = arith.cmpi slt, %add3A_1634, %lt3A_1635 : i32
      %convert_element_type3A_1637 = arith.extui %lt3A_1636 : i1 to i32
      %cond3A_1638 = arith.constant 0 : i32
      %cond3A_1639 = arith.cmpi ne, %convert_element_type3A_1637, %cond3A_1638 : i32
      scf.if %cond3A_1639 {
        %add3A_1850 = arith.constant 8 : i32
        %add3A_1851 = arith.addi %add3A_1573, %add3A_1850 : i32
        %add3A_1852 = arith.addi %mul3A_2, %add3A_1851 : i32
        %jit3A_1853 = arith.constant 128 : i32
        %div3A_1854 = arith.divsi %add3A_1852, %jit3A_1853 : i32
        %sign3A_1855 = arith.constant 0 : i32
        %sign3A_1856 = arith.cmpi sgt, %add3A_1852, %sign3A_1855 : i32
        %sign3A_1857 = arith.extui %sign3A_1856 : i1 to i32
        %sign3A_1858 = arith.constant 0 : i32
        %sign3A_1859 = arith.cmpi slt, %add3A_1852, %sign3A_1858 : i32
        %sign3A_1860 = arith.extui %sign3A_1859 : i1 to i32
        %sign3A_1861 = arith.subi %sign3A_1857, %sign3A_1860 : i32
        %sign3A_1862 = arith.constant 0 : i32
        %sign3A_1863 = arith.cmpi sgt, %jit3A_1853, %sign3A_1862 : i32
        %sign3A_1864 = arith.extui %sign3A_1863 : i1 to i32
        %sign3A_1865 = arith.constant 0 : i32
        %sign3A_1866 = arith.cmpi slt, %jit3A_1853, %sign3A_1865 : i32
        %sign3A_1867 = arith.extui %sign3A_1866 : i1 to i32
        %sign3A_1868 = arith.subi %sign3A_1864, %sign3A_1867 : i32
        %ne3A_1869 = arith.cmpi ne, %sign3A_1861, %sign3A_1868 : i32
        %rem3A_1870 = arith.remsi %add3A_1852, %jit3A_1853 : i32
        %ne3A_1871 = arith.constant 0 : i32
        %ne3A_1872 = arith.cmpi ne, %rem3A_1870, %ne3A_1871 : i32
        %and3A_1873 = arith.andi %ne3A_1869, %ne3A_1872 : i1
        %sub3A_1874 = arith.constant 1 : i32
        %sub3A_1875 = arith.subi %div3A_1854, %sub3A_1874 : i32
        %select_n3A_1876 = arith.select %and3A_1873, %sub3A_1875, %div3A_1854 : i32
        %jit3A_1877 = arith.constant 128 : i32
        %eq3A_1878 = arith.constant 0 : i32
        %eq3A_1879 = arith.cmpi eq, %jit3A_1877, %eq3A_1878 : i32
        %jit3A_1880 = arith.constant 1 : i32
        %select_n3A_1881 = arith.select %eq3A_1879, %jit3A_1880, %jit3A_1877 : i32
        %rem3A_1882 = arith.remsi %add3A_1852, %select_n3A_1881 : i32
        %ne3A_1883 = arith.constant 0 : i32
        %ne3A_1884 = arith.cmpi ne, %rem3A_1882, %ne3A_1883 : i32
        %lt3A_1885 = arith.constant 0 : i32
        %lt3A_1886 = arith.cmpi slt, %rem3A_1882, %lt3A_1885 : i32
        %lt3A_1887 = arith.constant 0 : i32
        %lt3A_1888 = arith.cmpi slt, %select_n3A_1881, %lt3A_1887 : i32
        %ne3A_1889 = arith.xori %lt3A_1886, %lt3A_1888 : i1
        %and3A_1890 = arith.andi %ne3A_1889, %ne3A_1884 : i1
        %add3A_1891 = arith.addi %rem3A_1882, %select_n3A_1881 : i32
        %select_n3A_1892 = arith.select %and3A_1890, %add3A_1891, %rem3A_1882 : i32
        %mul3A_1893 = arith.constant 128 : i32
        %mul3A_1894 = arith.muli %select_n3A_1892, %mul3A_1893 : i32
        %dma_start3A_1895 = arith.constant 4 : i32
        %dma_start3A_1896 = arith.constant 0 : i32
        %dma_start3A_1897 = tpu.memref_slice %arg5[%dma_start3A_1895, %dma_start3A_1896] : memref<8x128xi32, #tpu.memory_space<vmem>> -> memref<1x128xi32, #tpu.memory_space<vmem>>
        %dma_start3A_1898 = tpu.memref_squeeze %dma_start3A_1897 : memref<1x128xi32, #tpu.memory_space<vmem>> -> memref<128xi32, #tpu.memory_space<vmem>>
        %dma_start3A_1899 = tpu.memref_slice %arg3[%select_n3A_1876, %mul3A_1894] : memref<26x16384xi32, #tpu.memory_space<hbm>> -> memref<1x128xi32, #tpu.memory_space<hbm>>
        %dma_start3A_1900 = tpu.memref_squeeze %dma_start3A_1899 : memref<1x128xi32, #tpu.memory_space<hbm>> -> memref<128xi32, #tpu.memory_space<hbm>>
        %dma_start3A_1901 = arith.constant 0 : i32
        %dma_start3A_1902 = tpu.memref_slice %arg5[%dma_start3A_1895, %dma_start3A_1901] : memref<8x128xi32, #tpu.memory_space<vmem>> -> memref<1x128xi32, #tpu.memory_space<vmem>>
        %dma_start3A_1903 = tpu.memref_squeeze %dma_start3A_1902 : memref<1x128xi32, #tpu.memory_space<vmem>> -> memref<128xi32, #tpu.memory_space<vmem>>
        %dma_start3A_1904 = tpu.memref_slice %arg3[%select_n3A_1876, %mul3A_1894] : memref<26x16384xi32, #tpu.memory_space<hbm>> -> memref<1x128xi32, #tpu.memory_space<hbm>>
        %dma_start3A_1905 = tpu.memref_squeeze %dma_start3A_1904 : memref<1x128xi32, #tpu.memory_space<hbm>> -> memref<128xi32, #tpu.memory_space<hbm>>
        tpu.enqueue_dma source(%dma_start3A_1905 : memref<128xi32, #tpu.memory_space<hbm>>) target(%dma_start3A_1903 : memref<128xi32, #tpu.memory_space<vmem>>) target_semaphore(%arg34 : memref<!tpu.dma_semaphore, #tpu.memory_space<semaphore_mem>>)
      } else {
      }
      %mul3A_1640 = arith.constant 8 : i32
      %mul3A_1641 = arith.muli %scan3A_820, %mul3A_1640 : i32
      %add3A_1642 = arith.constant 5 : i32
      %add3A_1643 = arith.addi %mul3A_1641, %add3A_1642 : i32
      %dma_wait3A_1644 = arith.constant 0 : i32
      %dma_wait3A_1645 = arith.constant 5 : i32
      %dma_wait3A_1646 = arith.constant 0 : i32
      %dma_wait3A_1647 = tpu.memref_slice %arg5[%dma_wait3A_1645, %dma_wait3A_1646] : memref<8x128xi32, #tpu.memory_space<vmem>> -> memref<1x128xi32, #tpu.memory_space<vmem>>
      %dma_wait3A_1648 = tpu.memref_squeeze %dma_wait3A_1647 : memref<1x128xi32, #tpu.memory_space<vmem>> -> memref<128xi32, #tpu.memory_space<vmem>>
      %dma_wait3A_1649 = arith.constant 0 : i32
      %dma_wait3A_1650 = arith.constant 0 : i32
      %dma_wait3A_1651 = tpu.memref_slice %arg2[%dma_wait3A_1644, %dma_wait3A_1649, %dma_wait3A_1650] : memref<26x100000x32xf32, #tpu.memory_space<hbm>> -> memref<1x100000x32xf32, #tpu.memory_space<hbm>>
      %dma_wait3A_1652 = tpu.memref_squeeze %dma_wait3A_1651 : memref<1x100000x32xf32, #tpu.memory_space<hbm>> -> memref<100000x32xf32, #tpu.memory_space<hbm>>
      %dma_wait3A_1653 = arith.constant 0 : i32
      %dma_wait3A_1654 = arith.constant 0 : i32
      %dma_wait3A_1655 = tpu.memref_slice %dma_wait3A_1652[%dma_wait3A_1653, %dma_wait3A_1654] : memref<100000x32xf32, #tpu.memory_space<hbm>> -> memref<100000x32xf32, #tpu.memory_space<hbm>>
      tpu.wait_indirect_dma semaphore(%arg19 : memref<!tpu.dma_semaphore, #tpu.memory_space<semaphore_mem>>) src(%dma_wait3A_1655 : memref<100000x32xf32, #tpu.memory_space<hbm>>) dst(%arg11 : memref<128x32xf32, #tpu.memory_space<vmem>>)
      %add3A_1656 = arith.addi %mul3A_2, %add3A_1643 : i32
      %jit3A_1657 = arith.constant 128 : i32
      %div3A_1658 = arith.divsi %add3A_1656, %jit3A_1657 : i32
      %sign3A_1659 = arith.constant 0 : i32
      %sign3A_1660 = arith.cmpi sgt, %add3A_1656, %sign3A_1659 : i32
      %sign3A_1661 = arith.extui %sign3A_1660 : i1 to i32
      %sign3A_1662 = arith.constant 0 : i32
      %sign3A_1663 = arith.cmpi slt, %add3A_1656, %sign3A_1662 : i32
      %sign3A_1664 = arith.extui %sign3A_1663 : i1 to i32
      %sign3A_1665 = arith.subi %sign3A_1661, %sign3A_1664 : i32
      %sign3A_1666 = arith.constant 0 : i32
      %sign3A_1667 = arith.cmpi sgt, %jit3A_1657, %sign3A_1666 : i32
      %sign3A_1668 = arith.extui %sign3A_1667 : i1 to i32
      %sign3A_1669 = arith.constant 0 : i32
      %sign3A_1670 = arith.cmpi slt, %jit3A_1657, %sign3A_1669 : i32
      %sign3A_1671 = arith.extui %sign3A_1670 : i1 to i32
      %sign3A_1672 = arith.subi %sign3A_1668, %sign3A_1671 : i32
      %ne3A_1673 = arith.cmpi ne, %sign3A_1665, %sign3A_1672 : i32
      %rem3A_1674 = arith.remsi %add3A_1656, %jit3A_1657 : i32
      %ne3A_1675 = arith.constant 0 : i32
      %ne3A_1676 = arith.cmpi ne, %rem3A_1674, %ne3A_1675 : i32
      %and3A_1677 = arith.andi %ne3A_1673, %ne3A_1676 : i1
      %sub3A_1678 = arith.constant 1 : i32
      %sub3A_1679 = arith.subi %div3A_1658, %sub3A_1678 : i32
      %select_n3A_1680 = arith.select %and3A_1677, %sub3A_1679, %div3A_1658 : i32
      %jit3A_1681 = arith.constant 128 : i32
      %eq3A_1682 = arith.constant 0 : i32
      %eq3A_1683 = arith.cmpi eq, %jit3A_1681, %eq3A_1682 : i32
      %jit3A_1684 = arith.constant 1 : i32
      %select_n3A_1685 = arith.select %eq3A_1683, %jit3A_1684, %jit3A_1681 : i32
      %rem3A_1686 = arith.remsi %add3A_1656, %select_n3A_1685 : i32
      %ne3A_1687 = arith.constant 0 : i32
      %ne3A_1688 = arith.cmpi ne, %rem3A_1686, %ne3A_1687 : i32
      %lt3A_1689 = arith.constant 0 : i32
      %lt3A_1690 = arith.cmpi slt, %rem3A_1686, %lt3A_1689 : i32
      %lt3A_1691 = arith.constant 0 : i32
      %lt3A_1692 = arith.cmpi slt, %select_n3A_1685, %lt3A_1691 : i32
      %ne3A_1693 = arith.xori %lt3A_1690, %lt3A_1692 : i1
      %and3A_1694 = arith.andi %ne3A_1693, %ne3A_1688 : i1
      %add3A_1695 = arith.addi %rem3A_1686, %select_n3A_1685 : i32
      %select_n3A_1696 = arith.select %and3A_1694, %add3A_1695, %rem3A_1686 : i32
      %mul3A_1697 = arith.constant 128 : i32
      %mul3A_1698 = arith.muli %select_n3A_1696, %mul3A_1697 : i32
      %mul3A_1699 = arith.constant 32 : i32
      %mul3A_1700 = arith.muli %select_n3A_1680, %mul3A_1699 : i32
      %dma_start3A_1701 = tpu.memref_slice %arg4[%mul3A_1698, %mul3A_1700] : memref<16384x832xf32, #tpu.memory_space<hbm>> -> memref<128x32xf32, #tpu.memory_space<hbm>>
      %dma_start3A_1702 = tpu.memref_slice %arg4[%mul3A_1698, %mul3A_1700] : memref<16384x832xf32, #tpu.memory_space<hbm>> -> memref<128x32xf32, #tpu.memory_space<hbm>>
      tpu.enqueue_dma source(%arg11 : memref<128x32xf32, #tpu.memory_space<vmem>>) target(%dma_start3A_1702 : memref<128x32xf32, #tpu.memory_space<hbm>>) target_semaphore(%arg27 : memref<!tpu.dma_semaphore, #tpu.memory_space<semaphore_mem>>)
      %add3A_1703 = arith.constant 8 : i32
      %add3A_1704 = arith.addi %add3A_1643, %add3A_1703 : i32
      %lt3A_1705 = arith.constant 104 : i32
      %lt3A_1706 = arith.cmpi slt, %add3A_1704, %lt3A_1705 : i32
      %convert_element_type3A_1707 = arith.extui %lt3A_1706 : i1 to i32
      %cond3A_1708 = arith.constant 0 : i32
      %cond3A_1709 = arith.cmpi ne, %convert_element_type3A_1707, %cond3A_1708 : i32
      scf.if %cond3A_1709 {
        %add3A_1850 = arith.constant 8 : i32
        %add3A_1851 = arith.addi %add3A_1643, %add3A_1850 : i32
        %add3A_1852 = arith.addi %mul3A_2, %add3A_1851 : i32
        %jit3A_1853 = arith.constant 128 : i32
        %div3A_1854 = arith.divsi %add3A_1852, %jit3A_1853 : i32
        %sign3A_1855 = arith.constant 0 : i32
        %sign3A_1856 = arith.cmpi sgt, %add3A_1852, %sign3A_1855 : i32
        %sign3A_1857 = arith.extui %sign3A_1856 : i1 to i32
        %sign3A_1858 = arith.constant 0 : i32
        %sign3A_1859 = arith.cmpi slt, %add3A_1852, %sign3A_1858 : i32
        %sign3A_1860 = arith.extui %sign3A_1859 : i1 to i32
        %sign3A_1861 = arith.subi %sign3A_1857, %sign3A_1860 : i32
        %sign3A_1862 = arith.constant 0 : i32
        %sign3A_1863 = arith.cmpi sgt, %jit3A_1853, %sign3A_1862 : i32
        %sign3A_1864 = arith.extui %sign3A_1863 : i1 to i32
        %sign3A_1865 = arith.constant 0 : i32
        %sign3A_1866 = arith.cmpi slt, %jit3A_1853, %sign3A_1865 : i32
        %sign3A_1867 = arith.extui %sign3A_1866 : i1 to i32
        %sign3A_1868 = arith.subi %sign3A_1864, %sign3A_1867 : i32
        %ne3A_1869 = arith.cmpi ne, %sign3A_1861, %sign3A_1868 : i32
        %rem3A_1870 = arith.remsi %add3A_1852, %jit3A_1853 : i32
        %ne3A_1871 = arith.constant 0 : i32
        %ne3A_1872 = arith.cmpi ne, %rem3A_1870, %ne3A_1871 : i32
        %and3A_1873 = arith.andi %ne3A_1869, %ne3A_1872 : i1
        %sub3A_1874 = arith.constant 1 : i32
        %sub3A_1875 = arith.subi %div3A_1854, %sub3A_1874 : i32
        %select_n3A_1876 = arith.select %and3A_1873, %sub3A_1875, %div3A_1854 : i32
        %jit3A_1877 = arith.constant 128 : i32
        %eq3A_1878 = arith.constant 0 : i32
        %eq3A_1879 = arith.cmpi eq, %jit3A_1877, %eq3A_1878 : i32
        %jit3A_1880 = arith.constant 1 : i32
        %select_n3A_1881 = arith.select %eq3A_1879, %jit3A_1880, %jit3A_1877 : i32
        %rem3A_1882 = arith.remsi %add3A_1852, %select_n3A_1881 : i32
        %ne3A_1883 = arith.constant 0 : i32
        %ne3A_1884 = arith.cmpi ne, %rem3A_1882, %ne3A_1883 : i32
        %lt3A_1885 = arith.constant 0 : i32
        %lt3A_1886 = arith.cmpi slt, %rem3A_1882, %lt3A_1885 : i32
        %lt3A_1887 = arith.constant 0 : i32
        %lt3A_1888 = arith.cmpi slt, %select_n3A_1881, %lt3A_1887 : i32
        %ne3A_1889 = arith.xori %lt3A_1886, %lt3A_1888 : i1
        %and3A_1890 = arith.andi %ne3A_1889, %ne3A_1884 : i1
        %add3A_1891 = arith.addi %rem3A_1882, %select_n3A_1881 : i32
        %select_n3A_1892 = arith.select %and3A_1890, %add3A_1891, %rem3A_1882 : i32
        %mul3A_1893 = arith.constant 128 : i32
        %mul3A_1894 = arith.muli %select_n3A_1892, %mul3A_1893 : i32
        %dma_start3A_1895 = arith.constant 5 : i32
        %dma_start3A_1896 = arith.constant 0 : i32
        %dma_start3A_1897 = tpu.memref_slice %arg5[%dma_start3A_1895, %dma_start3A_1896] : memref<8x128xi32, #tpu.memory_space<vmem>> -> memref<1x128xi32, #tpu.memory_space<vmem>>
        %dma_start3A_1898 = tpu.memref_squeeze %dma_start3A_1897 : memref<1x128xi32, #tpu.memory_space<vmem>> -> memref<128xi32, #tpu.memory_space<vmem>>
        %dma_start3A_1899 = tpu.memref_slice %arg3[%select_n3A_1876, %mul3A_1894] : memref<26x16384xi32, #tpu.memory_space<hbm>> -> memref<1x128xi32, #tpu.memory_space<hbm>>
        %dma_start3A_1900 = tpu.memref_squeeze %dma_start3A_1899 : memref<1x128xi32, #tpu.memory_space<hbm>> -> memref<128xi32, #tpu.memory_space<hbm>>
        %dma_start3A_1901 = arith.constant 0 : i32
        %dma_start3A_1902 = tpu.memref_slice %arg5[%dma_start3A_1895, %dma_start3A_1901] : memref<8x128xi32, #tpu.memory_space<vmem>> -> memref<1x128xi32, #tpu.memory_space<vmem>>
        %dma_start3A_1903 = tpu.memref_squeeze %dma_start3A_1902 : memref<1x128xi32, #tpu.memory_space<vmem>> -> memref<128xi32, #tpu.memory_space<vmem>>
        %dma_start3A_1904 = tpu.memref_slice %arg3[%select_n3A_1876, %mul3A_1894] : memref<26x16384xi32, #tpu.memory_space<hbm>> -> memref<1x128xi32, #tpu.memory_space<hbm>>
        %dma_start3A_1905 = tpu.memref_squeeze %dma_start3A_1904 : memref<1x128xi32, #tpu.memory_space<hbm>> -> memref<128xi32, #tpu.memory_space<hbm>>
        tpu.enqueue_dma source(%dma_start3A_1905 : memref<128xi32, #tpu.memory_space<hbm>>) target(%dma_start3A_1903 : memref<128xi32, #tpu.memory_space<vmem>>) target_semaphore(%arg35 : memref<!tpu.dma_semaphore, #tpu.memory_space<semaphore_mem>>)
      } else {
      }
      %mul3A_1710 = arith.constant 8 : i32
      %mul3A_1711 = arith.muli %scan3A_820, %mul3A_1710 : i32
      %add3A_1712 = arith.constant 6 : i32
      %add3A_1713 = arith.addi %mul3A_1711, %add3A_1712 : i32
      %dma_wait3A_1714 = arith.constant 0 : i32
      %dma_wait3A_1715 = arith.constant 6 : i32
      %dma_wait3A_1716 = arith.constant 0 : i32
      %dma_wait3A_1717 = tpu.memref_slice %arg5[%dma_wait3A_1715, %dma_wait3A_1716] : memref<8x128xi32, #tpu.memory_space<vmem>> -> memref<1x128xi32, #tpu.memory_space<vmem>>
      %dma_wait3A_1718 = tpu.memref_squeeze %dma_wait3A_1717 : memref<1x128xi32, #tpu.memory_space<vmem>> -> memref<128xi32, #tpu.memory_space<vmem>>
      %dma_wait3A_1719 = arith.constant 0 : i32
      %dma_wait3A_1720 = arith.constant 0 : i32
      %dma_wait3A_1721 = tpu.memref_slice %arg2[%dma_wait3A_1714, %dma_wait3A_1719, %dma_wait3A_1720] : memref<26x100000x32xf32, #tpu.memory_space<hbm>> -> memref<1x100000x32xf32, #tpu.memory_space<hbm>>
      %dma_wait3A_1722 = tpu.memref_squeeze %dma_wait3A_1721 : memref<1x100000x32xf32, #tpu.memory_space<hbm>> -> memref<100000x32xf32, #tpu.memory_space<hbm>>
      %dma_wait3A_1723 = arith.constant 0 : i32
      %dma_wait3A_1724 = arith.constant 0 : i32
      %dma_wait3A_1725 = tpu.memref_slice %dma_wait3A_1722[%dma_wait3A_1723, %dma_wait3A_1724] : memref<100000x32xf32, #tpu.memory_space<hbm>> -> memref<100000x32xf32, #tpu.memory_space<hbm>>
      tpu.wait_indirect_dma semaphore(%arg20 : memref<!tpu.dma_semaphore, #tpu.memory_space<semaphore_mem>>) src(%dma_wait3A_1725 : memref<100000x32xf32, #tpu.memory_space<hbm>>) dst(%arg12 : memref<128x32xf32, #tpu.memory_space<vmem>>)
      %add3A_1726 = arith.addi %mul3A_2, %add3A_1713 : i32
      %jit3A_1727 = arith.constant 128 : i32
      %div3A_1728 = arith.divsi %add3A_1726, %jit3A_1727 : i32
      %sign3A_1729 = arith.constant 0 : i32
      %sign3A_1730 = arith.cmpi sgt, %add3A_1726, %sign3A_1729 : i32
      %sign3A_1731 = arith.extui %sign3A_1730 : i1 to i32
      %sign3A_1732 = arith.constant 0 : i32
      %sign3A_1733 = arith.cmpi slt, %add3A_1726, %sign3A_1732 : i32
      %sign3A_1734 = arith.extui %sign3A_1733 : i1 to i32
      %sign3A_1735 = arith.subi %sign3A_1731, %sign3A_1734 : i32
      %sign3A_1736 = arith.constant 0 : i32
      %sign3A_1737 = arith.cmpi sgt, %jit3A_1727, %sign3A_1736 : i32
      %sign3A_1738 = arith.extui %sign3A_1737 : i1 to i32
      %sign3A_1739 = arith.constant 0 : i32
      %sign3A_1740 = arith.cmpi slt, %jit3A_1727, %sign3A_1739 : i32
      %sign3A_1741 = arith.extui %sign3A_1740 : i1 to i32
      %sign3A_1742 = arith.subi %sign3A_1738, %sign3A_1741 : i32
      %ne3A_1743 = arith.cmpi ne, %sign3A_1735, %sign3A_1742 : i32
      %rem3A_1744 = arith.remsi %add3A_1726, %jit3A_1727 : i32
      %ne3A_1745 = arith.constant 0 : i32
      %ne3A_1746 = arith.cmpi ne, %rem3A_1744, %ne3A_1745 : i32
      %and3A_1747 = arith.andi %ne3A_1743, %ne3A_1746 : i1
      %sub3A_1748 = arith.constant 1 : i32
      %sub3A_1749 = arith.subi %div3A_1728, %sub3A_1748 : i32
      %select_n3A_1750 = arith.select %and3A_1747, %sub3A_1749, %div3A_1728 : i32
      %jit3A_1751 = arith.constant 128 : i32
      %eq3A_1752 = arith.constant 0 : i32
      %eq3A_1753 = arith.cmpi eq, %jit3A_1751, %eq3A_1752 : i32
      %jit3A_1754 = arith.constant 1 : i32
      %select_n3A_1755 = arith.select %eq3A_1753, %jit3A_1754, %jit3A_1751 : i32
      %rem3A_1756 = arith.remsi %add3A_1726, %select_n3A_1755 : i32
      %ne3A_1757 = arith.constant 0 : i32
      %ne3A_1758 = arith.cmpi ne, %rem3A_1756, %ne3A_1757 : i32
      %lt3A_1759 = arith.constant 0 : i32
      %lt3A_1760 = arith.cmpi slt, %rem3A_1756, %lt3A_1759 : i32
      %lt3A_1761 = arith.constant 0 : i32
      %lt3A_1762 = arith.cmpi slt, %select_n3A_1755, %lt3A_1761 : i32
      %ne3A_1763 = arith.xori %lt3A_1760, %lt3A_1762 : i1
      %and3A_1764 = arith.andi %ne3A_1763, %ne3A_1758 : i1
      %add3A_1765 = arith.addi %rem3A_1756, %select_n3A_1755 : i32
      %select_n3A_1766 = arith.select %and3A_1764, %add3A_1765, %rem3A_1756 : i32
      %mul3A_1767 = arith.constant 128 : i32
      %mul3A_1768 = arith.muli %select_n3A_1766, %mul3A_1767 : i32
      %mul3A_1769 = arith.constant 32 : i32
      %mul3A_1770 = arith.muli %select_n3A_1750, %mul3A_1769 : i32
      %dma_start3A_1771 = tpu.memref_slice %arg4[%mul3A_1768, %mul3A_1770] : memref<16384x832xf32, #tpu.memory_space<hbm>> -> memref<128x32xf32, #tpu.memory_space<hbm>>
      %dma_start3A_1772 = tpu.memref_slice %arg4[%mul3A_1768, %mul3A_1770] : memref<16384x832xf32, #tpu.memory_space<hbm>> -> memref<128x32xf32, #tpu.memory_space<hbm>>
      tpu.enqueue_dma source(%arg12 : memref<128x32xf32, #tpu.memory_space<vmem>>) target(%dma_start3A_1772 : memref<128x32xf32, #tpu.memory_space<hbm>>) target_semaphore(%arg28 : memref<!tpu.dma_semaphore, #tpu.memory_space<semaphore_mem>>)
      %add3A_1773 = arith.constant 8 : i32
      %add3A_1774 = arith.addi %add3A_1713, %add3A_1773 : i32
      %lt3A_1775 = arith.constant 104 : i32
      %lt3A_1776 = arith.cmpi slt, %add3A_1774, %lt3A_1775 : i32
      %convert_element_type3A_1777 = arith.extui %lt3A_1776 : i1 to i32
      %cond3A_1778 = arith.constant 0 : i32
      %cond3A_1779 = arith.cmpi ne, %convert_element_type3A_1777, %cond3A_1778 : i32
      scf.if %cond3A_1779 {
        %add3A_1850 = arith.constant 8 : i32
        %add3A_1851 = arith.addi %add3A_1713, %add3A_1850 : i32
        %add3A_1852 = arith.addi %mul3A_2, %add3A_1851 : i32
        %jit3A_1853 = arith.constant 128 : i32
        %div3A_1854 = arith.divsi %add3A_1852, %jit3A_1853 : i32
        %sign3A_1855 = arith.constant 0 : i32
        %sign3A_1856 = arith.cmpi sgt, %add3A_1852, %sign3A_1855 : i32
        %sign3A_1857 = arith.extui %sign3A_1856 : i1 to i32
        %sign3A_1858 = arith.constant 0 : i32
        %sign3A_1859 = arith.cmpi slt, %add3A_1852, %sign3A_1858 : i32
        %sign3A_1860 = arith.extui %sign3A_1859 : i1 to i32
        %sign3A_1861 = arith.subi %sign3A_1857, %sign3A_1860 : i32
        %sign3A_1862 = arith.constant 0 : i32
        %sign3A_1863 = arith.cmpi sgt, %jit3A_1853, %sign3A_1862 : i32
        %sign3A_1864 = arith.extui %sign3A_1863 : i1 to i32
        %sign3A_1865 = arith.constant 0 : i32
        %sign3A_1866 = arith.cmpi slt, %jit3A_1853, %sign3A_1865 : i32
        %sign3A_1867 = arith.extui %sign3A_1866 : i1 to i32
        %sign3A_1868 = arith.subi %sign3A_1864, %sign3A_1867 : i32
        %ne3A_1869 = arith.cmpi ne, %sign3A_1861, %sign3A_1868 : i32
        %rem3A_1870 = arith.remsi %add3A_1852, %jit3A_1853 : i32
        %ne3A_1871 = arith.constant 0 : i32
        %ne3A_1872 = arith.cmpi ne, %rem3A_1870, %ne3A_1871 : i32
        %and3A_1873 = arith.andi %ne3A_1869, %ne3A_1872 : i1
        %sub3A_1874 = arith.constant 1 : i32
        %sub3A_1875 = arith.subi %div3A_1854, %sub3A_1874 : i32
        %select_n3A_1876 = arith.select %and3A_1873, %sub3A_1875, %div3A_1854 : i32
        %jit3A_1877 = arith.constant 128 : i32
        %eq3A_1878 = arith.constant 0 : i32
        %eq3A_1879 = arith.cmpi eq, %jit3A_1877, %eq3A_1878 : i32
        %jit3A_1880 = arith.constant 1 : i32
        %select_n3A_1881 = arith.select %eq3A_1879, %jit3A_1880, %jit3A_1877 : i32
        %rem3A_1882 = arith.remsi %add3A_1852, %select_n3A_1881 : i32
        %ne3A_1883 = arith.constant 0 : i32
        %ne3A_1884 = arith.cmpi ne, %rem3A_1882, %ne3A_1883 : i32
        %lt3A_1885 = arith.constant 0 : i32
        %lt3A_1886 = arith.cmpi slt, %rem3A_1882, %lt3A_1885 : i32
        %lt3A_1887 = arith.constant 0 : i32
        %lt3A_1888 = arith.cmpi slt, %select_n3A_1881, %lt3A_1887 : i32
        %ne3A_1889 = arith.xori %lt3A_1886, %lt3A_1888 : i1
        %and3A_1890 = arith.andi %ne3A_1889, %ne3A_1884 : i1
        %add3A_1891 = arith.addi %rem3A_1882, %select_n3A_1881 : i32
        %select_n3A_1892 = arith.select %and3A_1890, %add3A_1891, %rem3A_1882 : i32
        %mul3A_1893 = arith.constant 128 : i32
        %mul3A_1894 = arith.muli %select_n3A_1892, %mul3A_1893 : i32
        %dma_start3A_1895 = arith.constant 6 : i32
        %dma_start3A_1896 = arith.constant 0 : i32
        %dma_start3A_1897 = tpu.memref_slice %arg5[%dma_start3A_1895, %dma_start3A_1896] : memref<8x128xi32, #tpu.memory_space<vmem>> -> memref<1x128xi32, #tpu.memory_space<vmem>>
        %dma_start3A_1898 = tpu.memref_squeeze %dma_start3A_1897 : memref<1x128xi32, #tpu.memory_space<vmem>> -> memref<128xi32, #tpu.memory_space<vmem>>
        %dma_start3A_1899 = tpu.memref_slice %arg3[%select_n3A_1876, %mul3A_1894] : memref<26x16384xi32, #tpu.memory_space<hbm>> -> memref<1x128xi32, #tpu.memory_space<hbm>>
        %dma_start3A_1900 = tpu.memref_squeeze %dma_start3A_1899 : memref<1x128xi32, #tpu.memory_space<hbm>> -> memref<128xi32, #tpu.memory_space<hbm>>
        %dma_start3A_1901 = arith.constant 0 : i32
        %dma_start3A_1902 = tpu.memref_slice %arg5[%dma_start3A_1895, %dma_start3A_1901] : memref<8x128xi32, #tpu.memory_space<vmem>> -> memref<1x128xi32, #tpu.memory_space<vmem>>
        %dma_start3A_1903 = tpu.memref_squeeze %dma_start3A_1902 : memref<1x128xi32, #tpu.memory_space<vmem>> -> memref<128xi32, #tpu.memory_space<vmem>>
        %dma_start3A_1904 = tpu.memref_slice %arg3[%select_n3A_1876, %mul3A_1894] : memref<26x16384xi32, #tpu.memory_space<hbm>> -> memref<1x128xi32, #tpu.memory_space<hbm>>
        %dma_start3A_1905 = tpu.memref_squeeze %dma_start3A_1904 : memref<1x128xi32, #tpu.memory_space<hbm>> -> memref<128xi32, #tpu.memory_space<hbm>>
        tpu.enqueue_dma source(%dma_start3A_1905 : memref<128xi32, #tpu.memory_space<hbm>>) target(%dma_start3A_1903 : memref<128xi32, #tpu.memory_space<vmem>>) target_semaphore(%arg36 : memref<!tpu.dma_semaphore, #tpu.memory_space<semaphore_mem>>)
      } else {
      }
      %mul3A_1780 = arith.constant 8 : i32
      %mul3A_1781 = arith.muli %scan3A_820, %mul3A_1780 : i32
      %add3A_1782 = arith.constant 7 : i32
      %add3A_1783 = arith.addi %mul3A_1781, %add3A_1782 : i32
      %dma_wait3A_1784 = arith.constant 0 : i32
      %dma_wait3A_1785 = arith.constant 7 : i32
      %dma_wait3A_1786 = arith.constant 0 : i32
      %dma_wait3A_1787 = tpu.memref_slice %arg5[%dma_wait3A_1785, %dma_wait3A_1786] : memref<8x128xi32, #tpu.memory_space<vmem>> -> memref<1x128xi32, #tpu.memory_space<vmem>>
      %dma_wait3A_1788 = tpu.memref_squeeze %dma_wait3A_1787 : memref<1x128xi32, #tpu.memory_space<vmem>> -> memref<128xi32, #tpu.memory_space<vmem>>
      %dma_wait3A_1789 = arith.constant 0 : i32
      %dma_wait3A_1790 = arith.constant 0 : i32
      %dma_wait3A_1791 = tpu.memref_slice %arg2[%dma_wait3A_1784, %dma_wait3A_1789, %dma_wait3A_1790] : memref<26x100000x32xf32, #tpu.memory_space<hbm>> -> memref<1x100000x32xf32, #tpu.memory_space<hbm>>
      %dma_wait3A_1792 = tpu.memref_squeeze %dma_wait3A_1791 : memref<1x100000x32xf32, #tpu.memory_space<hbm>> -> memref<100000x32xf32, #tpu.memory_space<hbm>>
      %dma_wait3A_1793 = arith.constant 0 : i32
      %dma_wait3A_1794 = arith.constant 0 : i32
      %dma_wait3A_1795 = tpu.memref_slice %dma_wait3A_1792[%dma_wait3A_1793, %dma_wait3A_1794] : memref<100000x32xf32, #tpu.memory_space<hbm>> -> memref<100000x32xf32, #tpu.memory_space<hbm>>
      tpu.wait_indirect_dma semaphore(%arg21 : memref<!tpu.dma_semaphore, #tpu.memory_space<semaphore_mem>>) src(%dma_wait3A_1795 : memref<100000x32xf32, #tpu.memory_space<hbm>>) dst(%arg13 : memref<128x32xf32, #tpu.memory_space<vmem>>)
      %add3A_1796 = arith.addi %mul3A_2, %add3A_1783 : i32
      %jit3A_1797 = arith.constant 128 : i32
      %div3A_1798 = arith.divsi %add3A_1796, %jit3A_1797 : i32
      %sign3A_1799 = arith.constant 0 : i32
      %sign3A_1800 = arith.cmpi sgt, %add3A_1796, %sign3A_1799 : i32
      %sign3A_1801 = arith.extui %sign3A_1800 : i1 to i32
      %sign3A_1802 = arith.constant 0 : i32
      %sign3A_1803 = arith.cmpi slt, %add3A_1796, %sign3A_1802 : i32
      %sign3A_1804 = arith.extui %sign3A_1803 : i1 to i32
      %sign3A_1805 = arith.subi %sign3A_1801, %sign3A_1804 : i32
      %sign3A_1806 = arith.constant 0 : i32
      %sign3A_1807 = arith.cmpi sgt, %jit3A_1797, %sign3A_1806 : i32
      %sign3A_1808 = arith.extui %sign3A_1807 : i1 to i32
      %sign3A_1809 = arith.constant 0 : i32
      %sign3A_1810 = arith.cmpi slt, %jit3A_1797, %sign3A_1809 : i32
      %sign3A_1811 = arith.extui %sign3A_1810 : i1 to i32
      %sign3A_1812 = arith.subi %sign3A_1808, %sign3A_1811 : i32
      %ne3A_1813 = arith.cmpi ne, %sign3A_1805, %sign3A_1812 : i32
      %rem3A_1814 = arith.remsi %add3A_1796, %jit3A_1797 : i32
      %ne3A_1815 = arith.constant 0 : i32
      %ne3A_1816 = arith.cmpi ne, %rem3A_1814, %ne3A_1815 : i32
      %and3A_1817 = arith.andi %ne3A_1813, %ne3A_1816 : i1
      %sub3A_1818 = arith.constant 1 : i32
      %sub3A_1819 = arith.subi %div3A_1798, %sub3A_1818 : i32
      %select_n3A_1820 = arith.select %and3A_1817, %sub3A_1819, %div3A_1798 : i32
      %jit3A_1821 = arith.constant 128 : i32
      %eq3A_1822 = arith.constant 0 : i32
      %eq3A_1823 = arith.cmpi eq, %jit3A_1821, %eq3A_1822 : i32
      %jit3A_1824 = arith.constant 1 : i32
      %select_n3A_1825 = arith.select %eq3A_1823, %jit3A_1824, %jit3A_1821 : i32
      %rem3A_1826 = arith.remsi %add3A_1796, %select_n3A_1825 : i32
      %ne3A_1827 = arith.constant 0 : i32
      %ne3A_1828 = arith.cmpi ne, %rem3A_1826, %ne3A_1827 : i32
      %lt3A_1829 = arith.constant 0 : i32
      %lt3A_1830 = arith.cmpi slt, %rem3A_1826, %lt3A_1829 : i32
      %lt3A_1831 = arith.constant 0 : i32
      %lt3A_1832 = arith.cmpi slt, %select_n3A_1825, %lt3A_1831 : i32
      %ne3A_1833 = arith.xori %lt3A_1830, %lt3A_1832 : i1
      %and3A_1834 = arith.andi %ne3A_1833, %ne3A_1828 : i1
      %add3A_1835 = arith.addi %rem3A_1826, %select_n3A_1825 : i32
      %select_n3A_1836 = arith.select %and3A_1834, %add3A_1835, %rem3A_1826 : i32
      %mul3A_1837 = arith.constant 128 : i32
      %mul3A_1838 = arith.muli %select_n3A_1836, %mul3A_1837 : i32
      %mul3A_1839 = arith.constant 32 : i32
      %mul3A_1840 = arith.muli %select_n3A_1820, %mul3A_1839 : i32
      %dma_start3A_1841 = tpu.memref_slice %arg4[%mul3A_1838, %mul3A_1840] : memref<16384x832xf32, #tpu.memory_space<hbm>> -> memref<128x32xf32, #tpu.memory_space<hbm>>
      %dma_start3A_1842 = tpu.memref_slice %arg4[%mul3A_1838, %mul3A_1840] : memref<16384x832xf32, #tpu.memory_space<hbm>> -> memref<128x32xf32, #tpu.memory_space<hbm>>
      tpu.enqueue_dma source(%arg13 : memref<128x32xf32, #tpu.memory_space<vmem>>) target(%dma_start3A_1842 : memref<128x32xf32, #tpu.memory_space<hbm>>) target_semaphore(%arg29 : memref<!tpu.dma_semaphore, #tpu.memory_space<semaphore_mem>>)
      %add3A_1843 = arith.constant 8 : i32
      %add3A_1844 = arith.addi %add3A_1783, %add3A_1843 : i32
      %lt3A_1845 = arith.constant 104 : i32
      %lt3A_1846 = arith.cmpi slt, %add3A_1844, %lt3A_1845 : i32
      %convert_element_type3A_1847 = arith.extui %lt3A_1846 : i1 to i32
      %cond3A_1848 = arith.constant 0 : i32
      %cond3A_1849 = arith.cmpi ne, %convert_element_type3A_1847, %cond3A_1848 : i32
      scf.if %cond3A_1849 {
        %add3A_1850 = arith.constant 8 : i32
        %add3A_1851 = arith.addi %add3A_1783, %add3A_1850 : i32
        %add3A_1852 = arith.addi %mul3A_2, %add3A_1851 : i32
        %jit3A_1853 = arith.constant 128 : i32
        %div3A_1854 = arith.divsi %add3A_1852, %jit3A_1853 : i32
        %sign3A_1855 = arith.constant 0 : i32
        %sign3A_1856 = arith.cmpi sgt, %add3A_1852, %sign3A_1855 : i32
        %sign3A_1857 = arith.extui %sign3A_1856 : i1 to i32
        %sign3A_1858 = arith.constant 0 : i32
        %sign3A_1859 = arith.cmpi slt, %add3A_1852, %sign3A_1858 : i32
        %sign3A_1860 = arith.extui %sign3A_1859 : i1 to i32
        %sign3A_1861 = arith.subi %sign3A_1857, %sign3A_1860 : i32
        %sign3A_1862 = arith.constant 0 : i32
        %sign3A_1863 = arith.cmpi sgt, %jit3A_1853, %sign3A_1862 : i32
        %sign3A_1864 = arith.extui %sign3A_1863 : i1 to i32
        %sign3A_1865 = arith.constant 0 : i32
        %sign3A_1866 = arith.cmpi slt, %jit3A_1853, %sign3A_1865 : i32
        %sign3A_1867 = arith.extui %sign3A_1866 : i1 to i32
        %sign3A_1868 = arith.subi %sign3A_1864, %sign3A_1867 : i32
        %ne3A_1869 = arith.cmpi ne, %sign3A_1861, %sign3A_1868 : i32
        %rem3A_1870 = arith.remsi %add3A_1852, %jit3A_1853 : i32
        %ne3A_1871 = arith.constant 0 : i32
        %ne3A_1872 = arith.cmpi ne, %rem3A_1870, %ne3A_1871 : i32
        %and3A_1873 = arith.andi %ne3A_1869, %ne3A_1872 : i1
        %sub3A_1874 = arith.constant 1 : i32
        %sub3A_1875 = arith.subi %div3A_1854, %sub3A_1874 : i32
        %select_n3A_1876 = arith.select %and3A_1873, %sub3A_1875, %div3A_1854 : i32
        %jit3A_1877 = arith.constant 128 : i32
        %eq3A_1878 = arith.constant 0 : i32
        %eq3A_1879 = arith.cmpi eq, %jit3A_1877, %eq3A_1878 : i32
        %jit3A_1880 = arith.constant 1 : i32
        %select_n3A_1881 = arith.select %eq3A_1879, %jit3A_1880, %jit3A_1877 : i32
        %rem3A_1882 = arith.remsi %add3A_1852, %select_n3A_1881 : i32
        %ne3A_1883 = arith.constant 0 : i32
        %ne3A_1884 = arith.cmpi ne, %rem3A_1882, %ne3A_1883 : i32
        %lt3A_1885 = arith.constant 0 : i32
        %lt3A_1886 = arith.cmpi slt, %rem3A_1882, %lt3A_1885 : i32
        %lt3A_1887 = arith.constant 0 : i32
        %lt3A_1888 = arith.cmpi slt, %select_n3A_1881, %lt3A_1887 : i32
        %ne3A_1889 = arith.xori %lt3A_1886, %lt3A_1888 : i1
        %and3A_1890 = arith.andi %ne3A_1889, %ne3A_1884 : i1
        %add3A_1891 = arith.addi %rem3A_1882, %select_n3A_1881 : i32
        %select_n3A_1892 = arith.select %and3A_1890, %add3A_1891, %rem3A_1882 : i32
        %mul3A_1893 = arith.constant 128 : i32
        %mul3A_1894 = arith.muli %select_n3A_1892, %mul3A_1893 : i32
        %dma_start3A_1895 = arith.constant 7 : i32
        %dma_start3A_1896 = arith.constant 0 : i32
        %dma_start3A_1897 = tpu.memref_slice %arg5[%dma_start3A_1895, %dma_start3A_1896] : memref<8x128xi32, #tpu.memory_space<vmem>> -> memref<1x128xi32, #tpu.memory_space<vmem>>
        %dma_start3A_1898 = tpu.memref_squeeze %dma_start3A_1897 : memref<1x128xi32, #tpu.memory_space<vmem>> -> memref<128xi32, #tpu.memory_space<vmem>>
        %dma_start3A_1899 = tpu.memref_slice %arg3[%select_n3A_1876, %mul3A_1894] : memref<26x16384xi32, #tpu.memory_space<hbm>> -> memref<1x128xi32, #tpu.memory_space<hbm>>
        %dma_start3A_1900 = tpu.memref_squeeze %dma_start3A_1899 : memref<1x128xi32, #tpu.memory_space<hbm>> -> memref<128xi32, #tpu.memory_space<hbm>>
        %dma_start3A_1901 = arith.constant 0 : i32
        %dma_start3A_1902 = tpu.memref_slice %arg5[%dma_start3A_1895, %dma_start3A_1901] : memref<8x128xi32, #tpu.memory_space<vmem>> -> memref<1x128xi32, #tpu.memory_space<vmem>>
        %dma_start3A_1903 = tpu.memref_squeeze %dma_start3A_1902 : memref<1x128xi32, #tpu.memory_space<vmem>> -> memref<128xi32, #tpu.memory_space<vmem>>
        %dma_start3A_1904 = tpu.memref_slice %arg3[%select_n3A_1876, %mul3A_1894] : memref<26x16384xi32, #tpu.memory_space<hbm>> -> memref<1x128xi32, #tpu.memory_space<hbm>>
        %dma_start3A_1905 = tpu.memref_squeeze %dma_start3A_1904 : memref<1x128xi32, #tpu.memory_space<hbm>> -> memref<128xi32, #tpu.memory_space<hbm>>
        tpu.enqueue_dma source(%dma_start3A_1905 : memref<128xi32, #tpu.memory_space<hbm>>) target(%dma_start3A_1903 : memref<128xi32, #tpu.memory_space<vmem>>) target_semaphore(%arg37 : memref<!tpu.dma_semaphore, #tpu.memory_space<semaphore_mem>>)
      } else {
      }
    }
    %scan3A_436 = arith.constant 13 : i32
    %add3A_437 = arith.constant 96 : i32
    %add3A_438 = arith.addi %mul3A_2, %add3A_437 : i32
    %jit3A_439 = arith.constant 128 : i32
    %div3A_440 = arith.divsi %add3A_438, %jit3A_439 : i32
    %sign3A_441 = arith.constant 0 : i32
    %sign3A_442 = arith.cmpi sgt, %add3A_438, %sign3A_441 : i32
    %sign3A_443 = arith.extui %sign3A_442 : i1 to i32
    %sign3A_444 = arith.constant 0 : i32
    %sign3A_445 = arith.cmpi slt, %add3A_438, %sign3A_444 : i32
    %sign3A_446 = arith.extui %sign3A_445 : i1 to i32
    %sign3A_447 = arith.subi %sign3A_443, %sign3A_446 : i32
    %sign3A_448 = arith.constant 0 : i32
    %sign3A_449 = arith.cmpi sgt, %jit3A_439, %sign3A_448 : i32
    %sign3A_450 = arith.extui %sign3A_449 : i1 to i32
    %sign3A_451 = arith.constant 0 : i32
    %sign3A_452 = arith.cmpi slt, %jit3A_439, %sign3A_451 : i32
    %sign3A_453 = arith.extui %sign3A_452 : i1 to i32
    %sign3A_454 = arith.subi %sign3A_450, %sign3A_453 : i32
    %ne3A_455 = arith.cmpi ne, %sign3A_447, %sign3A_454 : i32
    %rem3A_456 = arith.remsi %add3A_438, %jit3A_439 : i32
    %ne3A_457 = arith.constant 0 : i32
    %ne3A_458 = arith.cmpi ne, %rem3A_456, %ne3A_457 : i32
    %and3A_459 = arith.andi %ne3A_455, %ne3A_458 : i1
    %sub3A_460 = arith.constant 1 : i32
    %sub3A_461 = arith.subi %div3A_440, %sub3A_460 : i32
    %select_n3A_462 = arith.select %and3A_459, %sub3A_461, %div3A_440 : i32
    %jit3A_463 = arith.constant 128 : i32
    %eq3A_464 = arith.constant 0 : i32
    %eq3A_465 = arith.cmpi eq, %jit3A_463, %eq3A_464 : i32
    %jit3A_466 = arith.constant 1 : i32
    %select_n3A_467 = arith.select %eq3A_465, %jit3A_466, %jit3A_463 : i32
    %rem3A_468 = arith.remsi %add3A_438, %select_n3A_467 : i32
    %ne3A_469 = arith.constant 0 : i32
    %ne3A_470 = arith.cmpi ne, %rem3A_468, %ne3A_469 : i32
    %lt3A_471 = arith.constant 0 : i32
    %lt3A_472 = arith.cmpi slt, %rem3A_468, %lt3A_471 : i32
    %lt3A_473 = arith.constant 0 : i32
    %lt3A_474 = arith.cmpi slt, %select_n3A_467, %lt3A_473 : i32
    %ne3A_475 = arith.xori %lt3A_472, %lt3A_474 : i1
    %and3A_476 = arith.andi %ne3A_475, %ne3A_470 : i1
    %add3A_477 = arith.addi %rem3A_468, %select_n3A_467 : i32
    %select_n3A_478 = arith.select %and3A_476, %add3A_477, %rem3A_468 : i32
    %mul3A_479 = arith.constant 128 : i32
    %mul3A_480 = arith.muli %select_n3A_478, %mul3A_479 : i32
    %mul3A_481 = arith.constant 32 : i32
    %mul3A_482 = arith.muli %select_n3A_462, %mul3A_481 : i32
    %dma_wait3A = tpu.memref_slice %arg4[%mul3A_480, %mul3A_482] : memref<16384x832xf32, #tpu.memory_space<hbm>> -> memref<128x32xf32, #tpu.memory_space<hbm>>
    %dma_wait3A_483 = tpu.memref_slice %arg4[%mul3A_480, %mul3A_482] : memref<16384x832xf32, #tpu.memory_space<hbm>> -> memref<128x32xf32, #tpu.memory_space<hbm>>
    tpu.wait_dma2 semaphore(%arg22 : memref<!tpu.dma_semaphore, #tpu.memory_space<semaphore_mem>>) src(%arg6 : memref<128x32xf32, #tpu.memory_space<vmem>>) dst(%dma_wait3A_483 : memref<128x32xf32, #tpu.memory_space<hbm>>)
    %add3A_484 = arith.constant 97 : i32
    %add3A_485 = arith.addi %mul3A_2, %add3A_484 : i32
    %jit3A_486 = arith.constant 128 : i32
    %div3A_487 = arith.divsi %add3A_485, %jit3A_486 : i32
    %sign3A_488 = arith.constant 0 : i32
    %sign3A_489 = arith.cmpi sgt, %add3A_485, %sign3A_488 : i32
    %sign3A_490 = arith.extui %sign3A_489 : i1 to i32
    %sign3A_491 = arith.constant 0 : i32
    %sign3A_492 = arith.cmpi slt, %add3A_485, %sign3A_491 : i32
    %sign3A_493 = arith.extui %sign3A_492 : i1 to i32
    %sign3A_494 = arith.subi %sign3A_490, %sign3A_493 : i32
    %sign3A_495 = arith.constant 0 : i32
    %sign3A_496 = arith.cmpi sgt, %jit3A_486, %sign3A_495 : i32
    %sign3A_497 = arith.extui %sign3A_496 : i1 to i32
    %sign3A_498 = arith.constant 0 : i32
    %sign3A_499 = arith.cmpi slt, %jit3A_486, %sign3A_498 : i32
    %sign3A_500 = arith.extui %sign3A_499 : i1 to i32
    %sign3A_501 = arith.subi %sign3A_497, %sign3A_500 : i32
    %ne3A_502 = arith.cmpi ne, %sign3A_494, %sign3A_501 : i32
    %rem3A_503 = arith.remsi %add3A_485, %jit3A_486 : i32
    %ne3A_504 = arith.constant 0 : i32
    %ne3A_505 = arith.cmpi ne, %rem3A_503, %ne3A_504 : i32
    %and3A_506 = arith.andi %ne3A_502, %ne3A_505 : i1
    %sub3A_507 = arith.constant 1 : i32
    %sub3A_508 = arith.subi %div3A_487, %sub3A_507 : i32
    %select_n3A_509 = arith.select %and3A_506, %sub3A_508, %div3A_487 : i32
    %jit3A_510 = arith.constant 128 : i32
    %eq3A_511 = arith.constant 0 : i32
    %eq3A_512 = arith.cmpi eq, %jit3A_510, %eq3A_511 : i32
    %jit3A_513 = arith.constant 1 : i32
    %select_n3A_514 = arith.select %eq3A_512, %jit3A_513, %jit3A_510 : i32
    %rem3A_515 = arith.remsi %add3A_485, %select_n3A_514 : i32
    %ne3A_516 = arith.constant 0 : i32
    %ne3A_517 = arith.cmpi ne, %rem3A_515, %ne3A_516 : i32
    %lt3A_518 = arith.constant 0 : i32
    %lt3A_519 = arith.cmpi slt, %rem3A_515, %lt3A_518 : i32
    %lt3A_520 = arith.constant 0 : i32
    %lt3A_521 = arith.cmpi slt, %select_n3A_514, %lt3A_520 : i32
    %ne3A_522 = arith.xori %lt3A_519, %lt3A_521 : i1
    %and3A_523 = arith.andi %ne3A_522, %ne3A_517 : i1
    %add3A_524 = arith.addi %rem3A_515, %select_n3A_514 : i32
    %select_n3A_525 = arith.select %and3A_523, %add3A_524, %rem3A_515 : i32
    %mul3A_526 = arith.constant 128 : i32
    %mul3A_527 = arith.muli %select_n3A_525, %mul3A_526 : i32
    %mul3A_528 = arith.constant 32 : i32
    %mul3A_529 = arith.muli %select_n3A_509, %mul3A_528 : i32
    %dma_wait3A_530 = tpu.memref_slice %arg4[%mul3A_527, %mul3A_529] : memref<16384x832xf32, #tpu.memory_space<hbm>> -> memref<128x32xf32, #tpu.memory_space<hbm>>
    %dma_wait3A_531 = tpu.memref_slice %arg4[%mul3A_527, %mul3A_529] : memref<16384x832xf32, #tpu.memory_space<hbm>> -> memref<128x32xf32, #tpu.memory_space<hbm>>
    tpu.wait_dma2 semaphore(%arg23 : memref<!tpu.dma_semaphore, #tpu.memory_space<semaphore_mem>>) src(%arg7 : memref<128x32xf32, #tpu.memory_space<vmem>>) dst(%dma_wait3A_531 : memref<128x32xf32, #tpu.memory_space<hbm>>)
    %add3A_532 = arith.constant 98 : i32
    %add3A_533 = arith.addi %mul3A_2, %add3A_532 : i32
    %jit3A_534 = arith.constant 128 : i32
    %div3A_535 = arith.divsi %add3A_533, %jit3A_534 : i32
    %sign3A_536 = arith.constant 0 : i32
    %sign3A_537 = arith.cmpi sgt, %add3A_533, %sign3A_536 : i32
    %sign3A_538 = arith.extui %sign3A_537 : i1 to i32
    %sign3A_539 = arith.constant 0 : i32
    %sign3A_540 = arith.cmpi slt, %add3A_533, %sign3A_539 : i32
    %sign3A_541 = arith.extui %sign3A_540 : i1 to i32
    %sign3A_542 = arith.subi %sign3A_538, %sign3A_541 : i32
    %sign3A_543 = arith.constant 0 : i32
    %sign3A_544 = arith.cmpi sgt, %jit3A_534, %sign3A_543 : i32
    %sign3A_545 = arith.extui %sign3A_544 : i1 to i32
    %sign3A_546 = arith.constant 0 : i32
    %sign3A_547 = arith.cmpi slt, %jit3A_534, %sign3A_546 : i32
    %sign3A_548 = arith.extui %sign3A_547 : i1 to i32
    %sign3A_549 = arith.subi %sign3A_545, %sign3A_548 : i32
    %ne3A_550 = arith.cmpi ne, %sign3A_542, %sign3A_549 : i32
    %rem3A_551 = arith.remsi %add3A_533, %jit3A_534 : i32
    %ne3A_552 = arith.constant 0 : i32
    %ne3A_553 = arith.cmpi ne, %rem3A_551, %ne3A_552 : i32
    %and3A_554 = arith.andi %ne3A_550, %ne3A_553 : i1
    %sub3A_555 = arith.constant 1 : i32
    %sub3A_556 = arith.subi %div3A_535, %sub3A_555 : i32
    %select_n3A_557 = arith.select %and3A_554, %sub3A_556, %div3A_535 : i32
    %jit3A_558 = arith.constant 128 : i32
    %eq3A_559 = arith.constant 0 : i32
    %eq3A_560 = arith.cmpi eq, %jit3A_558, %eq3A_559 : i32
    %jit3A_561 = arith.constant 1 : i32
    %select_n3A_562 = arith.select %eq3A_560, %jit3A_561, %jit3A_558 : i32
    %rem3A_563 = arith.remsi %add3A_533, %select_n3A_562 : i32
    %ne3A_564 = arith.constant 0 : i32
    %ne3A_565 = arith.cmpi ne, %rem3A_563, %ne3A_564 : i32
    %lt3A_566 = arith.constant 0 : i32
    %lt3A_567 = arith.cmpi slt, %rem3A_563, %lt3A_566 : i32
    %lt3A_568 = arith.constant 0 : i32
    %lt3A_569 = arith.cmpi slt, %select_n3A_562, %lt3A_568 : i32
    %ne3A_570 = arith.xori %lt3A_567, %lt3A_569 : i1
    %and3A_571 = arith.andi %ne3A_570, %ne3A_565 : i1
    %add3A_572 = arith.addi %rem3A_563, %select_n3A_562 : i32
    %select_n3A_573 = arith.select %and3A_571, %add3A_572, %rem3A_563 : i32
    %mul3A_574 = arith.constant 128 : i32
    %mul3A_575 = arith.muli %select_n3A_573, %mul3A_574 : i32
    %mul3A_576 = arith.constant 32 : i32
    %mul3A_577 = arith.muli %select_n3A_557, %mul3A_576 : i32
    %dma_wait3A_578 = tpu.memref_slice %arg4[%mul3A_575, %mul3A_577] : memref<16384x832xf32, #tpu.memory_space<hbm>> -> memref<128x32xf32, #tpu.memory_space<hbm>>
    %dma_wait3A_579 = tpu.memref_slice %arg4[%mul3A_575, %mul3A_577] : memref<16384x832xf32, #tpu.memory_space<hbm>> -> memref<128x32xf32, #tpu.memory_space<hbm>>
    tpu.wait_dma2 semaphore(%arg24 : memref<!tpu.dma_semaphore, #tpu.memory_space<semaphore_mem>>) src(%arg8 : memref<128x32xf32, #tpu.memory_space<vmem>>) dst(%dma_wait3A_579 : memref<128x32xf32, #tpu.memory_space<hbm>>)
    %add3A_580 = arith.constant 99 : i32
    %add3A_581 = arith.addi %mul3A_2, %add3A_580 : i32
    %jit3A_582 = arith.constant 128 : i32
    %div3A_583 = arith.divsi %add3A_581, %jit3A_582 : i32
    %sign3A_584 = arith.constant 0 : i32
    %sign3A_585 = arith.cmpi sgt, %add3A_581, %sign3A_584 : i32
    %sign3A_586 = arith.extui %sign3A_585 : i1 to i32
    %sign3A_587 = arith.constant 0 : i32
    %sign3A_588 = arith.cmpi slt, %add3A_581, %sign3A_587 : i32
    %sign3A_589 = arith.extui %sign3A_588 : i1 to i32
    %sign3A_590 = arith.subi %sign3A_586, %sign3A_589 : i32
    %sign3A_591 = arith.constant 0 : i32
    %sign3A_592 = arith.cmpi sgt, %jit3A_582, %sign3A_591 : i32
    %sign3A_593 = arith.extui %sign3A_592 : i1 to i32
    %sign3A_594 = arith.constant 0 : i32
    %sign3A_595 = arith.cmpi slt, %jit3A_582, %sign3A_594 : i32
    %sign3A_596 = arith.extui %sign3A_595 : i1 to i32
    %sign3A_597 = arith.subi %sign3A_593, %sign3A_596 : i32
    %ne3A_598 = arith.cmpi ne, %sign3A_590, %sign3A_597 : i32
    %rem3A_599 = arith.remsi %add3A_581, %jit3A_582 : i32
    %ne3A_600 = arith.constant 0 : i32
    %ne3A_601 = arith.cmpi ne, %rem3A_599, %ne3A_600 : i32
    %and3A_602 = arith.andi %ne3A_598, %ne3A_601 : i1
    %sub3A_603 = arith.constant 1 : i32
    %sub3A_604 = arith.subi %div3A_583, %sub3A_603 : i32
    %select_n3A_605 = arith.select %and3A_602, %sub3A_604, %div3A_583 : i32
    %jit3A_606 = arith.constant 128 : i32
    %eq3A_607 = arith.constant 0 : i32
    %eq3A_608 = arith.cmpi eq, %jit3A_606, %eq3A_607 : i32
    %jit3A_609 = arith.constant 1 : i32
    %select_n3A_610 = arith.select %eq3A_608, %jit3A_609, %jit3A_606 : i32
    %rem3A_611 = arith.remsi %add3A_581, %select_n3A_610 : i32
    %ne3A_612 = arith.constant 0 : i32
    %ne3A_613 = arith.cmpi ne, %rem3A_611, %ne3A_612 : i32
    %lt3A_614 = arith.constant 0 : i32
    %lt3A_615 = arith.cmpi slt, %rem3A_611, %lt3A_614 : i32
    %lt3A_616 = arith.constant 0 : i32
    %lt3A_617 = arith.cmpi slt, %select_n3A_610, %lt3A_616 : i32
    %ne3A_618 = arith.xori %lt3A_615, %lt3A_617 : i1
    %and3A_619 = arith.andi %ne3A_618, %ne3A_613 : i1
    %add3A_620 = arith.addi %rem3A_611, %select_n3A_610 : i32
    %select_n3A_621 = arith.select %and3A_619, %add3A_620, %rem3A_611 : i32
    %mul3A_622 = arith.constant 128 : i32
    %mul3A_623 = arith.muli %select_n3A_621, %mul3A_622 : i32
    %mul3A_624 = arith.constant 32 : i32
    %mul3A_625 = arith.muli %select_n3A_605, %mul3A_624 : i32
    %dma_wait3A_626 = tpu.memref_slice %arg4[%mul3A_623, %mul3A_625] : memref<16384x832xf32, #tpu.memory_space<hbm>> -> memref<128x32xf32, #tpu.memory_space<hbm>>
    %dma_wait3A_627 = tpu.memref_slice %arg4[%mul3A_623, %mul3A_625] : memref<16384x832xf32, #tpu.memory_space<hbm>> -> memref<128x32xf32, #tpu.memory_space<hbm>>
    tpu.wait_dma2 semaphore(%arg25 : memref<!tpu.dma_semaphore, #tpu.memory_space<semaphore_mem>>) src(%arg9 : memref<128x32xf32, #tpu.memory_space<vmem>>) dst(%dma_wait3A_627 : memref<128x32xf32, #tpu.memory_space<hbm>>)
    %add3A_628 = arith.constant 100 : i32
    %add3A_629 = arith.addi %mul3A_2, %add3A_628 : i32
    %jit3A_630 = arith.constant 128 : i32
    %div3A_631 = arith.divsi %add3A_629, %jit3A_630 : i32
    %sign3A_632 = arith.constant 0 : i32
    %sign3A_633 = arith.cmpi sgt, %add3A_629, %sign3A_632 : i32
    %sign3A_634 = arith.extui %sign3A_633 : i1 to i32
    %sign3A_635 = arith.constant 0 : i32
    %sign3A_636 = arith.cmpi slt, %add3A_629, %sign3A_635 : i32
    %sign3A_637 = arith.extui %sign3A_636 : i1 to i32
    %sign3A_638 = arith.subi %sign3A_634, %sign3A_637 : i32
    %sign3A_639 = arith.constant 0 : i32
    %sign3A_640 = arith.cmpi sgt, %jit3A_630, %sign3A_639 : i32
    %sign3A_641 = arith.extui %sign3A_640 : i1 to i32
    %sign3A_642 = arith.constant 0 : i32
    %sign3A_643 = arith.cmpi slt, %jit3A_630, %sign3A_642 : i32
    %sign3A_644 = arith.extui %sign3A_643 : i1 to i32
    %sign3A_645 = arith.subi %sign3A_641, %sign3A_644 : i32
    %ne3A_646 = arith.cmpi ne, %sign3A_638, %sign3A_645 : i32
    %rem3A_647 = arith.remsi %add3A_629, %jit3A_630 : i32
    %ne3A_648 = arith.constant 0 : i32
    %ne3A_649 = arith.cmpi ne, %rem3A_647, %ne3A_648 : i32
    %and3A_650 = arith.andi %ne3A_646, %ne3A_649 : i1
    %sub3A_651 = arith.constant 1 : i32
    %sub3A_652 = arith.subi %div3A_631, %sub3A_651 : i32
    %select_n3A_653 = arith.select %and3A_650, %sub3A_652, %div3A_631 : i32
    %jit3A_654 = arith.constant 128 : i32
    %eq3A_655 = arith.constant 0 : i32
    %eq3A_656 = arith.cmpi eq, %jit3A_654, %eq3A_655 : i32
    %jit3A_657 = arith.constant 1 : i32
    %select_n3A_658 = arith.select %eq3A_656, %jit3A_657, %jit3A_654 : i32
    %rem3A_659 = arith.remsi %add3A_629, %select_n3A_658 : i32
    %ne3A_660 = arith.constant 0 : i32
    %ne3A_661 = arith.cmpi ne, %rem3A_659, %ne3A_660 : i32
    %lt3A_662 = arith.constant 0 : i32
    %lt3A_663 = arith.cmpi slt, %rem3A_659, %lt3A_662 : i32
    %lt3A_664 = arith.constant 0 : i32
    %lt3A_665 = arith.cmpi slt, %select_n3A_658, %lt3A_664 : i32
    %ne3A_666 = arith.xori %lt3A_663, %lt3A_665 : i1
    %and3A_667 = arith.andi %ne3A_666, %ne3A_661 : i1
    %add3A_668 = arith.addi %rem3A_659, %select_n3A_658 : i32
    %select_n3A_669 = arith.select %and3A_667, %add3A_668, %rem3A_659 : i32
    %mul3A_670 = arith.constant 128 : i32
    %mul3A_671 = arith.muli %select_n3A_669, %mul3A_670 : i32
    %mul3A_672 = arith.constant 32 : i32
    %mul3A_673 = arith.muli %select_n3A_653, %mul3A_672 : i32
    %dma_wait3A_674 = tpu.memref_slice %arg4[%mul3A_671, %mul3A_673] : memref<16384x832xf32, #tpu.memory_space<hbm>> -> memref<128x32xf32, #tpu.memory_space<hbm>>
    %dma_wait3A_675 = tpu.memref_slice %arg4[%mul3A_671, %mul3A_673] : memref<16384x832xf32, #tpu.memory_space<hbm>> -> memref<128x32xf32, #tpu.memory_space<hbm>>
    tpu.wait_dma2 semaphore(%arg26 : memref<!tpu.dma_semaphore, #tpu.memory_space<semaphore_mem>>) src(%arg10 : memref<128x32xf32, #tpu.memory_space<vmem>>) dst(%dma_wait3A_675 : memref<128x32xf32, #tpu.memory_space<hbm>>)
    %add3A_676 = arith.constant 101 : i32
    %add3A_677 = arith.addi %mul3A_2, %add3A_676 : i32
    %jit3A_678 = arith.constant 128 : i32
    %div3A_679 = arith.divsi %add3A_677, %jit3A_678 : i32
    %sign3A_680 = arith.constant 0 : i32
    %sign3A_681 = arith.cmpi sgt, %add3A_677, %sign3A_680 : i32
    %sign3A_682 = arith.extui %sign3A_681 : i1 to i32
    %sign3A_683 = arith.constant 0 : i32
    %sign3A_684 = arith.cmpi slt, %add3A_677, %sign3A_683 : i32
    %sign3A_685 = arith.extui %sign3A_684 : i1 to i32
    %sign3A_686 = arith.subi %sign3A_682, %sign3A_685 : i32
    %sign3A_687 = arith.constant 0 : i32
    %sign3A_688 = arith.cmpi sgt, %jit3A_678, %sign3A_687 : i32
    %sign3A_689 = arith.extui %sign3A_688 : i1 to i32
    %sign3A_690 = arith.constant 0 : i32
    %sign3A_691 = arith.cmpi slt, %jit3A_678, %sign3A_690 : i32
    %sign3A_692 = arith.extui %sign3A_691 : i1 to i32
    %sign3A_693 = arith.subi %sign3A_689, %sign3A_692 : i32
    %ne3A_694 = arith.cmpi ne, %sign3A_686, %sign3A_693 : i32
    %rem3A_695 = arith.remsi %add3A_677, %jit3A_678 : i32
    %ne3A_696 = arith.constant 0 : i32
    %ne3A_697 = arith.cmpi ne, %rem3A_695, %ne3A_696 : i32
    %and3A_698 = arith.andi %ne3A_694, %ne3A_697 : i1
    %sub3A_699 = arith.constant 1 : i32
    %sub3A_700 = arith.subi %div3A_679, %sub3A_699 : i32
    %select_n3A_701 = arith.select %and3A_698, %sub3A_700, %div3A_679 : i32
    %jit3A_702 = arith.constant 128 : i32
    %eq3A_703 = arith.constant 0 : i32
    %eq3A_704 = arith.cmpi eq, %jit3A_702, %eq3A_703 : i32
    %jit3A_705 = arith.constant 1 : i32
    %select_n3A_706 = arith.select %eq3A_704, %jit3A_705, %jit3A_702 : i32
    %rem3A_707 = arith.remsi %add3A_677, %select_n3A_706 : i32
    %ne3A_708 = arith.constant 0 : i32
    %ne3A_709 = arith.cmpi ne, %rem3A_707, %ne3A_708 : i32
    %lt3A_710 = arith.constant 0 : i32
    %lt3A_711 = arith.cmpi slt, %rem3A_707, %lt3A_710 : i32
    %lt3A_712 = arith.constant 0 : i32
    %lt3A_713 = arith.cmpi slt, %select_n3A_706, %lt3A_712 : i32
    %ne3A_714 = arith.xori %lt3A_711, %lt3A_713 : i1
    %and3A_715 = arith.andi %ne3A_714, %ne3A_709 : i1
    %add3A_716 = arith.addi %rem3A_707, %select_n3A_706 : i32
    %select_n3A_717 = arith.select %and3A_715, %add3A_716, %rem3A_707 : i32
    %mul3A_718 = arith.constant 128 : i32
    %mul3A_719 = arith.muli %select_n3A_717, %mul3A_718 : i32
    %mul3A_720 = arith.constant 32 : i32
    %mul3A_721 = arith.muli %select_n3A_701, %mul3A_720 : i32
    %dma_wait3A_722 = tpu.memref_slice %arg4[%mul3A_719, %mul3A_721] : memref<16384x832xf32, #tpu.memory_space<hbm>> -> memref<128x32xf32, #tpu.memory_space<hbm>>
    %dma_wait3A_723 = tpu.memref_slice %arg4[%mul3A_719, %mul3A_721] : memref<16384x832xf32, #tpu.memory_space<hbm>> -> memref<128x32xf32, #tpu.memory_space<hbm>>
    tpu.wait_dma2 semaphore(%arg27 : memref<!tpu.dma_semaphore, #tpu.memory_space<semaphore_mem>>) src(%arg11 : memref<128x32xf32, #tpu.memory_space<vmem>>) dst(%dma_wait3A_723 : memref<128x32xf32, #tpu.memory_space<hbm>>)
    %add3A_724 = arith.constant 102 : i32
    %add3A_725 = arith.addi %mul3A_2, %add3A_724 : i32
    %jit3A_726 = arith.constant 128 : i32
    %div3A_727 = arith.divsi %add3A_725, %jit3A_726 : i32
    %sign3A_728 = arith.constant 0 : i32
    %sign3A_729 = arith.cmpi sgt, %add3A_725, %sign3A_728 : i32
    %sign3A_730 = arith.extui %sign3A_729 : i1 to i32
    %sign3A_731 = arith.constant 0 : i32
    %sign3A_732 = arith.cmpi slt, %add3A_725, %sign3A_731 : i32
    %sign3A_733 = arith.extui %sign3A_732 : i1 to i32
    %sign3A_734 = arith.subi %sign3A_730, %sign3A_733 : i32
    %sign3A_735 = arith.constant 0 : i32
    %sign3A_736 = arith.cmpi sgt, %jit3A_726, %sign3A_735 : i32
    %sign3A_737 = arith.extui %sign3A_736 : i1 to i32
    %sign3A_738 = arith.constant 0 : i32
    %sign3A_739 = arith.cmpi slt, %jit3A_726, %sign3A_738 : i32
    %sign3A_740 = arith.extui %sign3A_739 : i1 to i32
    %sign3A_741 = arith.subi %sign3A_737, %sign3A_740 : i32
    %ne3A_742 = arith.cmpi ne, %sign3A_734, %sign3A_741 : i32
    %rem3A_743 = arith.remsi %add3A_725, %jit3A_726 : i32
    %ne3A_744 = arith.constant 0 : i32
    %ne3A_745 = arith.cmpi ne, %rem3A_743, %ne3A_744 : i32
    %and3A_746 = arith.andi %ne3A_742, %ne3A_745 : i1
    %sub3A_747 = arith.constant 1 : i32
    %sub3A_748 = arith.subi %div3A_727, %sub3A_747 : i32
    %select_n3A_749 = arith.select %and3A_746, %sub3A_748, %div3A_727 : i32
    %jit3A_750 = arith.constant 128 : i32
    %eq3A_751 = arith.constant 0 : i32
    %eq3A_752 = arith.cmpi eq, %jit3A_750, %eq3A_751 : i32
    %jit3A_753 = arith.constant 1 : i32
    %select_n3A_754 = arith.select %eq3A_752, %jit3A_753, %jit3A_750 : i32
    %rem3A_755 = arith.remsi %add3A_725, %select_n3A_754 : i32
    %ne3A_756 = arith.constant 0 : i32
    %ne3A_757 = arith.cmpi ne, %rem3A_755, %ne3A_756 : i32
    %lt3A_758 = arith.constant 0 : i32
    %lt3A_759 = arith.cmpi slt, %rem3A_755, %lt3A_758 : i32
    %lt3A_760 = arith.constant 0 : i32
    %lt3A_761 = arith.cmpi slt, %select_n3A_754, %lt3A_760 : i32
    %ne3A_762 = arith.xori %lt3A_759, %lt3A_761 : i1
    %and3A_763 = arith.andi %ne3A_762, %ne3A_757 : i1
    %add3A_764 = arith.addi %rem3A_755, %select_n3A_754 : i32
    %select_n3A_765 = arith.select %and3A_763, %add3A_764, %rem3A_755 : i32
    %mul3A_766 = arith.constant 128 : i32
    %mul3A_767 = arith.muli %select_n3A_765, %mul3A_766 : i32
    %mul3A_768 = arith.constant 32 : i32
    %mul3A_769 = arith.muli %select_n3A_749, %mul3A_768 : i32
    %dma_wait3A_770 = tpu.memref_slice %arg4[%mul3A_767, %mul3A_769] : memref<16384x832xf32, #tpu.memory_space<hbm>> -> memref<128x32xf32, #tpu.memory_space<hbm>>
    %dma_wait3A_771 = tpu.memref_slice %arg4[%mul3A_767, %mul3A_769] : memref<16384x832xf32, #tpu.memory_space<hbm>> -> memref<128x32xf32, #tpu.memory_space<hbm>>
    tpu.wait_dma2 semaphore(%arg28 : memref<!tpu.dma_semaphore, #tpu.memory_space<semaphore_mem>>) src(%arg12 : memref<128x32xf32, #tpu.memory_space<vmem>>) dst(%dma_wait3A_771 : memref<128x32xf32, #tpu.memory_space<hbm>>)
    %add3A_772 = arith.constant 103 : i32
    %add3A_773 = arith.addi %mul3A_2, %add3A_772 : i32
    %jit3A_774 = arith.constant 128 : i32
    %div3A_775 = arith.divsi %add3A_773, %jit3A_774 : i32
    %sign3A_776 = arith.constant 0 : i32
    %sign3A_777 = arith.cmpi sgt, %add3A_773, %sign3A_776 : i32
    %sign3A_778 = arith.extui %sign3A_777 : i1 to i32
    %sign3A_779 = arith.constant 0 : i32
    %sign3A_780 = arith.cmpi slt, %add3A_773, %sign3A_779 : i32
    %sign3A_781 = arith.extui %sign3A_780 : i1 to i32
    %sign3A_782 = arith.subi %sign3A_778, %sign3A_781 : i32
    %sign3A_783 = arith.constant 0 : i32
    %sign3A_784 = arith.cmpi sgt, %jit3A_774, %sign3A_783 : i32
    %sign3A_785 = arith.extui %sign3A_784 : i1 to i32
    %sign3A_786 = arith.constant 0 : i32
    %sign3A_787 = arith.cmpi slt, %jit3A_774, %sign3A_786 : i32
    %sign3A_788 = arith.extui %sign3A_787 : i1 to i32
    %sign3A_789 = arith.subi %sign3A_785, %sign3A_788 : i32
    %ne3A_790 = arith.cmpi ne, %sign3A_782, %sign3A_789 : i32
    %rem3A_791 = arith.remsi %add3A_773, %jit3A_774 : i32
    %ne3A_792 = arith.constant 0 : i32
    %ne3A_793 = arith.cmpi ne, %rem3A_791, %ne3A_792 : i32
    %and3A_794 = arith.andi %ne3A_790, %ne3A_793 : i1
    %sub3A_795 = arith.constant 1 : i32
    %sub3A_796 = arith.subi %div3A_775, %sub3A_795 : i32
    %select_n3A_797 = arith.select %and3A_794, %sub3A_796, %div3A_775 : i32
    %jit3A_798 = arith.constant 128 : i32
    %eq3A_799 = arith.constant 0 : i32
    %eq3A_800 = arith.cmpi eq, %jit3A_798, %eq3A_799 : i32
    %jit3A_801 = arith.constant 1 : i32
    %select_n3A_802 = arith.select %eq3A_800, %jit3A_801, %jit3A_798 : i32
    %rem3A_803 = arith.remsi %add3A_773, %select_n3A_802 : i32
    %ne3A_804 = arith.constant 0 : i32
    %ne3A_805 = arith.cmpi ne, %rem3A_803, %ne3A_804 : i32
    %lt3A_806 = arith.constant 0 : i32
    %lt3A_807 = arith.cmpi slt, %rem3A_803, %lt3A_806 : i32
    %lt3A_808 = arith.constant 0 : i32
    %lt3A_809 = arith.cmpi slt, %select_n3A_802, %lt3A_808 : i32
    %ne3A_810 = arith.xori %lt3A_807, %lt3A_809 : i1
    %and3A_811 = arith.andi %ne3A_810, %ne3A_805 : i1
    %add3A_812 = arith.addi %rem3A_803, %select_n3A_802 : i32
    %select_n3A_813 = arith.select %and3A_811, %add3A_812, %rem3A_803 : i32
    %mul3A_814 = arith.constant 128 : i32
    %mul3A_815 = arith.muli %select_n3A_813, %mul3A_814 : i32
    %mul3A_816 = arith.constant 32 : i32
    %mul3A_817 = arith.muli %select_n3A_797, %mul3A_816 : i32
    %dma_wait3A_818 = tpu.memref_slice %arg4[%mul3A_815, %mul3A_817] : memref<16384x832xf32, #tpu.memory_space<hbm>> -> memref<128x32xf32, #tpu.memory_space<hbm>>
    %dma_wait3A_819 = tpu.memref_slice %arg4[%mul3A_815, %mul3A_817] : memref<16384x832xf32, #tpu.memory_space<hbm>> -> memref<128x32xf32, #tpu.memory_space<hbm>>
    tpu.wait_dma2 semaphore(%arg29 : memref<!tpu.dma_semaphore, #tpu.memory_space<semaphore_mem>>) src(%arg13 : memref<128x32xf32, #tpu.memory_space<vmem>>) dst(%dma_wait3A_819 : memref<128x32xf32, #tpu.memory_space<hbm>>)
    return
  }
}

</mosaic_0001>

<sc_bundles>
// kernel: kernel.3.cloned.1.call-start
scs
__scs_entry_jumppad:
0x0: {  	(pc) =	sbr.rel $0x88, $3  }
0x1: {  	(tag) =	ssettag $0x0;
	lr =	simm.s32 $0x1  }
0x2: {  	[smem:$0x3F9F] =	sst lr;
	_ =	strace $0xD0000000  }
0x3: {  	_ = 	snop  }
0x4: {  	_ = 	snop  }
0x5: {  	_ = 	snop  }
0x6: {  	_ = 	snop  }
0x7: {  	_ = 	snop  }
__scs_overlays_trampoline_lowered:
0x8: {  	[smem:$0x3FAE] =	sst s0  }
0x9: {  	[smem:$0x3FAF] =	sst s1  }
0xa: {  	[smem:$0x3FB0] =	sst s2  }
0xb: {  	[smem:$0x3FB1] =	sst s3  }
0xc: {  	[smem:$0x3FB2] =	sst s4  }
0xd: {  	[smem:$0x3FB3] =	sst s5  }
0xe: {  	[smem:$0x3FB4] =	sst s6  }
0xf: {  	[smem:$0x3FB5] =	sst s7  }
0x10: {  	[smem:$0x3FB6] =	sst s8  }
0x11: {  	[smem:$0x3FB7] =	sst s9;
	s0 =	simm.s32 @!p0 $0x0  }
0x12: {  	s1 =	sld [smem:$0x3F9D];
	s0 =	simm.s32 @p0 $0x1  }
0x13: {  	[smem:$0x3FB8] =	sst s0;
	s0 =	simm.s32 @!p1 $0x0  }
0x14: {  	s2 =	sld [smem:$0x3F9C];
	s0 =	simm.s32 @p1 $0x1  }
0x15: {  	[smem:$0x3FB9] =	sst s0;
	s0 =	simm.s32 @!p2 $0x0  }
0x16: {  	s3 =	sld [smem:$0x3FDB];
	s0 =	simm.s32 @p2 $0x1  }
0x17: {  	s4 =	simm.s32 $0x1BF5;
	[smem:$0x3FBB] =	sst s0  }
0x18: {  	s0 =	sld [smem:$0x3F9E];
	_ =	swait.ge [sflag:s4], $0x0  }
0x19: {  	s7 =	sld [smem:$0x3F9F]  }
0x1a: {  	s8 =	sadd.s32 $0xFFFFE003, lr  }
0x1b: {  	s9 =	sadd.s32 $0xFFFFFEF7, lr;
	s5 =	simm.s32 $0xFFFFFFFF;
	p2 =	slt.u32 s8, $0xFFFFF086  }
0x1c: {  	p1 =	slt.u32 s9, $0xF7A;
	s5 =	simm.s32 @!p2 $0x0  }
0x1d: {  	s5 =	simm.s32 @p1 $0x1;
	p0 =	seq.s32 s7, s2  }
0x1e: {  	s7 =	smul.u32 @!p0 $0xF7A, s2;
	p2 =	seq.s32 @!p0 s5, $0x0  }
0x1f: {  	s9 =	smul.u32 $0xF7A, s1;
	s8 =	simm.s32 @!p0 $0x1BF5;
	p2 =	por !p2, p0  }
0x20: {  	[sflag:s8] =	ssyncset.s32 @!p0 $0xFFFFF086;
	s6 =	sadd.s32 @!p0 s3, s7;
	s7 =	simm.s32 @!p0 $0x108  }
0x21: {  	s3 =	sadd.s32 s3, s9;
	s6 =	sadd.s32 @!p0 $0x88, s6;
	s7 =	simm.s32 @p2 $0x1082  }
0x22: {  	[simem:s7], [sflag:s8] =	dma.local @!p0 [hbm:s6], $0xF7A  }
0x23: {  	s9 =	sor.u32 $0xD0000000, s2;
	s6 =	simm.s32 $0x108;
	_ =	swait.ge @!p0 [sflag:s8], $0x0  }
0x24: {  	s3 =	sadd.s32 $0x88, s3;
	s6 =	simm.s32 @!p1 $0x1082;
	[sflag:s4] =	ssyncset.s32 $0xFFFFF086  }
0x25: {  	[simem:s6], [sflag:s4] =	dma.local [hbm:s3], $0xF7A  }
0x26: {  	[smem:$0x3F9F] =	sst s1;
	(tag) =	ssettag s2;
	_ =	strace s9  }
0x27: {  	s1 =	sld [smem:$0x3FAF]  }
0x28: {  	s2 =	sld [smem:$0x3FB0]  }
0x29: {  	s4 =	sld [smem:$0x3FB2]  }
0x2a: {  	p0 =	seq.s32 s5, $0x0;
	s5 =	sld [smem:$0x3FB3]  }
0x2b: {  	s6 =	sld [smem:$0x3FB4]  }
0x2c: {  	s7 =	sld [smem:$0x3FB5]  }
0x2d: {  	s3 =	simm.s32 $0x108;
	s8 =	sld [smem:$0x3FB6]  }
0x2e: {  	s3 =	simm.s32 @!p0 $0x1082;
	s9 =	sld [smem:$0x3FB7]  }
0x2f: {  	lr =	sadd.s32 s0, s3;
	s0 =	sld [smem:$0x3FAE]  }
0x30: {  	s3 =	sld [smem:$0x3FB1]  }
0x31: {  	[smem:$0x3FBA] =	sst s10  }
0x32: {  	s10 =	sld [smem:$0x3FB8];
	_ =	sdelay $0x3  }
0x33: {  	p0 =	seq.s32 s10, $0x1;
	s10 =	sld [smem:$0x3FBA];
	_ =	sdelay $0x3  }
0x34: {  	[smem:$0x3FBA] =	sst s10  }
0x35: {  	s10 =	sld [smem:$0x3FB9];
	_ =	sdelay $0x3  }
0x36: {  	p1 =	seq.s32 s10, $0x1;
	s10 =	sld [smem:$0x3FBA];
	_ =	sdelay $0x3  }
0x37: {  	[smem:$0x3FBA] =	sst s10  }
0x38: {  	s10 =	sld [smem:$0x3FBB]  }
0x39: {  	_ = 	snop;
	(pc) =	sbr.ind lr, $3  }
0x3a: {  	_ = 	snop  }
0x3b: {  	_ = 	snop  }
0x3c: {  	p2 =	seq.s32 s10, $0x1;
	s10 =	sld [smem:$0x3FBA]  }
0x3d: {  	_ =	shalt  }
0x3e: {  	_ =	shalt  }
0x3f: {  	_ =	shalt  }
0x40: {  	_ =	shalt  }
0x41: {  	_ =	shalt  }
0x42: {  	_ =	shalt  }
0x43: {  	_ =	shalt  }
0x44: {  	_ =	shalt  }
0x45: {  	_ =	shalt  }
0x46: {  	_ =	shalt  }
0x47: {  	_ =	shalt  }
0x48: {  	_ =	shalt  }
0x49: {  	_ =	shalt  }
0x4a: {  	_ =	shalt  }
0x4b: {  	_ =	shalt  }
0x4c: {  	_ =	shalt  }
0x4d: {  	_ =	shalt  }
0x4e: {  	_ =	shalt  }
0x4f: {  	_ =	shalt  }
0x50: {  	_ =	shalt  }
0x51: {  	_ =	shalt  }
0x52: {  	_ =	shalt  }
0x53: {  	_ =	shalt  }
0x54: {  	_ =	shalt  }
0x55: {  	_ =	shalt  }
0x56: {  	_ =	shalt  }
0x57: {  	_ =	shalt  }
0x58: {  	_ =	shalt  }
0x59: {  	_ =	shalt  }
0x5a: {  	_ =	shalt  }
0x5b: {  	_ =	shalt  }
0x5c: {  	_ =	shalt  }
0x5d: {  	_ =	shalt  }
0x5e: {  	_ =	shalt  }
0x5f: {  	_ =	shalt  }
0x60: {  	_ =	shalt  }
0x61: {  	_ =	shalt  }
0x62: {  	_ =	shalt  }
0x63: {  	_ =	shalt  }
0x64: {  	_ =	shalt  }
0x65: {  	_ =	shalt  }
0x66: {  	_ =	shalt  }
0x67: {  	_ =	shalt  }
0x68: {  	_ =	shalt  }
0x69: {  	_ =	shalt  }
0x6a: {  	_ =	shalt  }
0x6b: {  	_ =	shalt  }
0x6c: {  	_ =	shalt  }
0x6d: {  	_ =	shalt  }
0x6e: {  	_ =	shalt  }
0x6f: {  	_ =	shalt  }
0x70: {  	_ =	shalt  }
0x71: {  	_ =	shalt  }
0x72: {  	_ =	shalt  }
0x73: {  	_ =	shalt  }
0x74: {  	_ =	shalt  }
0x75: {  	_ =	shalt  }
0x76: {  	_ =	shalt  }
0x77: {  	_ =	shalt  }
0x78: {  	_ =	shalt  }
0x79: {  	_ =	shalt  }
0x7a: {  	_ =	shalt  }
0x7b: {  	_ =	shalt  }
0x7c: {  	_ =	shalt  }
0x7d: {  	_ =	shalt  }
0x7e: {  	_ =	shalt  }
0x7f: {  	_ =	shalt  }
0x80: {  	_ =	shalt  }
0x81: {  	_ =	shalt  }
0x82: {  	_ =	shalt  }
0x83: {  	_ =	shalt  }
0x84: {  	_ =	shalt  }
0x85: {  	_ =	shalt  }
0x86: {  	_ =	shalt  }
0x87: {  	_ =	shalt  }
.Lfunc_end0:
.L_simem_size_0:
called_computation.1_lowered:
.L_overlay_start_0:
0x88: {  	s2 =	sld [smem:$0x3FD9]  }
0x89: {  	s3 =	sld [smem:$0x3FFE];
	_ =	sdelay $0x1  }
0x8a: {  	s1 =	srdreg.scid  }
0x8b: {  	s0 =	sand.u32 $0x1, s1  }
0x8c: {  	s17 =	sshll.u32 s0, $0xA;
	s2 =	sadd.s32 s3, s2  }
0x8d: {  	s2 =	sadd.s32 s2, s17  }
0x8e: {  	[smem:$0x3FC6] =	sst s2  }
0x8f: {  	_ = 	snop  }
0x90: {  	s2 =	sld [smem:$0x3FD0];
	(tm) =	ssettm $0x1  }
0x91: {  	s18 =	sld [smem:$0x3FFB];
	_ =	sdelay $0x3  }
0x92: {  	_ =	strace s18  }
0x93: {  	s3 =	sld [smem:$0x3FFC];
	_ =	sdelay $0x3  }
0x94: {  	_ =	strace s3  }
0x95: {  	s3 =	sld [smem:$0x3FFD];
	_ =	sdelay $0x3  }
0x96: {  	_ =	strace s3  }
0x97: {  	_ =	strace $0x8FFFFFFF  }
0x98: {  	s19 =	sld [smem:$0x3FDB];
	_ =	sdelay $0x1  }
0x99: {  	s4 =	simm.s32 $_scs_section_size  }
0x9a: {  	s5 =	simm.s32 $_size__tile_overlayer_lowered;
	s6 =	simm.s32 $_tile_overlayer_lowered  }
0x9b: {  	s22 =	simm.s32 $0x1BFF;
	s21 =	sshll.u32 s6, $0x1;
	s3 =	sadd.s32 s4, s19  }
0x9c: {  	s7 =	simm.s32 $0x0;
	s20 =	sshll.u32 s5, $0x1;
	s5 =	sadd.s32 s21, s3  }
0x9d: {  	[timem:s7], [sflag:s22] =	dma.local [hbm:s5], s20  }
0x9e: {  	_ =	swait.ge [sflag:s22], s20  }
0x9f: {  	s4 =	ssub.s32 $0x0, s20;
	[sflag:s22] =	ssyncset.done $0x0  }
0xa0: {  	[sflag:s22] =	ssyncadd.s32 s4;
	_ =	sdelay $0x1  }
0xa1: {  	s23 =	simm.s32 $0x1B8B  }
0xa2: {  	_ =	swait.ge [sflag:s23], $0x1  }
0xa3: {  	[sflag:s23] =	ssyncset.done $0x0  }
0xa4: {  	s25 =	simm.s32 $0x1B8E;
	s24 =	sld [smem:$0x3FFE];
	[sflag:s23] =	ssyncadd.s32 $0xFFFFFFFF  }
0xa5: {  	s26 =	simm.s32 $execute0_lowered;
	[smem:$0x3FD2] =	sst s25  }
0xa6: {  	s5 =	sshll.u32 s26, $0x1;
	_ =	strace $0x80000046;
	[dreg:$0x1] =	wrdreg $0xFFFFFFFF  }
0xa7: {  	s28 =	simm.s32 $_size_execute0_lowered;
	s3 =	sadd.s32 s3, s5;
	[dreg:$0x0] =	wrdreg $0x0  }
0xa8: {  	s5 =	sshll.u32 s28, $0x1;
	[dreg:$0x2] =	wrdreg s3  }
0xa9: {  	[dreg:$0x3] =	wrdreg s5  }
0xaa: {  	[dreg:$0x4] =	wrdreg $0xC0  }
0xab: {  	_ =	task [dreg:s7], $0x5FFFF  }
0xac: {  	[dreg:$0x1] =	wrdreg $0xFFFFFFFF  }
0xad: {  	[dreg:$0x0] =	wrdreg $0x60  }
0xae: {  	[dreg:$0x2] =	wrdreg s24  }
0xaf: {  	[dreg:$0x3] =	wrdreg s2  }
0xb0: {  	[dreg:$0x4] =	wrdreg $0x9  }
0xb1: {  	_ =	task.clear_ibuf [dreg:s7], $0x5FFFF;
	_ =	strace $0x90000046  }
0xb2: {  	s29 =	simm.s32 $0x9;
	_ =	strace $0x80000048  }
0xb3: {  	_ =	swait.ge [sflag:s29], $0x1  }
0xb4: {  	[sflag:s29] =	ssyncadd.s32 $0xFFFFFFFF  }
0xb5: {  	_ =	strace $0x90000048  }
0xb6: {  	_ =	sfence  }
0xb7: {  	s30 =	sld [smem:$0x0];
	_ =	sdelay $0x2  }
0xb8: {  	s31 =	sshll.u32 s1, $0xD;
	s1 =	sshrl.u32 s1, $0x2  }
0xb9: {  	s3 =	sand.u32 $0x4000, s31;
	s1 =	sadd.s32 s1, s30  }
0xba: {  	s0 =	sor.u32 s3, s0;
	s1 =	sshll.u32 s1, $0x11  }
0xbb: {  	s0 =	sor.u32 s1, s0  }
0xbc: {  	s0 =	sadd.s32 $0x8F2B, s0  }
0xbd: {  	[sflag:s0] =	ssyncadd.remote.s32 $0x1  }
0xbe: {  	_ =	sfence.sel $0xFFFF  }
0xbf: {  	[dreg:$0x0] =	wrdreg $0xFFFFFFFF;
	(pc) =	sbr.abs _section_cstart, $3  }
0xc0: {  	[dreg:$0x1] =	wrdreg $0xFFFFFFFF  }
0xc1: {  	_ =	task.clear_ibuf [dreg:s7], $0x2FFFF;
	_ =	strace $0x9FFFFFFF  }
0xc2: {  	(tm) =	ssettm $0x7FFFFFFF  }
0xc3: {  	_ =	shalt  }
tec
execute0_lowered:
.L_overlay_start_1:
0x0: {  	(tag) =	ssettag $0x1  }
0x1: {  	s0 =	rddreg [dreg:$0x0]  }
0x2: {  	s2 =	rddreg [dreg:$0x1];
	s7 =	stileid.u32  }
0x3: {  	s1 =	srdreg.scid;
	s8 =	simm.s32 $0x0;
	s18 =	smul.u32 $0xD0, s7  }
0x4: {  	s1 =	sand.u32 $0x1, s1;
	s3 =	sshll.u32 s7, $0x1;
	s7 =	smul.u32 $0x6800, s7  }
0x5: {  	[smem:$0x7FF] =	sst s8;
	s20 =	smul.u32 $0x68, s1  }
0x6: {  	s3 =	sor.u32 s1, s3;
	s5 =	ssub.s32 $0x2, s1;
	s1 =	smul.u32 $0x3400, s1  }
0x7: {  	s4 =	sadd.s32 $0x27ACE00, s0;
	s0 =	sadd.s32 $0xA00, s0;
	s3 =	smul.u32 $0x680, s3  }
0x8: {  	_ =	strace $0x80000047;
	s6 =	sshrl.u32 s5, $0x1;
	s31 =	sadd.s32 s1, s7  }
0x9: {  	s5 =	ssub.s32 s5, s6;
	s9 =	sadd.s32 s0, s3;
	[dreg:$0x10] =	wrdreg s31  }
0xa: {  	s17 =	simm.s32 $0x7;
	s5 =	smax.u32 s5, $0x1;
	[dreg:$0x3] =	wrdreg s9  }
0xb: {  	s16 =	simm.s32 $0x2;
	s19 =	sadd.s32 $0x10, s9;
	[dreg:$0xb] =	wrdreg s5  }
0xc: {  	s6 =	simm.s32 $0x380;
	s10 =	sadd.s32 $0x20, s9;
	[dreg:$0x4] =	wrdreg s19  }
0xd: {  	s3 =	sadd.s32 s20, s18;
	s21 =	sadd.s32 $0x30, s9;
	[dreg:$0x5] =	wrdreg s10  }
0xe: {  	s20 =	simm.s32 $0x80;
	s22 =	sadd.s32 $0x40, s9;
	[dreg:$0x6] =	wrdreg s21  }
0xf: {  	s18 =	simm.s32 $0x2400;
	s23 =	sadd.s32 $0x50, s9;
	[dreg:$0x7] =	wrdreg s22  }
0x10: {  	s24 =	sadd.s32 $0x60, s9;
	s25 =	sadd.s32 $0x70, s9;
	[dreg:$0x8] =	wrdreg s23  }
0x11: {  	s26 =	sshll.u32 s3, $0x4;
	s30 =	sor.u32 $0x7, s3;
	[dreg:$0x9] =	wrdreg s24  }
0x12: {  	s3 =	simm.s32 $0x8;
	s5 =	simm.s32 $0x0;
	[dreg:$0xa] =	wrdreg s25  }
.Ltmp0:
0x13: {  	s0 =	sadd.s32 s0, s26;
	[dreg:$0xf] =	wrdreg s30;
	(pc) =	sbr.rel .LBB2_1-.Ltmp0, $4  }
0x14: {  	s21 =	simm.s32 $0x20;
	s22 =	simm.s32 $0x340;
	s28 =	sadd.s32 $0xE0, s0  }
0x15: {  	s23 =	simm.s32 $0x4400;
	s29 =	sadd.s32 $0xC0, s0;
	[dreg:$0xc] =	wrdreg s28  }
0x16: {  	s14 =	sadd.s32 $0x80, s0;
	s0 =	sadd.s32 $0xA0, s0;
	[dreg:$0xd] =	wrdreg s29  }
0x17: {  	s24 =	simm.s32 $0x5400;
	s25 =	simm.s32 $0x6400;
	[dreg:$0xe] =	wrdreg s0  }
.LBB2_4:
0x18: {  	s0 =	simm.s32 $0x9  }
0x19: {  	_ =	swait.ge [sflag:s0], $0x1000  }
0x1a: {  	[sflag:s0] =	ssyncset.done $0x0  }
0x1b: {  	s15 =	simm.s32 $0xA;
	[sflag:s0] =	ssyncadd.s32 $0xFFFFF000  }
0x1c: {  	_ =	swait.ge [sflag:s15], $0x1000  }
0x1d: {  	[sflag:s15] =	ssyncset.done $0x0  }
0x1e: {  	s19 =	simm.s32 $0xB;
	[sflag:s15] =	ssyncadd.s32 $0xFFFFF000  }
0x1f: {  	_ =	swait.ge [sflag:s19], $0x1000  }
0x20: {  	[sflag:s19] =	ssyncset.done $0x0  }
0x21: {  	s26 =	simm.s32 $0xC;
	[sflag:s19] =	ssyncadd.s32 $0xFFFFF000  }
0x22: {  	_ =	swait.ge [sflag:s26], $0x1000  }
0x23: {  	[sflag:s26] =	ssyncset.done $0x0  }
0x24: {  	s28 =	simm.s32 $0xD;
	[sflag:s26] =	ssyncadd.s32 $0xFFFFF000  }
0x25: {  	_ =	swait.ge [sflag:s28], $0x1000  }
0x26: {  	[sflag:s28] =	ssyncset.done $0x0  }
0x27: {  	s29 =	simm.s32 $0xE;
	[sflag:s28] =	ssyncadd.s32 $0xFFFFF000  }
0x28: {  	_ =	swait.ge [sflag:s29], $0x1000  }
0x29: {  	[sflag:s29] =	ssyncset.done $0x0  }
0x2a: {  	s30 =	simm.s32 $0xF;
	[sflag:s29] =	ssyncadd.s32 $0xFFFFF000  }
0x2b: {  	_ =	swait.ge [sflag:s30], $0x1000  }
0x2c: {  	[sflag:s30] =	ssyncset.done $0x0  }
0x2d: {  	s1 =	simm.s32 $0x10;
	[sflag:s30] =	ssyncadd.s32 $0xFFFFF000  }
0x2e: {  	_ =	swait.ge [sflag:s1], $0x1000  }
0x2f: {  	s5 =	rddreg [dreg:$0x11]  }
0x30: {  	s31 =	rddreg [dreg:$0xb];
	s5 =	sadd.s32 $0x1, s5  }
0x31: {  	p0 =	sne.s32 s5, s31  }
.Ltmp1:
0x32: {  	_ = 	snop;
	(pc) =	sbr.rel @!p0 .LBB2_5-.Ltmp1, $3  }
0x33: {  	_ =	sdelay $0x1  }
0x34: {  	[sflag:s1] =	ssyncset.done $0x0  }
0x35: {  	s8 =	simm.s32 $0x0;
	s6 =	simm.s32 $0x380;
	[sflag:s1] =	ssyncadd.s32 $0xFFFFF000  }
.LBB2_1:
0x36: {  	[dreg:$0x11] =	wrdreg s5  }
0x37: {  	s0 =	rddreg [dreg:$0x3]  }
0x38: {  	s7 =	rddreg [dreg:$0x4]  }
0x39: {  	s9 =	rddreg [dreg:$0x5]  }
0x3a: {  	[tilespmem:s8], [sflag:$0x11] =	stream.linear.gather [hbm4b:s0+s8], $0x80, $0x38;
	[tilespmem:$0x8400] =	vst v63  }
0x3b: {  	s10 =	rddreg [dreg:$0x6]  }
0x3c: {  	[tilespmem:s20], [sflag:$0x12] =	stream.linear.gather [hbm4b:s7+s8], $0x80, $0x38;
	[tilespmem:$0x8400] =	vst v63  }
0x3d: {  	s1 =	simm.s32 $0x100;
	s12 =	rddreg [dreg:$0x7]  }
0x3e: {  	[tilespmem:s1], [sflag:$0x13] =	stream.linear.gather [hbm4b:s9+s8], $0x80, $0x38;
	[tilespmem:$0x8400] =	vst v63  }
0x3f: {  	s11 =	simm.s32 $0x180;
	s15 =	rddreg [dreg:$0x8]  }
0x40: {  	[tilespmem:s11], [sflag:$0x14] =	stream.linear.gather [hbm4b:s10+s8], $0x80, $0x38;
	[tilespmem:$0x8400] =	vst v63  }
0x41: {  	s13 =	simm.s32 $0x200;
	s26 =	rddreg [dreg:$0x9]  }
0x42: {  	[tilespmem:s13], [sflag:$0x15] =	stream.linear.gather [hbm4b:s12+s8], $0x80, $0x38;
	[tilespmem:$0x8400] =	vst v63  }
0x43: {  	s19 =	simm.s32 $0x280;
	s30 =	rddreg [dreg:$0xa]  }
0x44: {  	[tilespmem:s19], [sflag:$0x16] =	stream.linear.gather [hbm4b:s15+s8], $0x80, $0x38;
	[tilespmem:$0x8400] =	vst v63  }
0x45: {  	s28 =	simm.s32 $0x300;
	s29 =	rddreg [dreg:$0xf]  }
0x46: {  	[tilespmem:s28], [sflag:$0x17] =	stream.linear.gather [hbm4b:s26+s8], $0x80, $0x38;
	[tilespmem:$0x8400] =	vst v63  }
0x47: {  	s31 =	simm.s32 $0x0;
	s26 =	rddreg [dreg:$0x10]  }
0x48: {  	[tilespmem:s6], [sflag:$0x18] =	stream.linear.gather [hbm4b:s30+s8], $0x80, $0x38;
	[tilespmem:$0x8400] =	vst v63  }
.LBB2_2:
0x49: {  	p0 =	seq.s32 s31, $0x0  }
0x4a: {  	s0 =	simm.s32 @!p0 $0x9  }
0x4b: {  	_ =	swait.ge @!p0 [sflag:s0], $0x1000  }
0x4c: {  	s1 =	sadd.s32 $0xFFFFFFF9, s29;
	[sflag:s0] =	ssyncset.done @!p0 $0x0  }
0x4d: {  	s30 =	sshrl.u32 s1, $0x7;
	[sflag:s0] =	ssyncadd.s32 @!p0 $0xFFFFF000;
	s0 =	simm.s32 $0x11  }
0x4e: {  	s5 =	smul.u32 $0x61A80, s30;
	_ =	swait.ge [sflag:s0], $0x80  }
0x4f: {  	[sflag:s0] =	ssyncset.done $0x0  }
0x50: {  	s10 =	simm.s32 $0x400;
	[sflag:s0] =	ssyncadd.s32 $0xFFFFFF80;
	s0 =	sadd.s32 s4, s5  }
0x51: {  	[tilespmem:s10], [sflag:$0x1] =	stream.indirect.gather [hbm4b:s0+s20], $0x20, s8, s20, $0xb8;
	[tilespmem:$0x8400] =	vst v63  }
0x52: {  	s0 =	simm.s32 @!p0 $0xA  }
0x53: {  	_ =	swait.ge @!p0 [sflag:s0], $0x1000  }
0x54: {  	s7 =	sadd.s32 $0xFFFFFFFA, s29;
	[sflag:s0] =	ssyncset.done @!p0 $0x0  }
0x55: {  	s28 =	sshrl.u32 s7, $0x7;
	s8 =	simm.s32 $0x12;
	[sflag:s0] =	ssyncadd.s32 @!p0 $0xFFFFF000  }
0x56: {  	s9 =	smul.u32 $0x61A80, s28;
	_ =	swait.ge [sflag:s8], $0x80  }
0x57: {  	[sflag:s8] =	ssyncset.done $0x0  }
0x58: {  	s12 =	simm.s32 $0x1400;
	s0 =	sadd.s32 s4, s9;
	[sflag:s8] =	ssyncadd.s32 $0xFFFFFF80  }
0x59: {  	[tilespmem:s12], [sflag:$0x2] =	stream.indirect.gather [hbm4b:s0+s20], $0x20, s20, s20, $0xb8;
	[tilespmem:$0x8400] =	vst v63  }
0x5a: {  	s0 =	simm.s32 @!p0 $0xB  }
0x5b: {  	_ =	swait.ge @!p0 [sflag:s0], $0x1000  }
0x5c: {  	s11 =	sadd.s32 $0xFFFFFFFB, s29;
	[sflag:s0] =	ssyncset.done @!p0 $0x0  }
0x5d: {  	s13 =	simm.s32 $0x13;
	s19 =	sshrl.u32 s11, $0x7;
	[sflag:s0] =	ssyncadd.s32 @!p0 $0xFFFFF000  }
0x5e: {  	s15 =	smul.u32 $0x61A80, s19;
	_ =	swait.ge [sflag:s13], $0x80  }
0x5f: {  	[sflag:s13] =	ssyncset.done $0x0  }
0x60: {  	s5 =	simm.s32 $0x100;
	s0 =	sadd.s32 s4, s15;
	[sflag:s13] =	ssyncadd.s32 $0xFFFFFF80  }
0x61: {  	[tilespmem:s18], [sflag:$0x3] =	stream.indirect.gather [hbm4b:s0+s20], $0x20, s5, s20, $0xb8;
	[tilespmem:$0x8400] =	vst v63  }
0x62: {  	s0 =	simm.s32 @!p0 $0xC  }
0x63: {  	_ =	swait.ge @!p0 [sflag:s0], $0x1000  }
0x64: {  	s7 =	sadd.s32 $0xFFFFFFFC, s29;
	[sflag:s0] =	ssyncset.done @!p0 $0x0  }
0x65: {  	s8 =	simm.s32 $0x14;
	s13 =	sshrl.u32 s7, $0x7;
	[sflag:s0] =	ssyncadd.s32 @!p0 $0xFFFFF000  }
0x66: {  	s9 =	smul.u32 $0x61A80, s13;
	_ =	swait.ge [sflag:s8], $0x80  }
0x67: {  	s11 =	simm.s32 $0x180;
	[sflag:s8] =	ssyncset.done $0x0  }
0x68: {  	s5 =	simm.s32 $0x3400;
	s0 =	sadd.s32 s4, s9;
	[sflag:s8] =	ssyncadd.s32 $0xFFFFFF80  }
0x69: {  	[tilespmem:s5], [sflag:$0x4] =	stream.indirect.gather [hbm4b:s0+s20], $0x20, s11, s20, $0xb8;
	[tilespmem:$0x8400] =	vst v63  }
0x6a: {  	s0 =	simm.s32 @!p0 $0xD  }
0x6b: {  	_ =	swait.ge @!p0 [sflag:s0], $0x1000  }
0x6c: {  	s15 =	sadd.s32 $0xFFFFFFFD, s29;
	[sflag:s0] =	ssyncset.done @!p0 $0x0  }
0x6d: {  	s7 =	simm.s32 $0x15;
	s11 =	sshrl.u32 s15, $0x7;
	[sflag:s0] =	ssyncadd.s32 @!p0 $0xFFFFF000  }
0x6e: {  	s8 =	smul.u32 $0x61A80, s11;
	_ =	swait.ge [sflag:s7], $0x80  }
0x6f: {  	[sflag:s7] =	ssyncset.done $0x0  }
0x70: {  	s9 =	simm.s32 $0x200;
	s0 =	sadd.s32 s4, s8;
	[sflag:s7] =	ssyncadd.s32 $0xFFFFFF80  }
0x71: {  	[tilespmem:s23], [sflag:$0x5] =	stream.indirect.gather [hbm4b:s0+s20], $0x20, s9, s20, $0xb8;
	[tilespmem:$0x8400] =	vst v63  }
0x72: {  	s0 =	simm.s32 @!p0 $0xE  }
0x73: {  	_ =	swait.ge @!p0 [sflag:s0], $0x1000  }
0x74: {  	s15 =	sadd.s32 $0xFFFFFFFE, s29;
	[sflag:s0] =	ssyncset.done @!p0 $0x0  }
0x75: {  	s7 =	simm.s32 $0x16;
	s9 =	sshrl.u32 s15, $0x7;
	[sflag:s0] =	ssyncadd.s32 @!p0 $0xFFFFF000  }
0x76: {  	s15 =	smul.u32 $0x61A80, s9;
	_ =	swait.ge [sflag:s7], $0x80  }
0x77: {  	[sflag:s7] =	ssyncset.done $0x0  }
0x78: {  	s0 =	sadd.s32 s4, s15;
	[sflag:s7] =	ssyncadd.s32 $0xFFFFFF80;
	s7 =	simm.s32 $0x280  }
0x79: {  	[tilespmem:s24], [sflag:$0x6] =	stream.indirect.gather [hbm4b:s0+s20], $0x20, s7, s20, $0xb8;
	[tilespmem:$0x8400] =	vst v63  }
0x7a: {  	s0 =	simm.s32 @!p0 $0xF  }
0x7b: {  	_ =	swait.ge @!p0 [sflag:s0], $0x1000  }
0x7c: {  	s15 =	sadd.s32 $0xFFFFFFFF, s29;
	[sflag:s0] =	ssyncset.done @!p0 $0x0  }
0x7d: {  	s7 =	sshrl.u32 s15, $0x7;
	[sflag:s0] =	ssyncadd.s32 @!p0 $0xFFFFF000;
	s0 =	simm.s32 $0x17  }
0x7e: {  	s15 =	smul.u32 $0x61A80, s7;
	_ =	swait.ge [sflag:s0], $0x80  }
0x7f: {  	[sflag:s0] =	ssyncset.done $0x0  }
0x80: {  	[sflag:s0] =	ssyncadd.s32 $0xFFFFFF80;
	s0 =	sadd.s32 s4, s15;
	s15 =	simm.s32 $0x300  }
0x81: {  	[tilespmem:s25], [sflag:$0x7] =	stream.indirect.gather [hbm4b:s0+s20], $0x20, s15, s20, $0xb8;
	[tilespmem:$0x8400] =	vst v63  }
0x82: {  	s0 =	simm.s32 @!p0 $0x10  }
0x83: {  	_ =	swait.ge @!p0 [sflag:s0], $0x1000  }
0x84: {  	[sflag:s0] =	ssyncset.done @!p0 $0x0  }
0x85: {  	s1 =	sshrl.u32 s29, $0x7;
	s15 =	simm.s32 $0x18;
	[sflag:s0] =	ssyncadd.s32 @!p0 $0xFFFFF000  }
0x86: {  	s0 =	smul.u32 $0x61A80, s1;
	_ =	swait.ge [sflag:s15], $0x80  }
0x87: {  	[sflag:s15] =	ssyncset.done $0x0  }
0x88: {  	s0 =	sadd.s32 s4, s0;
	[sflag:s15] =	ssyncadd.s32 $0xFFFFFF80;
	s15 =	simm.s32 $0x7400  }
0x89: {  	[tilespmem:s15], [sflag:$0x8] =	stream.indirect.gather [hbm4b:s0+s20], $0x20, s6, s20, $0xb8;
	[tilespmem:$0x8400] =	vst v63  }
0x8a: {  	s6 =	sand.u32 $0x3C00, s26  }
0x8b: {  	s0 =	smul.u32 $0x340, s6;
	s6 =	simm.s32 $0x1  }
0x8c: {  	s30 =	sshll.u32 s30, $0x5;
	_ =	swait.ge [sflag:s6], $0x1000  }
0x8d: {  	s28 =	sshll.u32 s28, $0x5;
	s0 =	sadd.s32 s30, s0;
	[sflag:s6] =	ssyncset.done $0x0  }
0x8e: {  	s0 =	sshrl.u32 s0, $0x3;
	[sflag:s6] =	ssyncadd.s32 $0xFFFFF000;
	s6 =	sadd.s32 $0x80, s26  }
0x8f: {  	p0 =	seq.s32 s31, $0x600;
	s0 =	sadd.s32 s2, s0;
	s6 =	sand.u32 $0x3C80, s6  }
0x90: {  	[hbm4b:s0+s21] =	stream.strided.scatter [tilespmem:s10], [sflag:$0x9], $0x1000, s22, s21, $0x38;
	[tilespmem:$0x8400] =	vst v63  }
0x91: {  	s30 =	simm.s32 @!p0 $0x0;
	s0 =	sadd.s32 @!p0 s31, s14;
	s6 =	smul.u32 $0x340, s6  }
0x92: {  	[tilespmem:s30], [sflag:$0x11] =	stream.linear.gather @!p0 [hbm4b:s0+s30], $0x80, $0x38;
	[tilespmem:$0x8400] =	vst v63  }
0x93: {  	s6 =	sadd.s32 s28, s6;
	_ =	swait.ge [sflag:s16], $0x1000  }
0x94: {  	s6 =	sshrl.u32 s6, $0x3;
	[sflag:s16] =	ssyncset.done $0x0  }
0x95: {  	s6 =	sadd.s32 s2, s6;
	[sflag:s16] =	ssyncadd.s32 $0xFFFFF000  }
0x96: {  	[hbm4b:s6+s21] =	stream.strided.scatter [tilespmem:s12], [sflag:$0xA], $0x1000, s22, s21, $0x38;
	[tilespmem:$0x8400] =	vst v63  }
0x97: {  	s28 =	simm.s32 @!p0 $0x80;
	s6 =	sadd.s32 @!p0 $0x10, s0;
	s12 =	sadd.s32 $0x100, s26  }
0x98: {  	[tilespmem:s28], [sflag:$0x12] =	stream.linear.gather @!p0 [hbm4b:s6+s30], $0x80, $0x38;
	[tilespmem:$0x8400] =	vst v63  }
0x99: {  	s6 =	sand.u32 $0x3D00, s12  }
0x9a: {  	s6 =	smul.u32 $0x340, s6  }
0x9b: {  	s19 =	sshll.u32 s19, $0x5;
	s28 =	simm.s32 $0x3  }
0x9c: {  	_ =	swait.ge [sflag:s28], $0x1000;
	s6 =	sadd.s32 s19, s6  }
0x9d: {  	[sflag:s28] =	ssyncset.done $0x0;
	s6 =	sshrl.u32 s6, $0x3  }
0x9e: {  	[sflag:s28] =	ssyncadd.s32 $0xFFFFF000;
	s6 =	sadd.s32 s2, s6  }
0x9f: {  	[hbm4b:s6+s21] =	stream.strided.scatter [tilespmem:s18], [sflag:$0xB], $0x1000, s22, s21, $0x38;
	[tilespmem:$0x8400] =	vst v63  }
0xa0: {  	s6 =	rddreg [dreg:$0xe]  }
0xa1: {  	s19 =	simm.s32 @!p0 $0x100;
	s6 =	sadd.s32 @!p0 s31, s6  }
0xa2: {  	[tilespmem:s19], [sflag:$0x13] =	stream.linear.gather @!p0 [hbm4b:s6+s30], $0x80, $0x38;
	[tilespmem:$0x8400] =	vst v63  }
0xa3: {  	s19 =	sadd.s32 $0x180, s26  }
0xa4: {  	s6 =	sand.u32 $0x3D80, s19  }
0xa5: {  	s6 =	smul.u32 $0x340, s6  }
0xa6: {  	s13 =	sshll.u32 s13, $0x5;
	s28 =	simm.s32 $0x4  }
0xa7: {  	_ =	swait.ge [sflag:s28], $0x1000;
	s6 =	sadd.s32 s13, s6  }
0xa8: {  	[sflag:s28] =	ssyncset.done $0x0;
	s6 =	sshrl.u32 s6, $0x3  }
0xa9: {  	[sflag:s28] =	ssyncadd.s32 $0xFFFFF000;
	s6 =	sadd.s32 s2, s6  }
0xaa: {  	[hbm4b:s6+s21] =	stream.strided.scatter [tilespmem:s5], [sflag:$0xC], $0x1000, s22, s21, $0x38;
	[tilespmem:$0x8400] =	vst v63  }
0xab: {  	s19 =	sadd.s32 $0x200, s26;
	s13 =	simm.s32 @!p0 $0x180;
	s6 =	sadd.s32 @!p0 $0x30, s0  }
0xac: {  	[tilespmem:s13], [sflag:$0x14] =	stream.linear.gather @!p0 [hbm4b:s6+s30], $0x80, $0x38;
	[tilespmem:$0x8400] =	vst v63  }
0xad: {  	s6 =	sand.u32 $0x3E00, s19  }
0xae: {  	s6 =	smul.u32 $0x340, s6  }
0xaf: {  	s11 =	sshll.u32 s11, $0x5;
	s28 =	simm.s32 $0x5  }
0xb0: {  	_ =	swait.ge [sflag:s28], $0x1000;
	s6 =	sadd.s32 s11, s6  }
0xb1: {  	[sflag:s28] =	ssyncset.done $0x0;
	s6 =	sshrl.u32 s6, $0x3  }
0xb2: {  	[sflag:s28] =	ssyncadd.s32 $0xFFFFF000;
	s6 =	sadd.s32 s2, s6  }
0xb3: {  	[hbm4b:s6+s21] =	stream.strided.scatter [tilespmem:s23], [sflag:$0xD], $0x1000, s22, s21, $0x38;
	[tilespmem:$0x8400] =	vst v63  }
0xb4: {  	s6 =	rddreg [dreg:$0xd]  }
0xb5: {  	s12 =	sadd.s32 $0x280, s26;
	s11 =	simm.s32 @!p0 $0x200;
	s6 =	sadd.s32 @!p0 s31, s6  }
0xb6: {  	[tilespmem:s11], [sflag:$0x15] =	stream.linear.gather @!p0 [hbm4b:s6+s30], $0x80, $0x38;
	[tilespmem:$0x8400] =	vst v63  }
0xb7: {  	s6 =	sand.u32 $0x3E80, s12  }
0xb8: {  	s6 =	smul.u32 $0x340, s6  }
0xb9: {  	s9 =	sshll.u32 s9, $0x5;
	s13 =	simm.s32 $0x6  }
0xba: {  	_ =	swait.ge [sflag:s13], $0x1000;
	s6 =	sadd.s32 s9, s6  }
0xbb: {  	[sflag:s13] =	ssyncset.done $0x0;
	s6 =	sshrl.u32 s6, $0x3  }
0xbc: {  	[sflag:s13] =	ssyncadd.s32 $0xFFFFF000;
	s6 =	sadd.s32 s2, s6  }
0xbd: {  	[hbm4b:s6+s21] =	stream.strided.scatter [tilespmem:s24], [sflag:$0xE], $0x1000, s22, s21, $0x38;
	[tilespmem:$0x8400] =	vst v63  }
0xbe: {  	s0 =	sadd.s32 @!p0 $0x50, s0;
	s19 =	sadd.s32 $0x300, s26;
	s6 =	simm.s32 @!p0 $0x280  }
0xbf: {  	[tilespmem:s6], [sflag:$0x16] =	stream.linear.gather @!p0 [hbm4b:s0+s30], $0x80, $0x38;
	[tilespmem:$0x8400] =	vst v63  }
0xc0: {  	s0 =	sand.u32 $0x3F00, s19  }
0xc1: {  	s0 =	smul.u32 $0x340, s0  }
0xc2: {  	s28 =	sshll.u32 s7, $0x5  }
0xc3: {  	_ =	swait.ge [sflag:s17], $0x1000;
	s0 =	sadd.s32 s28, s0  }
0xc4: {  	[sflag:s17] =	ssyncset.done $0x0;
	s0 =	sshrl.u32 s0, $0x3  }
0xc5: {  	[sflag:s17] =	ssyncadd.s32 $0xFFFFF000;
	s0 =	sadd.s32 s2, s0  }
0xc6: {  	[hbm4b:s0+s21] =	stream.strided.scatter [tilespmem:s25], [sflag:$0xF], $0x1000, s22, s21, $0x38;
	[tilespmem:$0x8400] =	vst v63  }
0xc7: {  	s0 =	rddreg [dreg:$0xc]  }
0xc8: {  	s6 =	simm.s32 @!p0 $0x300;
	s0 =	sadd.s32 @!p0 s31, s0  }
0xc9: {  	[tilespmem:s6], [sflag:$0x17] =	stream.linear.gather @!p0 [hbm4b:s0+s30], $0x80, $0x38;
	[tilespmem:$0x8400] =	vst v63  }
0xca: {  	s30 =	sadd.s32 $0x380, s26  }
0xcb: {  	s0 =	sand.u32 $0x3F80, s30  }
0xcc: {  	s0 =	smul.u32 $0x340, s0  }
.Ltmp2:
0xcd: {  	s1 =	sshll.u32 s1, $0x5;
	(pc) =	sbr.rel @p0 .LBB2_4-.Ltmp2, $4  }
0xce: {  	_ =	swait.ge [sflag:s3], $0x1000;
	s0 =	sadd.s32 s1, s0  }
0xcf: {  	s8 =	simm.s32 $0x0;
	[sflag:s3] =	ssyncset.done $0x0;
	s0 =	sshrl.u32 s0, $0x3  }
0xd0: {  	s10 =	simm.s32 $0x380;
	[sflag:s3] =	ssyncadd.s32 $0xFFFFF000;
	s0 =	sadd.s32 s2, s0  }
0xd1: {  	[hbm4b:s0+s21] =	stream.strided.scatter [tilespmem:s15], [sflag:$0x10], $0x1000, s22, s21, $0x38;
	[tilespmem:$0x8400] =	vst v63  }
.Ltmp3:
0xd2: {  	(pc) =	sbr.rel .LBB2_2-.Ltmp3, $4  }
0xd3: {  	s0 =	sadd.s32 s31, s14  }
0xd4: {  	s31 =	sadd.s32 $0x80, s31;
	s29 =	sadd.s32 $0x8, s29;
	s0 =	sadd.s32 $0x70, s0  }
0xd5: {  	[tilespmem:s10], [sflag:$0x18] =	stream.linear.gather [hbm4b:s0+s8], $0x80, $0x38;
	[tilespmem:$0x8400] =	vst v63  }
0xd6: {  	s26 =	sadd.s32 $0x400, s26;
	s6 =	simm.s32 $0x380;
	s8 =	simm.s32 $0x0  }
.LBB2_5:
0xd7: {  	_ =	sfence.sel $0x180000  }
0xd8: {  	[bflag:$0x0] =	sbarrier.arrive $0xFFFF  }
0xd9: {  	_ =	strace $0x90000047  }
0xda: {  	s0 =	stileid.u32;
	[bflag:$0x2] =	sbarrier.arrive $0xFFFF  }
0xdb: {  	p0 =	sne.s32 s0, $0x0;
	s0 =	rddreg [dreg:$0x2]  }
0xdc: {  	s0 =	sadd.s32 @!p0 $0x100000, s0  }
0xdd: {  	[sflag:s0] =	ssyncadd.tile.s32 @!p0 $0x1;
	_ =	shalt  }
.Lfunc_end2:
_tile_overlayer_lowered:
.L_overlay_start_2:
0xde: {  	(tag) =	ssettag $0x2  }
0xdf: {  	s0 =	rddreg [dreg:$0x0];
	s2 =	stileid.u32  }
0xe0: {  	s1 =	rddreg [dreg:$0x1];
	p0 =	sne.s32 s2, $0x0  }
0xe1: {  	s3 =	rddreg [dreg:$0x2];
	[bflag:$0x3] =	sbarrier.arrive $0xFFFF;
	s2 =	simm.s32 @!p0 $0x1C19  }
0xe2: {  	[timem:s3], [sflag:s2] =	dma.local @!p0 [hbm:s0], s1  }
0xe3: {  	s0 =	simm.s32 @!p0 $0x19  }
0xe4: {  	_ =	swait.ge @!p0 [sflag:s0], s1  }
0xe5: {  	s1 =	ssub.s32 @!p0 $0x0, s1;
	[sflag:s0] =	ssyncset.done @!p0 $0x0  }
0xe6: {  	[sflag:s0] =	ssyncadd.s32 @!p0 s1  }
0xe7: {  	[bflag:$0x3] =	sbarrier.arrive $0xFFFF  }
0xe8: {  	_ =	shalt  }

// kernel: sparse-core-data-format-call.cloned.1.call-start
scs
called_computation_lowered:
.L_overlay_start_0:
0x0: {  	s2 =	sld [smem:$0x3FD9]  }
0x1: {  	s3 =	sld [smem:$0x3FFE];
	_ =	sdelay $0x1  }
0x2: {  	s1 =	srdreg.scid  }
0x3: {  	s0 =	sand.u32 $0x1, s1  }
0x4: {  	s18 =	sshll.u32 s0, $0xA;
	s2 =	sadd.s32 s3, s2  }
0x5: {  	s2 =	sadd.s32 s2, s18  }
0x6: {  	[smem:$0x3FC6] =	sst s2  }
0x7: {  	_ = 	snop  }
0x8: {  	s2 =	sld [smem:$0x3FD0];
	(tm) =	ssettm $0x1  }
0x9: {  	s19 =	sld [smem:$0x3FFB];
	_ =	sdelay $0x3  }
0xa: {  	_ =	strace s19  }
0xb: {  	s3 =	sld [smem:$0x3FFC];
	_ =	sdelay $0x3  }
0xc: {  	_ =	strace s3  }
0xd: {  	s3 =	sld [smem:$0x3FFD];
	_ =	sdelay $0x3  }
0xe: {  	_ =	strace s3  }
0xf: {  	_ =	strace $0x8FFFFFFF  }
0x10: {  	s20 =	sld [smem:$0x3FDB];
	_ =	sdelay $0x1  }
0x11: {  	s4 =	simm.s32 $_scs_section_size  }
0x12: {  	s5 =	simm.s32 $_size__tile_overlayer_lowered;
	s6 =	simm.s32 $_tile_overlayer_lowered  }
0x13: {  	s23 =	simm.s32 $0x1BFF;
	s22 =	sshll.u32 s6, $0x1;
	s3 =	sadd.s32 s4, s20  }
0x14: {  	s7 =	simm.s32 $0x0;
	s21 =	sshll.u32 s5, $0x1;
	s5 =	sadd.s32 s22, s3  }
0x15: {  	[timem:s7], [sflag:s23] =	dma.local [hbm:s5], s21  }
0x16: {  	_ =	swait.ge [sflag:s23], s21  }
0x17: {  	s4 =	ssub.s32 $0x0, s21;
	[sflag:s23] =	ssyncset.done $0x0  }
0x18: {  	[sflag:s23] =	ssyncadd.s32 s4;
	_ =	sdelay $0x1  }
0x19: {  	s24 =	simm.s32 $0x1B8B  }
0x1a: {  	_ =	swait.ge [sflag:s24], $0x1  }
0x1b: {  	[sflag:s24] =	ssyncset.done $0x0  }
0x1c: {  	s26 =	simm.s32 $0x1B8E;
	s25 =	sld [smem:$0x3FFE];
	[sflag:s24] =	ssyncadd.s32 $0xFFFFFFFF  }
0x1d: {  	s27 =	simm.s32 $execute0_lowered;
	[smem:$0x3FD2] =	sst s26  }
0x1e: {  	s5 =	sshll.u32 s27, $0x1;
	_ =	strace $0x80000049;
	[dreg:$0x1] =	wrdreg $0xFFFFFFFF  }
0x1f: {  	s28 =	simm.s32 $_size_execute0_lowered;
	s3 =	sadd.s32 s3, s5;
	[dreg:$0x0] =	wrdreg $0x0  }
0x20: {  	s5 =	sshll.u32 s28, $0x1;
	[dreg:$0x2] =	wrdreg s3  }
0x21: {  	[dreg:$0x3] =	wrdreg s5  }
0x22: {  	[dreg:$0x4] =	wrdreg $0xC0  }
0x23: {  	_ =	task [dreg:s7], $0x5FFFF  }
0x24: {  	[dreg:$0x1] =	wrdreg $0xFFFFFFFF  }
0x25: {  	[dreg:$0x0] =	wrdreg $0x60  }
0x26: {  	[dreg:$0x2] =	wrdreg s25  }
0x27: {  	[dreg:$0x3] =	wrdreg s2  }
0x28: {  	[dreg:$0x4] =	wrdreg $0x9  }
0x29: {  	_ =	task.clear_ibuf [dreg:s7], $0x5FFFF;
	_ =	strace $0x90000049  }
0x2a: {  	s29 =	simm.s32 $0x9;
	_ =	strace $0x8000004B  }
0x2b: {  	_ =	swait.ge [sflag:s29], $0x1  }
0x2c: {  	[sflag:s29] =	ssyncadd.s32 $0xFFFFFFFF  }
0x2d: {  	_ =	strace $0x9000004B  }
0x2e: {  	_ =	sfence  }
0x2f: {  	s30 =	sld [smem:$0x0];
	_ =	sdelay $0x2  }
0x30: {  	s31 =	sshll.u32 s1, $0xD;
	s1 =	sshrl.u32 s1, $0x2  }
0x31: {  	s3 =	sand.u32 $0x4000, s31;
	s1 =	sadd.s32 s1, s30  }
0x32: {  	s0 =	sor.u32 s3, s0;
	s1 =	sshll.u32 s1, $0x11  }
0x33: {  	s0 =	sor.u32 s1, s0  }
0x34: {  	s0 =	sadd.s32 $0x8F2B, s0  }
0x35: {  	[sflag:s0] =	ssyncadd.remote.s32 $0x1  }
0x36: {  	_ =	sfence.sel $0xFFFF  }
0x37: {  	[dreg:$0x0] =	wrdreg $0xFFFFFFFF;
	(pc) =	sbr.abs _section_cstart, $3  }
0x38: {  	[dreg:$0x1] =	wrdreg $0xFFFFFFFF  }
0x39: {  	_ =	task.clear_ibuf [dreg:s7], $0x2FFFF;
	_ =	strace $0x9FFFFFFF  }
0x3a: {  	(tm) =	ssettm $0x7FFFFFFF  }
0x3b: {  	_ =	shalt  }
tec
execute0_lowered:
.L_overlay_start_1:
0x0: {  	(tag) =	ssettag $0x1  }
0x1: {  	s0 =	srdreg.scid  }
0x2: {  	s1 =	sshll.u32 s0, $0x4  }
0x3: {  	s6 =	rddreg [dreg:$0x0];
	s0 =	stileid.u32;
	s1 =	sand.u32 $0x10, s1  }
0x4: {  	s3 =	rddreg [dreg:$0x1];
	s1 =	sor.u32 s0, s1  }
0x5: {  	s5 =	simm.s32 $0x1;
	s31 =	simm.s32 $0x2;
	s2 =	sshll.u32 s1, $0x7  }
0x6: {  	s15 =	simm.s32 $0x0;
	s8 =	simm.s32 $0x20000;
	s4 =	ssub.s32 $0x4000, s2  }
0x7: {  	s14 =	simm.s32 $0x0;
	s9 =	simm.s32 $0x0;
	s30 =	sand.u32 $0xF80, s4  }
0x8: {  	s10 =	simm.s32 $0x0;
	s11 =	simm.s32 $0x0;
	p0 =	sne.s32 s30, $0x0  }
.Ltmp0:
0x9: {  	s7 =	sshrl.u32 s4, $0xC;
	s5 =	simm.s32 @!p0 $0x0;
	(pc) =	sbr.rel .LBB1_1-.Ltmp0, $4  }
0xa: {  	s13 =	simm.s32 $0x0;
	s1 =	rddreg [dreg:$0x2];
	s5 =	sadd.s32 s5, s7  }
0xb: {  	_ =	strace $0x8000004A;
	s4 =	simm.s32 $0x1;
	s5 =	smul.u32 $0x7, s5  }
0xc: {  	s6 =	sadd.s32 $0xA00, s6;
	s12 =	smov.u32 s2;
	[sflag:s4] =	ssyncpa.u1 $0x0  }
0xd: {  	[sflag:s31] =	ssyncpa.u1 $0x0;
	p0 =	por $0x0, $0x0;
	s7 =	sadd.s32 $0x1, s5  }
.LBB1_4:
0xe: {  	s20 =	sshra.s32 s20, $0x2  }
0xf: {  	s28 =	sand.u32 $0x78, s10;
	s21 =	sshll.u32 s9, $0xE;
	s22 =	sshll.u32 s10, $0x3  }
0x10: {  	s24 =	sshll.u32 s9, $0x7;
	p1 =	sgt.s32 s9, $0x2C0;
	s30 =	sshra.s32 s9, $0x1F  }
0x11: {  	s26 =	sshra.s32 s10, $0x1F;
	s19 =	sadd.s32 s20, s19;
	s21 =	sand.u32 $0xFFFE0000, s21  }
0x12: {  	v5 =	vld [tilespmem:s17+$0xFFFFFFD0];
	[tilespmem:s18+$0x2040 ss:$0x81] =	vst.msk $0xffff, v4;
	s23 =	sand.u32 $0xFFFFFC00, s22;
	s29 =	sand.u32 $0x380, s24;
	s22 =	sand.u32 $0x3C00, s22  }
0x13: {  	v58 =	vld [tilespmem:s17+$0xFFFFFFE0];
	[tilespmem:s18+$0x2850 ss:$0x81] =	vst.msk $0xffff, v3;
	s21 =	sadd.s32 s23, s21;
	s20 =	sor.u32 s28, s22;
	s22 =	smov.u32 s9  }
0x14: {  	v59 =	vld [tilespmem:s17+$0xFFFFFFF0];
	[tilespmem:s18+$0x3060 ss:$0x81] =	vst.msk $0xffff, v2;
	s24 =	sand.u32 s30, s9;
	s21 =	sshrl.u32 s21, $0xE;
	s22 =	simm.s32 @!p1 $0x2C0  }
0x15: {  	v60 =	vld [tilespmem:s17+$0x0];
	[tilespmem:s18+$0x0 ss:$0x81] =	vst.msk $0xffff, v1;
	p1 =	sgt.s32 s10, $0x3F80;
	s31 =	ssub.s32 s22, s24;
	s22 =	smov.u32 s10  }
0x16: {  	v61 =	vld [tilespmem:s17+$0x10];
	[tilespmem:s19+$0x3870 ss:$0x81] =	vst.msk $0xffff, v0;
	s25 =	smulhi.u32 $0x4EC4ED, s21;
	s24 =	sand.u32 s26, s10;
	s22 =	simm.s32 @!p1 $0x3F80  }
0x17: {  	v62 =	vld [tilespmem:s17+$0x20];
	s20 =	sor.u32 s29, s20;
	[tilespmem:s19+$0x810 ss:$0x81] =	vst.msk $0xffff, v5;
	s27 =	sadd.s32 $0xFFFFFD40, s31;
	s22 =	ssub.s32 s22, s24  }
0x18: {  	v63 =	vld [tilespmem:s17+$0xFFFFFFC0];
	[tilespmem:s19+$0x1020 ss:$0x81] =	vst.msk $0xffff, v58;
	s18 =	ssub.s32 $0x340, s31;
	s28 =	smul.u32 $0x340, s25;
	s29 =	sadd.s32 $0xFFFFC080, s22  }
0x19: {  	[tilespmem:s19+$0x1830 ss:$0x81] =	vst.msk $0xffff, v59;
	p1 =	sgt.s32 s27, $0x7F;
	s22 =	ssub.s32 $0x4000, s22;
	p2 =	sgt.s32 s29, $0x7F  }
0x1a: {  	s30 =	sand.u32 $0x7, s10;
	[tilespmem:s19+$0x2040 ss:$0x81] =	vst.msk $0xffff, v60;
	s18 =	simm.s32 @p1 $0x0;
	s22 =	simm.s32 @p2 $0x0  }
0x1b: {  	s20 =	sshrl.u32 s20, $0x3;
	[tilespmem:s19+$0x2850 ss:$0x81] =	vst.msk $0xffff, v61;
	s17 =	ssub.s32 s21, s28;
	s18 =	smul.u32 s22, s18  }
0x1c: {  	[tilespmem:s19+$0x3060 ss:$0x81] =	vst.msk $0xffff, v62;
	s20 =	sadd.s32 s3, s20;
	s21 =	sshll.u32 s30, $0x12;
	s17 =	sshll.u32 s17, $0xB  }
0x1d: {  	[tilespmem:s19+$0x0 ss:$0x81] =	vst.msk $0xffff, v63;
	s31 =	sor.u32 $0x400, s21;
	s17 =	sadd.s32 s17, s20;
	s18 =	sand.u32 $0x3FFFFFFF, s18  }
0x1e: {  	[hbm4b:s17+s31] =	stream.strided.scatter [tilespmem:s16], [sflag:$0x2], s18, s8, s31, $0x20;
	[tilespmem:$0x10100] =	vst v63  }
.LBB1_5:
0x1f: {  	p1 =	slt.u32 s13, $0x2  }
0x20: {  	s17 =	smov.u32 s15;
	p2 =	sgt.s32 @!p1 s15, $0x2C0;
	s16 =	sshra.s32 @!p1 s15, $0x1F  }
0x21: {  	p3 =	sgt.s32 @!p1 s14, $0x3F80;
	s18 =	sshra.s32 @!p1 s14, $0x1F;
	p2 =	por !p2, p1  }
0x22: {  	s15 =	sand.u32 @!p1 s16, s15;
	p3 =	por !p3, p1;
	s16 =	smov.u32 s14  }
0x23: {  	s14 =	sand.u32 @!p1 s18, s14;
	s17 =	simm.s32 @p2 $0x2C0;
	s16 =	simm.s32 @p3 $0x3F80  }
0x24: {  	s15 =	ssub.s32 @!p1 s17, s15;
	s14 =	ssub.s32 @!p1 s16, s14  }
0x25: {  	s18 =	smov.u32 s12;
	s16 =	sadd.s32 @!p1 $0xFFFFFD40, s15;
	s17 =	sadd.s32 @!p1 $0xFFFFC080, s14  }
0x26: {  	s15 =	ssub.s32 @!p1 $0x340, s15;
	p2 =	sgt.s32 @!p1 s16, $0x7F;
	p3 =	sgt.s32 @!p1 s17, $0x7F  }
0x27: {  	s14 =	ssub.s32 @!p1 $0x4000, s14;
	p2 =	por !p2, p1;
	p3 =	por !p3, p1  }
0x28: {  	s16 =	sadd.s32 $0x80, s11;
	s15 =	simm.s32 @!p2 $0x0;
	s14 =	simm.s32 @!p3 $0x0  }
0x29: {  	p2 =	sgt.s32 s16, $0x33F;
	s14 =	smul.u32 @!p1 s14, s15;
	s15 =	sadd.s32 $0x1000, s12  }
0x2a: {  	s18 =	smov.u32 @p2 s15  }
0x2b: {  	s16 =	simm.s32 @p2 $0x0;
	p2 =	sgt.s32 s18, $0x3FFF  }
0x2c: {  	s18 =	smov.u32 @p2 s2;
	p2 =	sne.s32 s13, s7  }
.Ltmp1:
0x2d: {  	p0 =	por !p0, !p0;
	s17 =	simm.s32 @!p1 $0x2;
	(pc) =	sbr.rel @!p2 .LBB1_6-.Ltmp1, $4  }
0x2e: {  	s15 =	smov.u32 s9;
	s9 =	smov.u32 s11;
	s14 =	sand.u32 @!p1 $0x3FFFFFFF, s14  }
0x2f: {  	s11 =	smov.u32 s16;
	_ =	swait.ge @!p1 [sflag:s17], s14;
	s19 =	ssub.s32 @!p1 $0x0, s14  }
0x30: {  	s14 =	smov.u32 s10;
	s13 =	sadd.s32 $0x1, s13;
	[sflag:s17] =	ssyncset.done @!p1 $0x0  }
0x31: {  	s10 =	smov.u32 s12;
	s12 =	smov.u32 s18;
	[sflag:s17] =	ssyncadd.s32 @!p1 s19  }
.LBB1_1:
0x32: {  	p1 =	sge.u32 s13, s5  }
0x33: {  	s16 =	sshrl.u32 @!p1 s12, $0x3  }
0x34: {  	s17 =	sshll.u32 @!p1 s11, $0x3;
	s16 =	smul.u32 @!p1 $0x1C00, s16  }
0x35: {  	s18 =	sshll.u32 @!p1 s12, $0x7;
	s17 =	sand.u32 @!p1 $0xFFFFFC00, s17  }
0x36: {  	s16 =	sadd.s32 @!p1 s16, s17;
	s17 =	sand.u32 @!p1 $0x380, s18  }
0x37: {  	s16 =	sor.u32 @!p1 s17, s16  }
0x38: {  	s17 =	sshrl.u32 @!p1 s16, $0x7  }
0x39: {  	s17 =	smulhi.u32 @!p1 $0x24924925, s17;
	_ =	sdelay $0x1  }
0x3a: {  	s18 =	sand.u32 @!p1 $0x7F, s11;
	s19 =	smul.u32 @!p1 $0x380, s17  }
0x3b: {  	s31 =	sadd.s32 $0xFFFFFFFF, s13;
	s16 =	sor.u32 @!p1 s18, s16;
	s18 =	sxor.u32 @!p1 $0xFFFFFFFF, s13  }
0x3c: {  	s18 =	sshll.u32 @!p1 s18, $0xE;
	s17 =	sand.u32 @!p1 $0x3FFF, s17;
	s16 =	ssub.s32 @!p1 s16, s19  }
0x3d: {  	s17 =	smul.u32 @!p1 $0x70, s17;
	s19 =	sshrl.u32 @!p1 s16, $0x3;
	s16 =	sand.u32 @!p1 $0x7, s16  }
0x3e: {  	s18 =	sand.u32 @!p1 $0x4000, s18;
	s19 =	sadd.s32 @!p1 s6, s19;
	s16 =	sshll.u32 @!p1 s16, $0x12  }
0x3f: {  	s17 =	sadd.s32 @!p1 s17, s19;
	s16 =	sor.u32 @!p1 $0x400, s16;
	s19 =	simm.s32 @!p1 $0x1C00  }
0x40: {  	[tilespmem:s18], [sflag:$0x1] =	stream.strided.gather @!p1 [hbm4b:s17+s16], $0x4000, s19, s16, $0x38;
	[tilespmem:$0x10100] =	vst v63  }
0x41: {  	p1 =	sge.u32 s31, s5  }
.Ltmp2:
0x42: {  	_ = 	snop;
	(pc) =	sbr.rel @p1 .LBB1_5-.Ltmp2, $1  }
0x43: {  	_ =	sdelay $0x3  }
0x44: {  	s16 =	simm.s32 $0x1  }
0x45: {  	_ =	swait.ge [sflag:s4], $0x4000;
	s16 =	simm.s32 @!p0 $0x0  }
0x46: {  	[sflag:s4] =	ssyncset.done $0x0;
	s17 =	sshll.u32 s16, $0xE  }
0x47: {  	[sflag:s4] =	ssyncadd.s32 $0xFFFFC000;
	s17 =	sor.u32 $0x40, s17  }
0x48: {  	s16 =	smul.u32 $0x10200, s16;
	v0 =	vld [tilespmem:s17+$0x30]  }
0x49: {  	v1 =	vld [tilespmem:s17+$0xFFFFFFD0]  }
0x4a: {  	s16 =	sshrl.u32 s16, $0x2;
	v5 =	vld [tilespmem:s17+$0xFFFFFFE0]  }
0x4b: {  	v6 =	vld [tilespmem:s17+$0xFFFFFFF0];
	s19 =	sor.u32 $0x8000, s16  }
0x4c: {  	s31 =	sand.u32 $0x1, s13;
	v4 =	vld [tilespmem:s17+$0x0];
	s18 =	sadd.s32 $0x0, s19  }
0x4d: {  	v3 =	vld [tilespmem:s17+$0x10];
	s16 =	smul.u32 $0x10200, s31;
	[tilespmem:s18+$0x3870 ss:$0x81] =	vst.msk $0xffff, v0  }
0x4e: {  	v2 =	vld [tilespmem:s17+$0x20];
	[tilespmem:s18+$0x810 ss:$0x81] =	vst.msk $0xffff, v1  }
0x4f: {  	s16 =	sshrl.u32 s16, $0x2;
	v1 =	vld [tilespmem:s17+$0xFFFFFFC0];
	[tilespmem:s18+$0x1020 ss:$0x81] =	vst.msk $0xffff, v5;
	s17 =	sadd.s32 $0x80, s17  }
0x50: {  	s20 =	simm.s32 $0x4;
	s21 =	simm.s32 $0x8;
	s16 =	sor.u32 $0x8000, s16;
	[tilespmem:s18+$0x1830 ss:$0x81] =	vst.msk $0xffff, v6;
	v0 =	vld [tilespmem:s17+$0x30]  }
.LBB1_3:
0x51: {  	p1 =	sne.s32 s21, $0x1FC;
	v5 =	vld [tilespmem:s17+$0xFFFFFFD0];
	[tilespmem:s18+$0x2040 ss:$0x81] =	vst.msk $0xffff, v4  }
0x52: {  	v6 =	vld [tilespmem:s17+$0xFFFFFFE0];
	[tilespmem:s18+$0x2850 ss:$0x81] =	vst.msk $0xffff, v3  }
0x53: {  	s22 =	sshra.s32 s20, $0x2;
	s20 =	smov.u32 s21;
	v7 =	vld [tilespmem:s17+$0xFFFFFFF0];
	[tilespmem:s18+$0x3060 ss:$0x81] =	vst.msk $0xffff, v2  }
.Ltmp3:
0x54: {  	v4 =	vld [tilespmem:s17+$0x0];
	[tilespmem:s18+$0x0 ss:$0x81] =	vst.msk $0xffff, v1;
	s18 =	sadd.s32 s22, s19;
	(pc) =	sbr.rel @p1 .LBB1_3-.Ltmp3, $4  }
0x55: {  	v3 =	vld [tilespmem:s17+$0x10];
	[tilespmem:s18+$0x3870 ss:$0x81] =	vst.msk $0xffff, v0  }
0x56: {  	[tilespmem:s18+$0x810 ss:$0x81] =	vst.msk $0xffff, v5;
	v2 =	vld [tilespmem:s17+$0x20]  }
0x57: {  	v1 =	vld [tilespmem:s17+$0xFFFFFFC0];
	[tilespmem:s18+$0x1020 ss:$0x81] =	vst.msk $0xffff, v6;
	s17 =	sadd.s32 $0x80, s17  }
0x58: {  	s21 =	sadd.s32 $0x4, s21;
	v0 =	vld [tilespmem:s17+$0x30];
	[tilespmem:s18+$0x1830 ss:$0x81] =	vst.msk $0xffff, v7  }
.Ltmp4:
0x59: {  	_ = 	snop;
	(pc) =	sbr.rel .LBB1_4-.Ltmp4, $1  }
0x5a: {  	_ =	sdelay $0x3  }
.LBB1_6:
0x5b: {  	_ =	sfence.sel $0x180000  }
0x5c: {  	s2 =	simm.s32 $0x1;
	[bflag:$0x0] =	sbarrier.arrive $0xFFFF  }
0x5d: {  	s31 =	simm.s32 $0x2;
	[sflag:s2] =	ssyncpa.u1 $0x1  }
0x5e: {  	[sflag:s31] =	ssyncpa.u1 $0x1  }
0x5f: {  	p0 =	sne.s32 s0, $0x0;
	_ =	strace $0x9000004A  }
0x60: {  	s0 =	sadd.s32 @!p0 $0x100000, s1;
	[bflag:$0x2] =	sbarrier.arrive $0xFFFF  }
0x61: {  	[sflag:s0] =	ssyncadd.tile.s32 @!p0 $0x1;
	_ =	shalt  }
.Lfunc_end1:
_tile_overlayer_lowered:
.L_overlay_start_2:
0x62: {  	(tag) =	ssettag $0x2  }
0x63: {  	s0 =	rddreg [dreg:$0x0];
	s2 =	stileid.u32  }
0x64: {  	s1 =	rddreg [dreg:$0x1];
	p0 =	sne.s32 s2, $0x0  }
0x65: {  	s3 =	rddreg [dreg:$0x2];
	[bflag:$0x3] =	sbarrier.arrive $0xFFFF;
	s2 =	simm.s32 @!p0 $0x1C01  }
0x66: {  	[timem:s3], [sflag:s2] =	dma.local @!p0 [hbm:s0], s1  }
0x67: {  	s0 =	simm.s32 @!p0 $0x1  }
0x68: {  	_ =	swait.ge @!p0 [sflag:s0], s1  }
0x69: {  	s1 =	ssub.s32 @!p0 $0x0, s1;
	[sflag:s0] =	ssyncset.done @!p0 $0x0  }
0x6a: {  	[sflag:s0] =	ssyncadd.s32 @!p0 s1  }
0x6b: {  	[bflag:$0x3] =	sbarrier.arrive $0xFFFF  }
0x6c: {  	_ =	shalt  }

</sc_bundles>
